<compile_context>
chip_gen: v7x
topology: tpu7x:2x2x1
jax: 0.10.2.dev20260603
libtpu: 0.0.44.dev20260713+nightly
codegen_flags: <defaults>
</compile_context>

<pallas_src>
import jax
import jax.numpy as jnp
from jax import lax
from jax.experimental import pallas as pl
from jax.experimental.pallas import tpu as pltpu
from jax.experimental.pallas import tpu_sc as plsc

N = 10000
E = 320000
DIN = 128
DH = 256
G = 64

NT = 10240
EP = 327680
TILES = 16
CH = 128
EPT = EP // TILES
NCH = EPT // CH
RPT = NT // TILES
GT = 2 * G
DP = 128

_f32 = jnp.float32

_mesh = plsc.VectorSubcoreMesh(core_axis_name="c", subcore_axis_name="s")


def _sc_edges(x_hbm, ei_hbm, table, islot0, islot1, rows0, rows1,
              gsem0, gsem1, ssem0, ssem1, row0):
  pltpu.sync_copy(ei_hbm.at[row0], islot0)
  pltpu.async_copy(x_hbm.at[islot0.at[0, 0]], rows0, gsem0)

  def body(k, carry):
    r0 = row0 + 2 * k
    @pl.when(k > 0)
    def _():
      pltpu.make_async_copy(rows1, table.at[islot1.at[1, 0]], ssem1).wait()

    pltpu.sync_copy(ei_hbm.at[r0 + 1], islot1)
    g1 = pltpu.async_copy(x_hbm.at[islot1.at[0, 0]], rows1, gsem1)
    pltpu.make_async_copy(x_hbm.at[islot0.at[0, 0]], rows0, gsem0).wait()
    s0 = pltpu.async_copy(rows0, table.at[islot0.at[1, 0]], ssem0, add=True)

    @pl.when(k + 1 < NCH // 2)
    def _():
      s0.wait()
      pltpu.sync_copy(ei_hbm.at[r0 + 2], islot0)
      pltpu.async_copy(x_hbm.at[islot0.at[0, 0]], rows0, gsem0)

    g1.wait()
    pltpu.async_copy(rows1, table.at[islot1.at[1, 0]], ssem1, add=True)
    return carry

  lax.fori_loop(0, NCH // 2, body, 0)
  pltpu.make_async_copy(rows0, table.at[islot0.at[1, 0]], ssem0).wait()
  pltpu.make_async_copy(rows1, table.at[islot1.at[1, 0]], ssem1).wait()


def _sc_conv_body(xa, xb, eia, eib, outa, outb,
                  table, islot0, islot1, rows0, rows1,
                  gsem0, gsem1, ssem0, ssem1):
  c = lax.axis_index("c")
  s = lax.axis_index("s")

  def run(x_hbm, ei_hbm, out_hbm):
    pltpu.sync_copy(x_hbm.at[pl.ds(s * RPT, RPT)],
                    table.at[pl.ds(s * RPT, RPT)])
    plsc.subcore_barrier()
    _sc_edges(x_hbm, ei_hbm, table, islot0, islot1, rows0, rows1,
              gsem0, gsem1, ssem0, ssem1, s * NCH)
    plsc.subcore_barrier()
    pltpu.sync_copy(table.at[pl.ds(s * RPT, RPT)],
                    out_hbm.at[pl.ds(s * RPT, RPT)])

  @pl.when(c == 0)
  def _():
    run(xa, eia, outa)

  @pl.when(c == 1)
  def _():
    run(xb, eib, outb)


_sc_conv = pl.kernel(
    _sc_conv_body,
    out_type=(jax.ShapeDtypeStruct((NT, DP), _f32),
              jax.ShapeDtypeStruct((NT, DP), _f32)),
    mesh=_mesh,
    scratch_types=[
        pltpu.VMEM_SHARED((NT, DP), _f32),
        pltpu.VMEM((2, 1, CH), jnp.int32),
        pltpu.VMEM((2, 1, CH), jnp.int32),
        pltpu.VMEM((CH, DP), _f32),
        pltpu.VMEM((CH, DP), _f32),
        pltpu.SemaphoreType.DMA,
        pltpu.SemaphoreType.DMA,
        pltpu.SemaphoreType.DMA,
        pltpu.SemaphoreType.DMA,
    ],
)


_RB = 1024
_HI = lax.Precision.HIGHEST


def _mlp1_body(x_ref, w1_ref, b1_ref, w2_ref, b2_ref, out_ref):
  h = jnp.dot(x_ref[...], w1_ref[...], preferred_element_type=_f32,
              precision=_HI)
  h = jnp.maximum(h + b1_ref[...], 0.0)
  out_ref[...] = jnp.dot(h, w2_ref[...], preferred_element_type=_f32,
                         precision=_HI) + b2_ref[...]


def _mlp1(x, w1, b1, w2, b2):
  rows, din = x.shape
  return pl.pallas_call(
      _mlp1_body,
      grid=(rows // _RB,),
      in_specs=[
          pl.BlockSpec((_RB, din), lambda i: (i, 0)),
          pl.BlockSpec((din, DH), lambda i: (0, 0)),
          pl.BlockSpec((1, DH), lambda i: (0, 0)),
          pl.BlockSpec((DH, DH), lambda i: (0, 0)),
          pl.BlockSpec((1, DH), lambda i: (0, 0)),
      ],
      out_specs=pl.BlockSpec((_RB, DH), lambda i: (i, 0)),
      out_shape=jax.ShapeDtypeStruct((rows, DH), _f32),
  )(x, w1, b1.reshape(1, DH), w2, b2.reshape(1, DH))


def _mlp2_pool_body(x_ref, seg_ref, w1_ref, b1_ref, w2_ref, b2_ref, out_ref):
  i = pl.program_id(0)
  h = jnp.dot(x_ref[...], w1_ref[...], preferred_element_type=_f32,
              precision=_HI)
  h = jnp.maximum(h + b1_ref[...], 0.0)
  h = jnp.dot(h, w2_ref[...], preferred_element_type=_f32,
              precision=_HI) + b2_ref[...]
  seg = seg_ref[0]
  ids = lax.broadcasted_iota(jnp.int32, (GT, _RB), 0)
  onehot = (ids == seg).astype(_f32)
  contrib = jnp.dot(onehot, h, preferred_element_type=_f32, precision=_HI)

  @pl.when(i == 0)
  def _():
    out_ref[...] = jnp.zeros_like(out_ref)

  out_ref[...] += contrib


def _mlp2_pool(x, seg3d, w1, b1, w2, b2):
  rows = x.shape[0]
  return pl.pallas_call(
      _mlp2_pool_body,
      grid=(rows // _RB,),
      in_specs=[
          pl.BlockSpec((_RB, DH), lambda i: (i, 0)),
          pl.BlockSpec((1, 1, _RB), lambda i: (i, 0, 0)),
          pl.BlockSpec((DH, DH), lambda i: (0, 0)),
          pl.BlockSpec((1, DH), lambda i: (0, 0)),
          pl.BlockSpec((DH, DH), lambda i: (0, 0)),
          pl.BlockSpec((1, DH), lambda i: (0, 0)),
      ],
      out_specs=pl.BlockSpec((GT, DH), lambda i: (0, 0)),
      out_shape=jax.ShapeDtypeStruct((GT, DH), _f32),
  )(x, seg3d, w1, b1.reshape(1, DH), w2, b2.reshape(1, DH))


def _head_body(p_ref, w1_ref, b1_ref, w2_ref, b2_ref, out_ref):
  p1 = p_ref[:G, :]
  p2 = p_ref[G:, :]
  xcat = jnp.concatenate([p1, p2], axis=1)
  h = jnp.dot(xcat, w1_ref[...], preferred_element_type=_f32, precision=_HI)
  h = jnp.maximum(h + b1_ref[...], 0.0)
  o = jnp.dot(h, w2_ref[...], preferred_element_type=_f32,
              precision=_HI) + b2_ref[...]
  out_ref[...] = 1.0 / (1.0 + jnp.exp(-o))


def _head(p, fc1_W, fc1_b, fc2_W, fc2_b):
  w2p = jnp.pad(fc2_W, ((0, 0), (0, 127)))
  b2p = jnp.pad(fc2_b.reshape(1, 1), ((0, 0), (0, 127)))
  out = pl.pallas_call(
      _head_body,
      out_shape=jax.ShapeDtypeStruct((G, 128), _f32),
  )(p, fc1_W, fc1_b.reshape(1, DH), w2p, b2p)
  return out[:, :1]


@jax.jit
def kernel(x1, edge_index1, batch1, x2, edge_index2, batch2,
           gin1_W1, gin1_b1, gin1_W2, gin1_b2,
           gin2_W1, gin2_b1, gin2_W2, gin2_b2,
           fc1_W, fc1_b, fc2_W, fc2_b):
  x1p = jnp.pad(x1, ((0, NT - N), (0, 0)))
  x2p = jnp.pad(x2, ((0, NT - N), (0, 0)))

  def _prep(ei):
    p = jnp.pad(ei, ((0, 0), (0, EP - E)), constant_values=N)
    return p.reshape(2, EP // CH, 1, CH).transpose(1, 0, 2, 3)

  e1 = _prep(edge_index1)
  e2 = _prep(edge_index2)
  seg1 = jnp.pad(batch1, (0, NT - N), constant_values=GT)
  seg2 = jnp.pad(batch2 + G, (0, NT - N), constant_values=GT)
  seg_all = jnp.concatenate([seg1, seg2]).reshape(2 * NT // _RB, 1, _RB)

  o1, o2 = _sc_conv(x1p, x2p, e1, e2)
  hx1 = _mlp1(o1, gin1_W1, gin1_b1, gin1_W2, gin1_b2)
  g1a, g1b = _sc_conv(hx1[:, :DP], hx1[:, DP:], e1, e1)
  hx2 = _mlp1(o2, gin1_W1, gin1_b1, gin1_W2, gin1_b2)
  g2a, g2b = _sc_conv(hx2[:, :DP], hx2[:, DP:], e2, e2)
  pooled1 = _mlp2_pool(jnp.concatenate([g1a, g1b], axis=1),
                       seg_all[:NT // _RB],
                       gin2_W1, gin2_b1, gin2_W2, gin2_b2)
  pooled2 = _mlp2_pool(jnp.concatenate([g2a, g2b], axis=1),
                       seg_all[NT // _RB:],
                       gin2_W1, gin2_b1, gin2_W2, gin2_b2)
  pooled = pooled1 + pooled2

  return _head(pooled, fc1_W, fc1_b, fc2_W, fc2_b)

# --- scband reference (transcript-rebuilt; emitter-appended) ---
"""Pipeline reference for scband-ginsubgraph-model-49572512530728 (READ-ONLY COPY).

The authoritative reference and input builder live on the scoring server;
editing this copy changes nothing except your own understanding.
"""

import jax, jax.numpy as jnp
import numpy as np

N = 10000
E = 320000
DIN = 128
DH = 256
G = 64


def _init_lin(key, din, dout):
    kw, kb = jax.random.split(key)
    limit = 1.0 / np.sqrt(din)
    W = jax.random.uniform(kw, (din, dout), jnp.float32, -limit, limit)
    b = jax.random.uniform(kb, (dout,), jnp.float32, -limit, limit)
    return W, b


def setup_inputs(seed: int = 0) -> dict:
    key = jax.random.key(seed)
    ks = jax.random.split(key, 12)
    x1 = jax.random.normal(ks[0], (N, DIN), dtype=jnp.float32)
    edge_index1 = jax.random.randint(ks[1], (2, E), 0, N, dtype=jnp.int32)
    batch1 = jnp.sort(jax.random.randint(ks[2], (N,), 0, G, dtype=jnp.int32))
    x2 = jax.random.normal(ks[3], (N, DIN), dtype=jnp.float32)
    edge_index2 = jax.random.randint(ks[4], (2, E), 0, N, dtype=jnp.int32)
    batch2 = jnp.sort(jax.random.randint(ks[5], (N,), 0, G, dtype=jnp.int32))
    gin1_W1, gin1_b1 = _init_lin(ks[6], DIN, DH)
    gin1_W2, gin1_b2 = _init_lin(ks[7], DH, DH)
    gin2_W1, gin2_b1 = _init_lin(ks[8], DH, DH)
    gin2_W2, gin2_b2 = _init_lin(ks[9], DH, DH)
    fc1_W, fc1_b = _init_lin(ks[10], 2 * DH, DH)
    fc2_W, fc2_b = _init_lin(ks[11], DH, 1)
    return {
        "x1": x1, "edge_index1": edge_index1, "batch1": batch1,
        "x2": x2, "edge_index2": edge_index2, "batch2": batch2,
        "gin1_W1": gin1_W1, "gin1_b1": gin1_b1, "gin1_W2": gin1_W2, "gin1_b2": gin1_b2,
        "gin2_W1": gin2_W1, "gin2_b1": gin2_b1, "gin2_W2": gin2_W2, "gin2_b2": gin2_b2,
        "fc1_W": fc1_W, "fc1_b": fc1_b, "fc2_W": fc2_W, "fc2_b": fc2_b,
    }


def _gin_conv(x, edge_index, W1, b1, W2, b2):
    # GINConv with eps=0: MLP((1+eps)*x + sum_{j in N(i)} x_j)
    src = edge_index[0]
    dst = edge_index[1]
    msg = jnp.take(x, src, axis=0)
    agg = jnp.zeros_like(x).at[dst].add(msg)
    h = x + agg
    h = jnp.maximum(jnp.dot(h, W1) + b1, 0.0)
    h = jnp.dot(h, W2) + b2
    return h


def reference(x1, edge_index1, batch1, x2, edge_index2, batch2,
              gin1_W1, gin1_b1, gin1_W2, gin1_b2,
              gin2_W1, gin2_b1, gin2_W2, gin2_b2,
              fc1_W, fc1_b, fc2_W, fc2_b):
    h1 = _gin_conv(x1, edge_index1, gin1_W1, gin1_b1, gin1_W2, gin1_b2)
    h1 = _gin_conv(h1, edge_index1, gin2_W1, gin2_b1, gin2_W2, gin2_b2)
    h2 = _gin_conv(x2, edge_index2, gin1_W1, gin1_b1, gin1_W2, gin1_b2)
    h2 = _gin_conv(h2, edge_index2, gin2_W1, gin2_b1, gin2_W2, gin2_b2)
    p1 = jax.ops.segment_sum(h1, batch1, num_segments=G)
    p2 = jax.ops.segment_sum(h2, batch2, num_segments=G)
    x = jnp.concatenate([p1, p2], axis=1)
    x = jnp.maximum(jnp.dot(x, fc1_W) + fc1_b, 0.0)
    out = jax.nn.sigmoid(jnp.dot(x, fc2_W) + fc2_b)
    return out

if __name__ == "__main__":
    import jax
    _d = setup_inputs()
    print(jax.jit(kernel)(*tuple(_d.values())))

</pallas_src>

<mosaic_0001>
#map = affine_map<(d0, d1) -> (0, 0)>
#map1 = affine_map<(d0, d1) -> (0, 0, 0, 0)>
module attributes {stable_mosaic.version = 14 : i64} {
  func.func @_sc_conv_body(%arg0: i32, %arg1: i32, %arg2: memref<10240x128xf32, #tpu.memory_space<hbm>>, %arg3: memref<10240x128xf32, #tpu.memory_space<hbm>>, %arg4: memref<2560x2x1x128xi32, #tpu.memory_space<hbm>>, %arg5: memref<2560x2x1x128xi32, #tpu.memory_space<hbm>>, %arg6: memref<10240x128xf32, #tpu.memory_space<hbm>>, %arg7: memref<10240x128xf32, #tpu.memory_space<hbm>>, %arg8: memref<10240x128xf32, #tpu.memory_space<vmem_shared>>, %arg9: memref<2x1x128xi32, #tpu.memory_space<vmem>>, %arg10: memref<2x1x128xi32, #tpu.memory_space<vmem>>, %arg11: memref<128x128xf32, #tpu.memory_space<vmem>>, %arg12: memref<128x128xf32, #tpu.memory_space<vmem>>, %arg13: memref<!tpu.dma_semaphore, #tpu.memory_space<semaphore_mem>>, %arg14: memref<!tpu.dma_semaphore, #tpu.memory_space<semaphore_mem>>, %arg15: memref<!tpu.dma_semaphore, #tpu.memory_space<semaphore_mem>>, %arg16: memref<!tpu.dma_semaphore, #tpu.memory_space<semaphore_mem>>) attributes {dimension_semantics = [#tpu.dimension_semantics<core_parallel>, #tpu.dimension_semantics<subcore_parallel>], iteration_bounds = array<i64: 2, 16>, scalar_prefetch = 0 : i64, scratch_operands = 9 : i64, tpu.core_type = #tpu.core_type<sc_vector_subcore>, window_params = [{transform_indices = #map}, {transform_indices = #map}, {transform_indices = #map1}, {transform_indices = #map1}, {transform_indices = #map}, {transform_indices = #map}]} {
    %eq3A = arith.constant 0 : i32
    %eq3A_0 = arith.cmpi eq, %arg0, %eq3A : i32
    %convert_element_type3A = arith.extui %eq3A_0 : i1 to i32
    %cond3A = arith.constant 0 : i32
    %cond3A_1 = arith.cmpi ne, %convert_element_type3A, %cond3A : i32
    scf.if %cond3A_1 {
      %mul3A = arith.constant 640 : i32
      %mul3A_7 = arith.muli %arg1, %mul3A : i32
      %mul3A_8 = arith.constant 640 : i32
      %mul3A_9 = arith.muli %arg1, %mul3A_8 : i32
      "tpu.region"() ({
        %run_scoped3A = tpu.sem_alloc : memref<!tpu.dma_semaphore, #tpu.memory_space<semaphore_mem>>
        %dma_start3A_44 = arith.constant 0 : i32
        %dma_start3A_45 = tpu.memref_slice %arg8[%mul3A_9, %dma_start3A_44] : memref<10240x128xf32, #tpu.memory_space<vmem_shared>> -> memref<640x128xf32, #tpu.memory_space<vmem_shared>>
        %dma_start3A_46 = arith.constant 0 : i32
        %dma_start3A_47 = tpu.memref_slice %arg2[%mul3A_7, %dma_start3A_46] : memref<10240x128xf32, #tpu.memory_space<hbm>> -> memref<640x128xf32, #tpu.memory_space<hbm>>
        tpu.enqueue_dma source(%dma_start3A_47 : memref<640x128xf32, #tpu.memory_space<hbm>>) target(%dma_start3A_45 : memref<640x128xf32, #tpu.memory_space<vmem_shared>>) target_semaphore(%run_scoped3A : memref<!tpu.dma_semaphore, #tpu.memory_space<semaphore_mem>>)
        %dma_wait3A_48 = arith.constant 0 : i32
        %dma_wait3A_49 = tpu.memref_slice %arg8[%mul3A_9, %dma_wait3A_48] : memref<10240x128xf32, #tpu.memory_space<vmem_shared>> -> memref<640x128xf32, #tpu.memory_space<vmem_shared>>
        %dma_wait3A_50 = arith.constant 0 : i32
        %dma_wait3A_51 = tpu.memref_slice %arg2[%mul3A_7, %dma_wait3A_50] : memref<10240x128xf32, #tpu.memory_space<hbm>> -> memref<640x128xf32, #tpu.memory_space<hbm>>
        tpu.wait_dma2 semaphore(%run_scoped3A : memref<!tpu.dma_semaphore, #tpu.memory_space<semaphore_mem>>) src(%dma_wait3A_51 : memref<640x128xf32, #tpu.memory_space<hbm>>) dst(%dma_wait3A_49 : memref<640x128xf32, #tpu.memory_space<vmem_shared>>)
        tpu.yield
      }) : () -> ()
      %barrier3A = arith.constant 0 : index
      tpu.barrier barrier_id(%barrier3A)
      %mul3A_10 = arith.constant 160 : i32
      %mul3A_11 = arith.muli %arg1, %mul3A_10 : i32
      "tpu.region"() ({
        %run_scoped3A = tpu.sem_alloc : memref<!tpu.dma_semaphore, #tpu.memory_space<semaphore_mem>>
        %dma_start3A_44 = arith.constant 0 : i32
        %dma_start3A_45 = arith.constant 0 : i32
        %dma_start3A_46 = arith.constant 0 : i32
        %dma_start3A_47 = tpu.memref_slice %arg4[%mul3A_11, %dma_start3A_44, %dma_start3A_45, %dma_start3A_46] : memref<2560x2x1x128xi32, #tpu.memory_space<hbm>> -> memref<1x2x1x128xi32, #tpu.memory_space<hbm>>
        %dma_start3A_48 = tpu.memref_squeeze %dma_start3A_47 : memref<1x2x1x128xi32, #tpu.memory_space<hbm>> -> memref<2x1x128xi32, #tpu.memory_space<hbm>>
        %dma_start3A_49 = arith.constant 0 : i32
        %dma_start3A_50 = arith.constant 0 : i32
        %dma_start3A_51 = arith.constant 0 : i32
        %dma_start3A_52 = tpu.memref_slice %arg4[%mul3A_11, %dma_start3A_49, %dma_start3A_50, %dma_start3A_51] : memref<2560x2x1x128xi32, #tpu.memory_space<hbm>> -> memref<1x2x1x128xi32, #tpu.memory_space<hbm>>
        %dma_start3A_53 = tpu.memref_squeeze %dma_start3A_52 : memref<1x2x1x128xi32, #tpu.memory_space<hbm>> -> memref<2x1x128xi32, #tpu.memory_space<hbm>>
        tpu.enqueue_dma source(%dma_start3A_53 : memref<2x1x128xi32, #tpu.memory_space<hbm>>) target(%arg9 : memref<2x1x128xi32, #tpu.memory_space<vmem>>) target_semaphore(%run_scoped3A : memref<!tpu.dma_semaphore, #tpu.memory_space<semaphore_mem>>)
        %dma_wait3A_54 = arith.constant 0 : i32
        %dma_wait3A_55 = arith.constant 0 : i32
        %dma_wait3A_56 = arith.constant 0 : i32
        %dma_wait3A_57 = tpu.memref_slice %arg4[%mul3A_11, %dma_wait3A_54, %dma_wait3A_55, %dma_wait3A_56] : memref<2560x2x1x128xi32, #tpu.memory_space<hbm>> -> memref<1x2x1x128xi32, #tpu.memory_space<hbm>>
        %dma_wait3A_58 = tpu.memref_squeeze %dma_wait3A_57 : memref<1x2x1x128xi32, #tpu.memory_space<hbm>> -> memref<2x1x128xi32, #tpu.memory_space<hbm>>
        %dma_wait3A_59 = arith.constant 0 : i32
        %dma_wait3A_60 = arith.constant 0 : i32
        %dma_wait3A_61 = arith.constant 0 : i32
        %dma_wait3A_62 = tpu.memref_slice %arg4[%mul3A_11, %dma_wait3A_59, %dma_wait3A_60, %dma_wait3A_61] : memref<2560x2x1x128xi32, #tpu.memory_space<hbm>> -> memref<1x2x1x128xi32, #tpu.memory_space<hbm>>
        %dma_wait3A_63 = tpu.memref_squeeze %dma_wait3A_62 : memref<1x2x1x128xi32, #tpu.memory_space<hbm>> -> memref<2x1x128xi32, #tpu.memory_space<hbm>>
        tpu.wait_dma2 semaphore(%run_scoped3A : memref<!tpu.dma_semaphore, #tpu.memory_space<semaphore_mem>>) src(%dma_wait3A_63 : memref<2x1x128xi32, #tpu.memory_space<hbm>>) dst(%arg9 : memref<2x1x128xi32, #tpu.memory_space<vmem>>)
        tpu.yield
      }) : () -> ()
      %dma_start3A = arith.constant 0 : i32
      %dma_start3A_12 = arith.constant 0 : i32
      %dma_start3A_13 = arith.constant 0 : i32
      %dma_start3A_14 = tpu.memref_slice %arg9[%dma_start3A, %dma_start3A_12, %dma_start3A_13] : memref<2x1x128xi32, #tpu.memory_space<vmem>> -> memref<1x1x128xi32, #tpu.memory_space<vmem>>
      %dma_start3A_15 = tpu.memref_squeeze %dma_start3A_14 : memref<1x1x128xi32, #tpu.memory_space<vmem>> -> memref<128xi32, #tpu.memory_space<vmem>>
      %dma_start3A_16 = arith.constant 0 : i32
      %dma_start3A_17 = arith.constant 0 : i32
      %dma_start3A_18 = tpu.memref_slice %arg2[%dma_start3A_16, %dma_start3A_17] : memref<10240x128xf32, #tpu.memory_space<hbm>> -> memref<10240x128xf32, #tpu.memory_space<hbm>>
      tpu.enqueue_indirect_dma source(%dma_start3A_18 : memref<10240x128xf32, #tpu.memory_space<hbm>>) target(%arg11 : memref<128x128xf32, #tpu.memory_space<vmem>>) offsets(%dma_start3A_15 : memref<128xi32, #tpu.memory_space<vmem>>) semaphore(%arg13 : memref<!tpu.dma_semaphore, #tpu.memory_space<semaphore_mem>>)
      %scan3A = arith.constant 0 : i32
      %scan3A_19 = arith.constant 0 : i32
      %scan3A_20 = arith.constant 80 : i32
      %scan3A_21 = arith.addi %scan3A_19, %scan3A_20 : i32
      %scan3A_22 = arith.constant 1 : i32
      scf.for %scan3A_44 = %scan3A_19 to %scan3A_21 step %scan3A_22  : i32 {
        %mul3A_45 = arith.constant 2 : i32
        %mul3A_46 = arith.muli %mul3A_45, %scan3A_44 : i32
        %add3A = arith.addi %mul3A_11, %mul3A_46 : i32
        %gt3A = arith.constant 0 : i32
        %gt3A_47 = arith.cmpi sgt, %scan3A_44, %gt3A : i32
        %convert_element_type3A_48 = arith.extui %gt3A_47 : i1 to i32
        %cond3A_49 = arith.constant 0 : i32
        %cond3A_50 = arith.cmpi ne, %convert_element_type3A_48, %cond3A_49 : i32
        scf.if %cond3A_50 {
          %dma_wait3A_101 = arith.constant 1 : i32
          %dma_wait3A_102 = arith.constant 0 : i32
          %dma_wait3A_103 = arith.constant 0 : i32
          %dma_wait3A_104 = tpu.memref_slice %arg10[%dma_wait3A_101, %dma_wait3A_102, %dma_wait3A_103] : memref<2x1x128xi32, #tpu.memory_space<vmem>> -> memref<1x1x128xi32, #tpu.memory_space<vmem>>
          %dma_wait3A_105 = tpu.memref_squeeze %dma_wait3A_104 : memref<1x1x128xi32, #tpu.memory_space<vmem>> -> memref<128xi32, #tpu.memory_space<vmem>>
          %dma_wait3A_106 = arith.constant 0 : i32
          %dma_wait3A_107 = arith.constant 0 : i32
          %dma_wait3A_108 = tpu.memref_slice %arg8[%dma_wait3A_106, %dma_wait3A_107] : memref<10240x128xf32, #tpu.memory_space<vmem_shared>> -> memref<10240x128xf32, #tpu.memory_space<vmem_shared>>
          tpu.wait_indirect_dma semaphore(%arg16 : memref<!tpu.dma_semaphore, #tpu.memory_space<semaphore_mem>>) src(%arg12 : memref<128x128xf32, #tpu.memory_space<vmem>>) dst(%dma_wait3A_108 : memref<10240x128xf32, #tpu.memory_space<vmem_shared>>)
        } else {
        }
        %add3A_51 = arith.constant 1 : i32
        %add3A_52 = arith.addi %add3A, %add3A_51 : i32
        "tpu.region"() ({
          %run_scoped3A = tpu.sem_alloc : memref<!tpu.dma_semaphore, #tpu.memory_space<semaphore_mem>>
          %dma_start3A_101 = arith.constant 0 : i32
          %dma_start3A_102 = arith.constant 0 : i32
          %dma_start3A_103 = arith.constant 0 : i32
          %dma_start3A_104 = tpu.memref_slice %arg4[%add3A_52, %dma_start3A_101, %dma_start3A_102, %dma_start3A_103] : memref<2560x2x1x128xi32, #tpu.memory_space<hbm>> -> memref<1x2x1x128xi32, #tpu.memory_space<hbm>>
          %dma_start3A_105 = tpu.memref_squeeze %dma_start3A_104 : memref<1x2x1x128xi32, #tpu.memory_space<hbm>> -> memref<2x1x128xi32, #tpu.memory_space<hbm>>
          %dma_start3A_106 = arith.constant 0 : i32
          %dma_start3A_107 = arith.constant 0 : i32
          %dma_start3A_108 = arith.constant 0 : i32
          %dma_start3A_109 = tpu.memref_slice %arg4[%add3A_52, %dma_start3A_106, %dma_start3A_107, %dma_start3A_108] : memref<2560x2x1x128xi32, #tpu.memory_space<hbm>> -> memref<1x2x1x128xi32, #tpu.memory_space<hbm>>
          %dma_start3A_110 = tpu.memref_squeeze %dma_start3A_109 : memref<1x2x1x128xi32, #tpu.memory_space<hbm>> -> memref<2x1x128xi32, #tpu.memory_space<hbm>>
          tpu.enqueue_dma source(%dma_start3A_110 : memref<2x1x128xi32, #tpu.memory_space<hbm>>) target(%arg10 : memref<2x1x128xi32, #tpu.memory_space<vmem>>) target_semaphore(%run_scoped3A : memref<!tpu.dma_semaphore, #tpu.memory_space<semaphore_mem>>)
          %dma_wait3A_111 = arith.constant 0 : i32
          %dma_wait3A_112 = arith.constant 0 : i32
          %dma_wait3A_113 = arith.constant 0 : i32
          %dma_wait3A_114 = tpu.memref_slice %arg4[%add3A_52, %dma_wait3A_111, %dma_wait3A_112, %dma_wait3A_113] : memref<2560x2x1x128xi32, #tpu.memory_space<hbm>> -> memref<1x2x1x128xi32, #tpu.memory_space<hbm>>
          %dma_wait3A_115 = tpu.memref_squeeze %dma_wait3A_114 : memref<1x2x1x128xi32, #tpu.memory_space<hbm>> -> memref<2x1x128xi32, #tpu.memory_space<hbm>>
          %dma_wait3A_116 = arith.constant 0 : i32
          %dma_wait3A_117 = arith.constant 0 : i32
          %dma_wait3A_118 = arith.constant 0 : i32
          %dma_wait3A_119 = tpu.memref_slice %arg4[%add3A_52, %dma_wait3A_116, %dma_wait3A_117, %dma_wait3A_118] : memref<2560x2x1x128xi32, #tpu.memory_space<hbm>> -> memref<1x2x1x128xi32, #tpu.memory_space<hbm>>
          %dma_wait3A_120 = tpu.memref_squeeze %dma_wait3A_119 : memref<1x2x1x128xi32, #tpu.memory_space<hbm>> -> memref<2x1x128xi32, #tpu.memory_space<hbm>>
          tpu.wait_dma2 semaphore(%run_scoped3A : memref<!tpu.dma_semaphore, #tpu.memory_space<semaphore_mem>>) src(%dma_wait3A_120 : memref<2x1x128xi32, #tpu.memory_space<hbm>>) dst(%arg10 : memref<2x1x128xi32, #tpu.memory_space<vmem>>)
          tpu.yield
        }) : () -> ()
        %dma_start3A_53 = arith.constant 0 : i32
        %dma_start3A_54 = arith.constant 0 : i32
        %dma_start3A_55 = arith.constant 0 : i32
        %dma_start3A_56 = tpu.memref_slice %arg10[%dma_start3A_53, %dma_start3A_54, %dma_start3A_55] : memref<2x1x128xi32, #tpu.memory_space<vmem>> -> memref<1x1x128xi32, #tpu.memory_space<vmem>>
        %dma_start3A_57 = tpu.memref_squeeze %dma_start3A_56 : memref<1x1x128xi32, #tpu.memory_space<vmem>> -> memref<128xi32, #tpu.memory_space<vmem>>
        %dma_start3A_58 = arith.constant 0 : i32
        %dma_start3A_59 = arith.constant 0 : i32
        %dma_start3A_60 = tpu.memref_slice %arg2[%dma_start3A_58, %dma_start3A_59] : memref<10240x128xf32, #tpu.memory_space<hbm>> -> memref<10240x128xf32, #tpu.memory_space<hbm>>
        tpu.enqueue_indirect_dma source(%dma_start3A_60 : memref<10240x128xf32, #tpu.memory_space<hbm>>) target(%arg12 : memref<128x128xf32, #tpu.memory_space<vmem>>) offsets(%dma_start3A_57 : memref<128xi32, #tpu.memory_space<vmem>>) semaphore(%arg14 : memref<!tpu.dma_semaphore, #tpu.memory_space<semaphore_mem>>)
        %dma_wait3A_61 = arith.constant 0 : i32
        %dma_wait3A_62 = arith.constant 0 : i32
        %dma_wait3A_63 = arith.constant 0 : i32
        %dma_wait3A_64 = tpu.memref_slice %arg9[%dma_wait3A_61, %dma_wait3A_62, %dma_wait3A_63] : memref<2x1x128xi32, #tpu.memory_space<vmem>> -> memref<1x1x128xi32, #tpu.memory_space<vmem>>
        %dma_wait3A_65 = tpu.memref_squeeze %dma_wait3A_64 : memref<1x1x128xi32, #tpu.memory_space<vmem>> -> memref<128xi32, #tpu.memory_space<vmem>>
        %dma_wait3A_66 = arith.constant 0 : i32
        %dma_wait3A_67 = arith.constant 0 : i32
        %dma_wait3A_68 = tpu.memref_slice %arg2[%dma_wait3A_66, %dma_wait3A_67] : memref<10240x128xf32, #tpu.memory_space<hbm>> -> memref<10240x128xf32, #tpu.memory_space<hbm>>
        tpu.wait_indirect_dma semaphore(%arg13 : memref<!tpu.dma_semaphore, #tpu.memory_space<semaphore_mem>>) src(%dma_wait3A_68 : memref<10240x128xf32, #tpu.memory_space<hbm>>) dst(%arg11 : memref<128x128xf32, #tpu.memory_space<vmem>>)
        %dma_start3A_69 = arith.constant 1 : i32
        %dma_start3A_70 = arith.constant 0 : i32
        %dma_start3A_71 = arith.constant 0 : i32
        %dma_start3A_72 = tpu.memref_slice %arg9[%dma_start3A_69, %dma_start3A_70, %dma_start3A_71] : memref<2x1x128xi32, #tpu.memory_space<vmem>> -> memref<1x1x128xi32, #tpu.memory_space<vmem>>
        %dma_start3A_73 = tpu.memref_squeeze %dma_start3A_72 : memref<1x1x128xi32, #tpu.memory_space<vmem>> -> memref<128xi32, #tpu.memory_space<vmem>>
        %dma_start3A_74 = arith.constant 0 : i32
        %dma_start3A_75 = arith.constant 0 : i32
        %dma_start3A_76 = tpu.memref_slice %arg8[%dma_start3A_74, %dma_start3A_75] : memref<10240x128xf32, #tpu.memory_space<vmem_shared>> -> memref<10240x128xf32, #tpu.memory_space<vmem_shared>>
        tpu.enqueue_indirect_dma source(%arg11 : memref<128x128xf32, #tpu.memory_space<vmem>>) target(%dma_start3A_76 : memref<10240x128xf32, #tpu.memory_space<vmem_shared>>) offsets(%dma_start3A_73 : memref<128xi32, #tpu.memory_space<vmem>>) semaphore(%arg15 : memref<!tpu.dma_semaphore, #tpu.memory_space<semaphore_mem>>) {add = true}
        %add3A_77 = arith.constant 1 : i32
        %add3A_78 = arith.addi %scan3A_44, %add3A_77 : i32
        %lt3A = arith.constant 80 : i32
        %lt3A_79 = arith.cmpi slt, %add3A_78, %lt3A : i32
        %convert_element_type3A_80 = arith.extui %lt3A_79 : i1 to i32
        %cond3A_81 = arith.constant 1 : i32
        %cond3A_82 = arith.constant 0 : i32
        %cond3A_83 = arith.constant 0 : i32
        %cond3A_84 = arith.cmpi ne, %convert_element_type3A_80, %cond3A_83 : i32
        scf.if %cond3A_84 {
          %dma_wait3A_101 = arith.constant 0 : i32
          %dma_wait3A_102 = tpu.memref_slice %arg9[%cond3A_81, %cond3A_82, %dma_wait3A_101] : memref<2x1x128xi32, #tpu.memory_space<vmem>> -> memref<1x1x128xi32, #tpu.memory_space<vmem>>
          %dma_wait3A_103 = tpu.memref_squeeze %dma_wait3A_102 : memref<1x1x128xi32, #tpu.memory_space<vmem>> -> memref<128xi32, #tpu.memory_space<vmem>>
          %dma_wait3A_104 = arith.constant 0 : i32
          %dma_wait3A_105 = arith.constant 0 : i32
          %dma_wait3A_106 = tpu.memref_slice %arg8[%dma_wait3A_104, %dma_wait3A_105] : memref<10240x128xf32, #tpu.memory_space<vmem_shared>> -> memref<10240x128xf32, #tpu.memory_space<vmem_shared>>
          tpu.wait_indirect_dma semaphore(%arg15 : memref<!tpu.dma_semaphore, #tpu.memory_space<semaphore_mem>>) src(%arg11 : memref<128x128xf32, #tpu.memory_space<vmem>>) dst(%dma_wait3A_106 : memref<10240x128xf32, #tpu.memory_space<vmem_shared>>)
          %add3A_107 = arith.constant 2 : i32
          %add3A_108 = arith.addi %add3A, %add3A_107 : i32
          "tpu.region"() ({
            %run_scoped3A = tpu.sem_alloc : memref<!tpu.dma_semaphore, #tpu.memory_space<semaphore_mem>>
            %dma_start3A_117 = arith.constant 0 : i32
            %dma_start3A_118 = arith.constant 0 : i32
            %dma_start3A_119 = arith.constant 0 : i32
            %dma_start3A_120 = tpu.memref_slice %arg4[%add3A_108, %dma_start3A_117, %dma_start3A_118, %dma_start3A_119] : memref<2560x2x1x128xi32, #tpu.memory_space<hbm>> -> memref<1x2x1x128xi32, #tpu.memory_space<hbm>>
            %dma_start3A_121 = tpu.memref_squeeze %dma_start3A_120 : memref<1x2x1x128xi32, #tpu.memory_space<hbm>> -> memref<2x1x128xi32, #tpu.memory_space<hbm>>
            %dma_start3A_122 = arith.constant 0 : i32
            %dma_start3A_123 = arith.constant 0 : i32
            %dma_start3A_124 = arith.constant 0 : i32
            %dma_start3A_125 = tpu.memref_slice %arg4[%add3A_108, %dma_start3A_122, %dma_start3A_123, %dma_start3A_124] : memref<2560x2x1x128xi32, #tpu.memory_space<hbm>> -> memref<1x2x1x128xi32, #tpu.memory_space<hbm>>
            %dma_start3A_126 = tpu.memref_squeeze %dma_start3A_125 : memref<1x2x1x128xi32, #tpu.memory_space<hbm>> -> memref<2x1x128xi32, #tpu.memory_space<hbm>>
            tpu.enqueue_dma source(%dma_start3A_126 : memref<2x1x128xi32, #tpu.memory_space<hbm>>) target(%arg9 : memref<2x1x128xi32, #tpu.memory_space<vmem>>) target_semaphore(%run_scoped3A : memref<!tpu.dma_semaphore, #tpu.memory_space<semaphore_mem>>)
            %dma_wait3A_127 = arith.constant 0 : i32
            %dma_wait3A_128 = arith.constant 0 : i32
            %dma_wait3A_129 = arith.constant 0 : i32
            %dma_wait3A_130 = tpu.memref_slice %arg4[%add3A_108, %dma_wait3A_127, %dma_wait3A_128, %dma_wait3A_129] : memref<2560x2x1x128xi32, #tpu.memory_space<hbm>> -> memref<1x2x1x128xi32, #tpu.memory_space<hbm>>
            %dma_wait3A_131 = tpu.memref_squeeze %dma_wait3A_130 : memref<1x2x1x128xi32, #tpu.memory_space<hbm>> -> memref<2x1x128xi32, #tpu.memory_space<hbm>>
            %dma_wait3A_132 = arith.constant 0 : i32
            %dma_wait3A_133 = arith.constant 0 : i32
            %dma_wait3A_134 = arith.constant 0 : i32
            %dma_wait3A_135 = tpu.memref_slice %arg4[%add3A_108, %dma_wait3A_132, %dma_wait3A_133, %dma_wait3A_134] : memref<2560x2x1x128xi32, #tpu.memory_space<hbm>> -> memref<1x2x1x128xi32, #tpu.memory_space<hbm>>
            %dma_wait3A_136 = tpu.memref_squeeze %dma_wait3A_135 : memref<1x2x1x128xi32, #tpu.memory_space<hbm>> -> memref<2x1x128xi32, #tpu.memory_space<hbm>>
            tpu.wait_dma2 semaphore(%run_scoped3A : memref<!tpu.dma_semaphore, #tpu.memory_space<semaphore_mem>>) src(%dma_wait3A_136 : memref<2x1x128xi32, #tpu.memory_space<hbm>>) dst(%arg9 : memref<2x1x128xi32, #tpu.memory_space<vmem>>)
            tpu.yield
          }) : () -> ()
          %dma_start3A_109 = arith.constant 0 : i32
          %dma_start3A_110 = arith.constant 0 : i32
          %dma_start3A_111 = arith.constant 0 : i32
          %dma_start3A_112 = tpu.memref_slice %arg9[%dma_start3A_109, %dma_start3A_110, %dma_start3A_111] : memref<2x1x128xi32, #tpu.memory_space<vmem>> -> memref<1x1x128xi32, #tpu.memory_space<vmem>>
          %dma_start3A_113 = tpu.memref_squeeze %dma_start3A_112 : memref<1x1x128xi32, #tpu.memory_space<vmem>> -> memref<128xi32, #tpu.memory_space<vmem>>
          %dma_start3A_114 = arith.constant 0 : i32
          %dma_start3A_115 = arith.constant 0 : i32
          %dma_start3A_116 = tpu.memref_slice %arg2[%dma_start3A_114, %dma_start3A_115] : memref<10240x128xf32, #tpu.memory_space<hbm>> -> memref<10240x128xf32, #tpu.memory_space<hbm>>
          tpu.enqueue_indirect_dma source(%dma_start3A_116 : memref<10240x128xf32, #tpu.memory_space<hbm>>) target(%arg11 : memref<128x128xf32, #tpu.memory_space<vmem>>) offsets(%dma_start3A_113 : memref<128xi32, #tpu.memory_space<vmem>>) semaphore(%arg13 : memref<!tpu.dma_semaphore, #tpu.memory_space<semaphore_mem>>)
        } else {
        }
        %dma_wait3A_85 = arith.constant 0 : i32
        %dma_wait3A_86 = arith.constant 0 : i32
        %dma_wait3A_87 = arith.constant 0 : i32
        %dma_wait3A_88 = tpu.memref_slice %arg10[%dma_wait3A_85, %dma_wait3A_86, %dma_wait3A_87] : memref<2x1x128xi32, #tpu.memory_space<vmem>> -> memref<1x1x128xi32, #tpu.memory_space<vmem>>
        %dma_wait3A_89 = tpu.memref_squeeze %dma_wait3A_88 : memref<1x1x128xi32, #tpu.memory_space<vmem>> -> memref<128xi32, #tpu.memory_space<vmem>>
        %dma_wait3A_90 = arith.constant 0 : i32
        %dma_wait3A_91 = arith.constant 0 : i32
        %dma_wait3A_92 = tpu.memref_slice %arg2[%dma_wait3A_90, %dma_wait3A_91] : memref<10240x128xf32, #tpu.memory_space<hbm>> -> memref<10240x128xf32, #tpu.memory_space<hbm>>
        tpu.wait_indirect_dma semaphore(%arg14 : memref<!tpu.dma_semaphore, #tpu.memory_space<semaphore_mem>>) src(%dma_wait3A_92 : memref<10240x128xf32, #tpu.memory_space<hbm>>) dst(%arg12 : memref<128x128xf32, #tpu.memory_space<vmem>>)
        %dma_start3A_93 = arith.constant 1 : i32
        %dma_start3A_94 = arith.constant 0 : i32
        %dma_start3A_95 = arith.constant 0 : i32
        %dma_start3A_96 = tpu.memref_slice %arg10[%dma_start3A_93, %dma_start3A_94, %dma_start3A_95] : memref<2x1x128xi32, #tpu.memory_space<vmem>> -> memref<1x1x128xi32, #tpu.memory_space<vmem>>
        %dma_start3A_97 = tpu.memref_squeeze %dma_start3A_96 : memref<1x1x128xi32, #tpu.memory_space<vmem>> -> memref<128xi32, #tpu.memory_space<vmem>>
        %dma_start3A_98 = arith.constant 0 : i32
        %dma_start3A_99 = arith.constant 0 : i32
        %dma_start3A_100 = tpu.memref_slice %arg8[%dma_start3A_98, %dma_start3A_99] : memref<10240x128xf32, #tpu.memory_space<vmem_shared>> -> memref<10240x128xf32, #tpu.memory_space<vmem_shared>>
        tpu.enqueue_indirect_dma source(%arg12 : memref<128x128xf32, #tpu.memory_space<vmem>>) target(%dma_start3A_100 : memref<10240x128xf32, #tpu.memory_space<vmem_shared>>) offsets(%dma_start3A_97 : memref<128xi32, #tpu.memory_space<vmem>>) semaphore(%arg16 : memref<!tpu.dma_semaphore, #tpu.memory_space<semaphore_mem>>) {add = true}
      }
      %scan3A_23 = arith.constant 80 : i32
      %dma_wait3A = arith.constant 1 : i32
      %dma_wait3A_24 = arith.constant 0 : i32
      %dma_wait3A_25 = arith.constant 0 : i32
      %dma_wait3A_26 = tpu.memref_slice %arg9[%dma_wait3A, %dma_wait3A_24, %dma_wait3A_25] : memref<2x1x128xi32, #tpu.memory_space<vmem>> -> memref<1x1x128xi32, #tpu.memory_space<vmem>>
      %dma_wait3A_27 = tpu.memref_squeeze %dma_wait3A_26 : memref<1x1x128xi32, #tpu.memory_space<vmem>> -> memref<128xi32, #tpu.memory_space<vmem>>
      %dma_wait3A_28 = arith.constant 0 : i32
      %dma_wait3A_29 = arith.constant 0 : i32
      %dma_wait3A_30 = tpu.memref_slice %arg8[%dma_wait3A_28, %dma_wait3A_29] : memref<10240x128xf32, #tpu.memory_space<vmem_shared>> -> memref<10240x128xf32, #tpu.memory_space<vmem_shared>>
      tpu.wait_indirect_dma semaphore(%arg15 : memref<!tpu.dma_semaphore, #tpu.memory_space<semaphore_mem>>) src(%arg11 : memref<128x128xf32, #tpu.memory_space<vmem>>) dst(%dma_wait3A_30 : memref<10240x128xf32, #tpu.memory_space<vmem_shared>>)
      %dma_wait3A_31 = arith.constant 1 : i32
      %dma_wait3A_32 = arith.constant 0 : i32
      %dma_wait3A_33 = arith.constant 0 : i32
      %dma_wait3A_34 = tpu.memref_slice %arg10[%dma_wait3A_31, %dma_wait3A_32, %dma_wait3A_33] : memref<2x1x128xi32, #tpu.memory_space<vmem>> -> memref<1x1x128xi32, #tpu.memory_space<vmem>>
      %dma_wait3A_35 = tpu.memref_squeeze %dma_wait3A_34 : memref<1x1x128xi32, #tpu.memory_space<vmem>> -> memref<128xi32, #tpu.memory_space<vmem>>
      %dma_wait3A_36 = arith.constant 0 : i32
      %dma_wait3A_37 = arith.constant 0 : i32
      %dma_wait3A_38 = tpu.memref_slice %arg8[%dma_wait3A_36, %dma_wait3A_37] : memref<10240x128xf32, #tpu.memory_space<vmem_shared>> -> memref<10240x128xf32, #tpu.memory_space<vmem_shared>>
      tpu.wait_indirect_dma semaphore(%arg16 : memref<!tpu.dma_semaphore, #tpu.memory_space<semaphore_mem>>) src(%arg12 : memref<128x128xf32, #tpu.memory_space<vmem>>) dst(%dma_wait3A_38 : memref<10240x128xf32, #tpu.memory_space<vmem_shared>>)
      %barrier3A_39 = arith.constant 0 : index
      tpu.barrier barrier_id(%barrier3A_39)
      %mul3A_40 = arith.constant 640 : i32
      %mul3A_41 = arith.muli %arg1, %mul3A_40 : i32
      %mul3A_42 = arith.constant 640 : i32
      %mul3A_43 = arith.muli %arg1, %mul3A_42 : i32
      "tpu.region"() ({
        %run_scoped3A = tpu.sem_alloc : memref<!tpu.dma_semaphore, #tpu.memory_space<semaphore_mem>>
        %dma_start3A_44 = arith.constant 0 : i32
        %dma_start3A_45 = tpu.memref_slice %arg6[%mul3A_43, %dma_start3A_44] : memref<10240x128xf32, #tpu.memory_space<hbm>> -> memref<640x128xf32, #tpu.memory_space<hbm>>
        %dma_start3A_46 = arith.constant 0 : i32
        %dma_start3A_47 = tpu.memref_slice %arg8[%mul3A_41, %dma_start3A_46] : memref<10240x128xf32, #tpu.memory_space<vmem_shared>> -> memref<640x128xf32, #tpu.memory_space<vmem_shared>>
        tpu.enqueue_dma source(%dma_start3A_47 : memref<640x128xf32, #tpu.memory_space<vmem_shared>>) target(%dma_start3A_45 : memref<640x128xf32, #tpu.memory_space<hbm>>) target_semaphore(%run_scoped3A : memref<!tpu.dma_semaphore, #tpu.memory_space<semaphore_mem>>)
        %dma_wait3A_48 = arith.constant 0 : i32
        %dma_wait3A_49 = tpu.memref_slice %arg6[%mul3A_43, %dma_wait3A_48] : memref<10240x128xf32, #tpu.memory_space<hbm>> -> memref<640x128xf32, #tpu.memory_space<hbm>>
        %dma_wait3A_50 = arith.constant 0 : i32
        %dma_wait3A_51 = tpu.memref_slice %arg8[%mul3A_41, %dma_wait3A_50] : memref<10240x128xf32, #tpu.memory_space<vmem_shared>> -> memref<640x128xf32, #tpu.memory_space<vmem_shared>>
        tpu.wait_dma2 semaphore(%run_scoped3A : memref<!tpu.dma_semaphore, #tpu.memory_space<semaphore_mem>>) src(%dma_wait3A_51 : memref<640x128xf32, #tpu.memory_space<vmem_shared>>) dst(%dma_wait3A_49 : memref<640x128xf32, #tpu.memory_space<hbm>>)
        tpu.yield
      }) : () -> ()
    } else {
    }
    %eq3A_2 = arith.constant 1 : i32
    %eq3A_3 = arith.cmpi eq, %arg0, %eq3A_2 : i32
    %convert_element_type3A_4 = arith.extui %eq3A_3 : i1 to i32
    %cond3A_5 = arith.constant 0 : i32
    %cond3A_6 = arith.cmpi ne, %convert_element_type3A_4, %cond3A_5 : i32
    scf.if %cond3A_6 {
      %mul3A = arith.constant 640 : i32
      %mul3A_7 = arith.muli %arg1, %mul3A : i32
      %mul3A_8 = arith.constant 640 : i32
      %mul3A_9 = arith.muli %arg1, %mul3A_8 : i32
      "tpu.region"() ({
        %run_scoped3A = tpu.sem_alloc : memref<!tpu.dma_semaphore, #tpu.memory_space<semaphore_mem>>
        %dma_start3A_44 = arith.constant 0 : i32
        %dma_start3A_45 = tpu.memref_slice %arg8[%mul3A_9, %dma_start3A_44] : memref<10240x128xf32, #tpu.memory_space<vmem_shared>> -> memref<640x128xf32, #tpu.memory_space<vmem_shared>>
        %dma_start3A_46 = arith.constant 0 : i32
        %dma_start3A_47 = tpu.memref_slice %arg3[%mul3A_7, %dma_start3A_46] : memref<10240x128xf32, #tpu.memory_space<hbm>> -> memref<640x128xf32, #tpu.memory_space<hbm>>
        tpu.enqueue_dma source(%dma_start3A_47 : memref<640x128xf32, #tpu.memory_space<hbm>>) target(%dma_start3A_45 : memref<640x128xf32, #tpu.memory_space<vmem_shared>>) target_semaphore(%run_scoped3A : memref<!tpu.dma_semaphore, #tpu.memory_space<semaphore_mem>>)
        %dma_wait3A_48 = arith.constant 0 : i32
        %dma_wait3A_49 = tpu.memref_slice %arg8[%mul3A_9, %dma_wait3A_48] : memref<10240x128xf32, #tpu.memory_space<vmem_shared>> -> memref<640x128xf32, #tpu.memory_space<vmem_shared>>
        %dma_wait3A_50 = arith.constant 0 : i32
        %dma_wait3A_51 = tpu.memref_slice %arg3[%mul3A_7, %dma_wait3A_50] : memref<10240x128xf32, #tpu.memory_space<hbm>> -> memref<640x128xf32, #tpu.memory_space<hbm>>
        tpu.wait_dma2 semaphore(%run_scoped3A : memref<!tpu.dma_semaphore, #tpu.memory_space<semaphore_mem>>) src(%dma_wait3A_51 : memref<640x128xf32, #tpu.memory_space<hbm>>) dst(%dma_wait3A_49 : memref<640x128xf32, #tpu.memory_space<vmem_shared>>)
        tpu.yield
      }) : () -> ()
      %barrier3A = arith.constant 0 : index
      tpu.barrier barrier_id(%barrier3A)
      %mul3A_10 = arith.constant 160 : i32
      %mul3A_11 = arith.muli %arg1, %mul3A_10 : i32
      "tpu.region"() ({
        %run_scoped3A = tpu.sem_alloc : memref<!tpu.dma_semaphore, #tpu.memory_space<semaphore_mem>>
        %dma_start3A_44 = arith.constant 0 : i32
        %dma_start3A_45 = arith.constant 0 : i32
        %dma_start3A_46 = arith.constant 0 : i32
        %dma_start3A_47 = tpu.memref_slice %arg5[%mul3A_11, %dma_start3A_44, %dma_start3A_45, %dma_start3A_46] : memref<2560x2x1x128xi32, #tpu.memory_space<hbm>> -> memref<1x2x1x128xi32, #tpu.memory_space<hbm>>
        %dma_start3A_48 = tpu.memref_squeeze %dma_start3A_47 : memref<1x2x1x128xi32, #tpu.memory_space<hbm>> -> memref<2x1x128xi32, #tpu.memory_space<hbm>>
        %dma_start3A_49 = arith.constant 0 : i32
        %dma_start3A_50 = arith.constant 0 : i32
        %dma_start3A_51 = arith.constant 0 : i32
        %dma_start3A_52 = tpu.memref_slice %arg5[%mul3A_11, %dma_start3A_49, %dma_start3A_50, %dma_start3A_51] : memref<2560x2x1x128xi32, #tpu.memory_space<hbm>> -> memref<1x2x1x128xi32, #tpu.memory_space<hbm>>
        %dma_start3A_53 = tpu.memref_squeeze %dma_start3A_52 : memref<1x2x1x128xi32, #tpu.memory_space<hbm>> -> memref<2x1x128xi32, #tpu.memory_space<hbm>>
        tpu.enqueue_dma source(%dma_start3A_53 : memref<2x1x128xi32, #tpu.memory_space<hbm>>) target(%arg9 : memref<2x1x128xi32, #tpu.memory_space<vmem>>) target_semaphore(%run_scoped3A : memref<!tpu.dma_semaphore, #tpu.memory_space<semaphore_mem>>)
        %dma_wait3A_54 = arith.constant 0 : i32
        %dma_wait3A_55 = arith.constant 0 : i32
        %dma_wait3A_56 = arith.constant 0 : i32
        %dma_wait3A_57 = tpu.memref_slice %arg5[%mul3A_11, %dma_wait3A_54, %dma_wait3A_55, %dma_wait3A_56] : memref<2560x2x1x128xi32, #tpu.memory_space<hbm>> -> memref<1x2x1x128xi32, #tpu.memory_space<hbm>>
        %dma_wait3A_58 = tpu.memref_squeeze %dma_wait3A_57 : memref<1x2x1x128xi32, #tpu.memory_space<hbm>> -> memref<2x1x128xi32, #tpu.memory_space<hbm>>
        %dma_wait3A_59 = arith.constant 0 : i32
        %dma_wait3A_60 = arith.constant 0 : i32
        %dma_wait3A_61 = arith.constant 0 : i32
        %dma_wait3A_62 = tpu.memref_slice %arg5[%mul3A_11, %dma_wait3A_59, %dma_wait3A_60, %dma_wait3A_61] : memref<2560x2x1x128xi32, #tpu.memory_space<hbm>> -> memref<1x2x1x128xi32, #tpu.memory_space<hbm>>
        %dma_wait3A_63 = tpu.memref_squeeze %dma_wait3A_62 : memref<1x2x1x128xi32, #tpu.memory_space<hbm>> -> memref<2x1x128xi32, #tpu.memory_space<hbm>>
        tpu.wait_dma2 semaphore(%run_scoped3A : memref<!tpu.dma_semaphore, #tpu.memory_space<semaphore_mem>>) src(%dma_wait3A_63 : memref<2x1x128xi32, #tpu.memory_space<hbm>>) dst(%arg9 : memref<2x1x128xi32, #tpu.memory_space<vmem>>)
        tpu.yield
      }) : () -> ()
      %dma_start3A = arith.constant 0 : i32
      %dma_start3A_12 = arith.constant 0 : i32
      %dma_start3A_13 = arith.constant 0 : i32
      %dma_start3A_14 = tpu.memref_slice %arg9[%dma_start3A, %dma_start3A_12, %dma_start3A_13] : memref<2x1x128xi32, #tpu.memory_space<vmem>> -> memref<1x1x128xi32, #tpu.memory_space<vmem>>
      %dma_start3A_15 = tpu.memref_squeeze %dma_start3A_14 : memref<1x1x128xi32, #tpu.memory_space<vmem>> -> memref<128xi32, #tpu.memory_space<vmem>>
      %dma_start3A_16 = arith.constant 0 : i32
      %dma_start3A_17 = arith.constant 0 : i32
      %dma_start3A_18 = tpu.memref_slice %arg3[%dma_start3A_16, %dma_start3A_17] : memref<10240x128xf32, #tpu.memory_space<hbm>> -> memref<10240x128xf32, #tpu.memory_space<hbm>>
      tpu.enqueue_indirect_dma source(%dma_start3A_18 : memref<10240x128xf32, #tpu.memory_space<hbm>>) target(%arg11 : memref<128x128xf32, #tpu.memory_space<vmem>>) offsets(%dma_start3A_15 : memref<128xi32, #tpu.memory_space<vmem>>) semaphore(%arg13 : memref<!tpu.dma_semaphore, #tpu.memory_space<semaphore_mem>>)
      %scan3A = arith.constant 0 : i32
      %scan3A_19 = arith.constant 0 : i32
      %scan3A_20 = arith.constant 80 : i32
      %scan3A_21 = arith.addi %scan3A_19, %scan3A_20 : i32
      %scan3A_22 = arith.constant 1 : i32
      scf.for %scan3A_44 = %scan3A_19 to %scan3A_21 step %scan3A_22  : i32 {
        %mul3A_45 = arith.constant 2 : i32
        %mul3A_46 = arith.muli %mul3A_45, %scan3A_44 : i32
        %add3A = arith.addi %mul3A_11, %mul3A_46 : i32
        %gt3A = arith.constant 0 : i32
        %gt3A_47 = arith.cmpi sgt, %scan3A_44, %gt3A : i32
        %convert_element_type3A_48 = arith.extui %gt3A_47 : i1 to i32
        %cond3A_49 = arith.constant 0 : i32
        %cond3A_50 = arith.cmpi ne, %convert_element_type3A_48, %cond3A_49 : i32
        scf.if %cond3A_50 {
          %dma_wait3A_101 = arith.constant 1 : i32
          %dma_wait3A_102 = arith.constant 0 : i32
          %dma_wait3A_103 = arith.constant 0 : i32
          %dma_wait3A_104 = tpu.memref_slice %arg10[%dma_wait3A_101, %dma_wait3A_102, %dma_wait3A_103] : memref<2x1x128xi32, #tpu.memory_space<vmem>> -> memref<1x1x128xi32, #tpu.memory_space<vmem>>
          %dma_wait3A_105 = tpu.memref_squeeze %dma_wait3A_104 : memref<1x1x128xi32, #tpu.memory_space<vmem>> -> memref<128xi32, #tpu.memory_space<vmem>>
          %dma_wait3A_106 = arith.constant 0 : i32
          %dma_wait3A_107 = arith.constant 0 : i32
          %dma_wait3A_108 = tpu.memref_slice %arg8[%dma_wait3A_106, %dma_wait3A_107] : memref<10240x128xf32, #tpu.memory_space<vmem_shared>> -> memref<10240x128xf32, #tpu.memory_space<vmem_shared>>
          tpu.wait_indirect_dma semaphore(%arg16 : memref<!tpu.dma_semaphore, #tpu.memory_space<semaphore_mem>>) src(%arg12 : memref<128x128xf32, #tpu.memory_space<vmem>>) dst(%dma_wait3A_108 : memref<10240x128xf32, #tpu.memory_space<vmem_shared>>)
        } else {
        }
        %add3A_51 = arith.constant 1 : i32
        %add3A_52 = arith.addi %add3A, %add3A_51 : i32
        "tpu.region"() ({
          %run_scoped3A = tpu.sem_alloc : memref<!tpu.dma_semaphore, #tpu.memory_space<semaphore_mem>>
          %dma_start3A_101 = arith.constant 0 : i32
          %dma_start3A_102 = arith.constant 0 : i32
          %dma_start3A_103 = arith.constant 0 : i32
          %dma_start3A_104 = tpu.memref_slice %arg5[%add3A_52, %dma_start3A_101, %dma_start3A_102, %dma_start3A_103] : memref<2560x2x1x128xi32, #tpu.memory_space<hbm>> -> memref<1x2x1x128xi32, #tpu.memory_space<hbm>>
          %dma_start3A_105 = tpu.memref_squeeze %dma_start3A_104 : memref<1x2x1x128xi32, #tpu.memory_space<hbm>> -> memref<2x1x128xi32, #tpu.memory_space<hbm>>
          %dma_start3A_106 = arith.constant 0 : i32
          %dma_start3A_107 = arith.constant 0 : i32
          %dma_start3A_108 = arith.constant 0 : i32
          %dma_start3A_109 = tpu.memref_slice %arg5[%add3A_52, %dma_start3A_106, %dma_start3A_107, %dma_start3A_108] : memref<2560x2x1x128xi32, #tpu.memory_space<hbm>> -> memref<1x2x1x128xi32, #tpu.memory_space<hbm>>
          %dma_start3A_110 = tpu.memref_squeeze %dma_start3A_109 : memref<1x2x1x128xi32, #tpu.memory_space<hbm>> -> memref<2x1x128xi32, #tpu.memory_space<hbm>>
          tpu.enqueue_dma source(%dma_start3A_110 : memref<2x1x128xi32, #tpu.memory_space<hbm>>) target(%arg10 : memref<2x1x128xi32, #tpu.memory_space<vmem>>) target_semaphore(%run_scoped3A : memref<!tpu.dma_semaphore, #tpu.memory_space<semaphore_mem>>)
          %dma_wait3A_111 = arith.constant 0 : i32
          %dma_wait3A_112 = arith.constant 0 : i32
          %dma_wait3A_113 = arith.constant 0 : i32
          %dma_wait3A_114 = tpu.memref_slice %arg5[%add3A_52, %dma_wait3A_111, %dma_wait3A_112, %dma_wait3A_113] : memref<2560x2x1x128xi32, #tpu.memory_space<hbm>> -> memref<1x2x1x128xi32, #tpu.memory_space<hbm>>
          %dma_wait3A_115 = tpu.memref_squeeze %dma_wait3A_114 : memref<1x2x1x128xi32, #tpu.memory_space<hbm>> -> memref<2x1x128xi32, #tpu.memory_space<hbm>>
          %dma_wait3A_116 = arith.constant 0 : i32
          %dma_wait3A_117 = arith.constant 0 : i32
          %dma_wait3A_118 = arith.constant 0 : i32
          %dma_wait3A_119 = tpu.memref_slice %arg5[%add3A_52, %dma_wait3A_116, %dma_wait3A_117, %dma_wait3A_118] : memref<2560x2x1x128xi32, #tpu.memory_space<hbm>> -> memref<1x2x1x128xi32, #tpu.memory_space<hbm>>
          %dma_wait3A_120 = tpu.memref_squeeze %dma_wait3A_119 : memref<1x2x1x128xi32, #tpu.memory_space<hbm>> -> memref<2x1x128xi32, #tpu.memory_space<hbm>>
          tpu.wait_dma2 semaphore(%run_scoped3A : memref<!tpu.dma_semaphore, #tpu.memory_space<semaphore_mem>>) src(%dma_wait3A_120 : memref<2x1x128xi32, #tpu.memory_space<hbm>>) dst(%arg10 : memref<2x1x128xi32, #tpu.memory_space<vmem>>)
          tpu.yield
        }) : () -> ()
        %dma_start3A_53 = arith.constant 0 : i32
        %dma_start3A_54 = arith.constant 0 : i32
        %dma_start3A_55 = arith.constant 0 : i32
        %dma_start3A_56 = tpu.memref_slice %arg10[%dma_start3A_53, %dma_start3A_54, %dma_start3A_55] : memref<2x1x128xi32, #tpu.memory_space<vmem>> -> memref<1x1x128xi32, #tpu.memory_space<vmem>>
        %dma_start3A_57 = tpu.memref_squeeze %dma_start3A_56 : memref<1x1x128xi32, #tpu.memory_space<vmem>> -> memref<128xi32, #tpu.memory_space<vmem>>
        %dma_start3A_58 = arith.constant 0 : i32
        %dma_start3A_59 = arith.constant 0 : i32
        %dma_start3A_60 = tpu.memref_slice %arg3[%dma_start3A_58, %dma_start3A_59] : memref<10240x128xf32, #tpu.memory_space<hbm>> -> memref<10240x128xf32, #tpu.memory_space<hbm>>
        tpu.enqueue_indirect_dma source(%dma_start3A_60 : memref<10240x128xf32, #tpu.memory_space<hbm>>) target(%arg12 : memref<128x128xf32, #tpu.memory_space<vmem>>) offsets(%dma_start3A_57 : memref<128xi32, #tpu.memory_space<vmem>>) semaphore(%arg14 : memref<!tpu.dma_semaphore, #tpu.memory_space<semaphore_mem>>)
        %dma_wait3A_61 = arith.constant 0 : i32
        %dma_wait3A_62 = arith.constant 0 : i32
        %dma_wait3A_63 = arith.constant 0 : i32
        %dma_wait3A_64 = tpu.memref_slice %arg9[%dma_wait3A_61, %dma_wait3A_62, %dma_wait3A_63] : memref<2x1x128xi32, #tpu.memory_space<vmem>> -> memref<1x1x128xi32, #tpu.memory_space<vmem>>
        %dma_wait3A_65 = tpu.memref_squeeze %dma_wait3A_64 : memref<1x1x128xi32, #tpu.memory_space<vmem>> -> memref<128xi32, #tpu.memory_space<vmem>>
        %dma_wait3A_66 = arith.constant 0 : i32
        %dma_wait3A_67 = arith.constant 0 : i32
        %dma_wait3A_68 = tpu.memref_slice %arg3[%dma_wait3A_66, %dma_wait3A_67] : memref<10240x128xf32, #tpu.memory_space<hbm>> -> memref<10240x128xf32, #tpu.memory_space<hbm>>
        tpu.wait_indirect_dma semaphore(%arg13 : memref<!tpu.dma_semaphore, #tpu.memory_space<semaphore_mem>>) src(%dma_wait3A_68 : memref<10240x128xf32, #tpu.memory_space<hbm>>) dst(%arg11 : memref<128x128xf32, #tpu.memory_space<vmem>>)
        %dma_start3A_69 = arith.constant 1 : i32
        %dma_start3A_70 = arith.constant 0 : i32
        %dma_start3A_71 = arith.constant 0 : i32
        %dma_start3A_72 = tpu.memref_slice %arg9[%dma_start3A_69, %dma_start3A_70, %dma_start3A_71] : memref<2x1x128xi32, #tpu.memory_space<vmem>> -> memref<1x1x128xi32, #tpu.memory_space<vmem>>
        %dma_start3A_73 = tpu.memref_squeeze %dma_start3A_72 : memref<1x1x128xi32, #tpu.memory_space<vmem>> -> memref<128xi32, #tpu.memory_space<vmem>>
        %dma_start3A_74 = arith.constant 0 : i32
        %dma_start3A_75 = arith.constant 0 : i32
        %dma_start3A_76 = tpu.memref_slice %arg8[%dma_start3A_74, %dma_start3A_75] : memref<10240x128xf32, #tpu.memory_space<vmem_shared>> -> memref<10240x128xf32, #tpu.memory_space<vmem_shared>>
        tpu.enqueue_indirect_dma source(%arg11 : memref<128x128xf32, #tpu.memory_space<vmem>>) target(%dma_start3A_76 : memref<10240x128xf32, #tpu.memory_space<vmem_shared>>) offsets(%dma_start3A_73 : memref<128xi32, #tpu.memory_space<vmem>>) semaphore(%arg15 : memref<!tpu.dma_semaphore, #tpu.memory_space<semaphore_mem>>) {add = true}
        %add3A_77 = arith.constant 1 : i32
        %add3A_78 = arith.addi %scan3A_44, %add3A_77 : i32
        %lt3A = arith.constant 80 : i32
        %lt3A_79 = arith.cmpi slt, %add3A_78, %lt3A : i32
        %convert_element_type3A_80 = arith.extui %lt3A_79 : i1 to i32
        %cond3A_81 = arith.constant 1 : i32
        %cond3A_82 = arith.constant 0 : i32
        %cond3A_83 = arith.constant 0 : i32
        %cond3A_84 = arith.cmpi ne, %convert_element_type3A_80, %cond3A_83 : i32
        scf.if %cond3A_84 {
          %dma_wait3A_101 = arith.constant 0 : i32
          %dma_wait3A_102 = tpu.memref_slice %arg9[%cond3A_81, %cond3A_82, %dma_wait3A_101] : memref<2x1x128xi32, #tpu.memory_space<vmem>> -> memref<1x1x128xi32, #tpu.memory_space<vmem>>
          %dma_wait3A_103 = tpu.memref_squeeze %dma_wait3A_102 : memref<1x1x128xi32, #tpu.memory_space<vmem>> -> memref<128xi32, #tpu.memory_space<vmem>>
          %dma_wait3A_104 = arith.constant 0 : i32
          %dma_wait3A_105 = arith.constant 0 : i32
          %dma_wait3A_106 = tpu.memref_slice %arg8[%dma_wait3A_104, %dma_wait3A_105] : memref<10240x128xf32, #tpu.memory_space<vmem_shared>> -> memref<10240x128xf32, #tpu.memory_space<vmem_shared>>
          tpu.wait_indirect_dma semaphore(%arg15 : memref<!tpu.dma_semaphore, #tpu.memory_space<semaphore_mem>>) src(%arg11 : memref<128x128xf32, #tpu.memory_space<vmem>>) dst(%dma_wait3A_106 : memref<10240x128xf32, #tpu.memory_space<vmem_shared>>)
          %add3A_107 = arith.constant 2 : i32
          %add3A_108 = arith.addi %add3A, %add3A_107 : i32
          "tpu.region"() ({
            %run_scoped3A = tpu.sem_alloc : memref<!tpu.dma_semaphore, #tpu.memory_space<semaphore_mem>>
            %dma_start3A_117 = arith.constant 0 : i32
            %dma_start3A_118 = arith.constant 0 : i32
            %dma_start3A_119 = arith.constant 0 : i32
            %dma_start3A_120 = tpu.memref_slice %arg5[%add3A_108, %dma_start3A_117, %dma_start3A_118, %dma_start3A_119] : memref<2560x2x1x128xi32, #tpu.memory_space<hbm>> -> memref<1x2x1x128xi32, #tpu.memory_space<hbm>>
            %dma_start3A_121 = tpu.memref_squeeze %dma_start3A_120 : memref<1x2x1x128xi32, #tpu.memory_space<hbm>> -> memref<2x1x128xi32, #tpu.memory_space<hbm>>
            %dma_start3A_122 = arith.constant 0 : i32
            %dma_start3A_123 = arith.constant 0 : i32
            %dma_start3A_124 = arith.constant 0 : i32
            %dma_start3A_125 = tpu.memref_slice %arg5[%add3A_108, %dma_start3A_122, %dma_start3A_123, %dma_start3A_124] : memref<2560x2x1x128xi32, #tpu.memory_space<hbm>> -> memref<1x2x1x128xi32, #tpu.memory_space<hbm>>
            %dma_start3A_126 = tpu.memref_squeeze %dma_start3A_125 : memref<1x2x1x128xi32, #tpu.memory_space<hbm>> -> memref<2x1x128xi32, #tpu.memory_space<hbm>>
            tpu.enqueue_dma source(%dma_start3A_126 : memref<2x1x128xi32, #tpu.memory_space<hbm>>) target(%arg9 : memref<2x1x128xi32, #tpu.memory_space<vmem>>) target_semaphore(%run_scoped3A : memref<!tpu.dma_semaphore, #tpu.memory_space<semaphore_mem>>)
            %dma_wait3A_127 = arith.constant 0 : i32
            %dma_wait3A_128 = arith.constant 0 : i32
            %dma_wait3A_129 = arith.constant 0 : i32
            %dma_wait3A_130 = tpu.memref_slice %arg5[%add3A_108, %dma_wait3A_127, %dma_wait3A_128, %dma_wait3A_129] : memref<2560x2x1x128xi32, #tpu.memory_space<hbm>> -> memref<1x2x1x128xi32, #tpu.memory_space<hbm>>
            %dma_wait3A_131 = tpu.memref_squeeze %dma_wait3A_130 : memref<1x2x1x128xi32, #tpu.memory_space<hbm>> -> memref<2x1x128xi32, #tpu.memory_space<hbm>>
            %dma_wait3A_132 = arith.constant 0 : i32
            %dma_wait3A_133 = arith.constant 0 : i32
            %dma_wait3A_134 = arith.constant 0 : i32
            %dma_wait3A_135 = tpu.memref_slice %arg5[%add3A_108, %dma_wait3A_132, %dma_wait3A_133, %dma_wait3A_134] : memref<2560x2x1x128xi32, #tpu.memory_space<hbm>> -> memref<1x2x1x128xi32, #tpu.memory_space<hbm>>
            %dma_wait3A_136 = tpu.memref_squeeze %dma_wait3A_135 : memref<1x2x1x128xi32, #tpu.memory_space<hbm>> -> memref<2x1x128xi32, #tpu.memory_space<hbm>>
            tpu.wait_dma2 semaphore(%run_scoped3A : memref<!tpu.dma_semaphore, #tpu.memory_space<semaphore_mem>>) src(%dma_wait3A_136 : memref<2x1x128xi32, #tpu.memory_space<hbm>>) dst(%arg9 : memref<2x1x128xi32, #tpu.memory_space<vmem>>)
            tpu.yield
          }) : () -> ()
          %dma_start3A_109 = arith.constant 0 : i32
          %dma_start3A_110 = arith.constant 0 : i32
          %dma_start3A_111 = arith.constant 0 : i32
          %dma_start3A_112 = tpu.memref_slice %arg9[%dma_start3A_109, %dma_start3A_110, %dma_start3A_111] : memref<2x1x128xi32, #tpu.memory_space<vmem>> -> memref<1x1x128xi32, #tpu.memory_space<vmem>>
          %dma_start3A_113 = tpu.memref_squeeze %dma_start3A_112 : memref<1x1x128xi32, #tpu.memory_space<vmem>> -> memref<128xi32, #tpu.memory_space<vmem>>
          %dma_start3A_114 = arith.constant 0 : i32
          %dma_start3A_115 = arith.constant 0 : i32
          %dma_start3A_116 = tpu.memref_slice %arg3[%dma_start3A_114, %dma_start3A_115] : memref<10240x128xf32, #tpu.memory_space<hbm>> -> memref<10240x128xf32, #tpu.memory_space<hbm>>
          tpu.enqueue_indirect_dma source(%dma_start3A_116 : memref<10240x128xf32, #tpu.memory_space<hbm>>) target(%arg11 : memref<128x128xf32, #tpu.memory_space<vmem>>) offsets(%dma_start3A_113 : memref<128xi32, #tpu.memory_space<vmem>>) semaphore(%arg13 : memref<!tpu.dma_semaphore, #tpu.memory_space<semaphore_mem>>)
        } else {
        }
        %dma_wait3A_85 = arith.constant 0 : i32
        %dma_wait3A_86 = arith.constant 0 : i32
        %dma_wait3A_87 = arith.constant 0 : i32
        %dma_wait3A_88 = tpu.memref_slice %arg10[%dma_wait3A_85, %dma_wait3A_86, %dma_wait3A_87] : memref<2x1x128xi32, #tpu.memory_space<vmem>> -> memref<1x1x128xi32, #tpu.memory_space<vmem>>
        %dma_wait3A_89 = tpu.memref_squeeze %dma_wait3A_88 : memref<1x1x128xi32, #tpu.memory_space<vmem>> -> memref<128xi32, #tpu.memory_space<vmem>>
        %dma_wait3A_90 = arith.constant 0 : i32
        %dma_wait3A_91 = arith.constant 0 : i32
        %dma_wait3A_92 = tpu.memref_slice %arg3[%dma_wait3A_90, %dma_wait3A_91] : memref<10240x128xf32, #tpu.memory_space<hbm>> -> memref<10240x128xf32, #tpu.memory_space<hbm>>
        tpu.wait_indirect_dma semaphore(%arg14 : memref<!tpu.dma_semaphore, #tpu.memory_space<semaphore_mem>>) src(%dma_wait3A_92 : memref<10240x128xf32, #tpu.memory_space<hbm>>) dst(%arg12 : memref<128x128xf32, #tpu.memory_space<vmem>>)
        %dma_start3A_93 = arith.constant 1 : i32
        %dma_start3A_94 = arith.constant 0 : i32
        %dma_start3A_95 = arith.constant 0 : i32
        %dma_start3A_96 = tpu.memref_slice %arg10[%dma_start3A_93, %dma_start3A_94, %dma_start3A_95] : memref<2x1x128xi32, #tpu.memory_space<vmem>> -> memref<1x1x128xi32, #tpu.memory_space<vmem>>
        %dma_start3A_97 = tpu.memref_squeeze %dma_start3A_96 : memref<1x1x128xi32, #tpu.memory_space<vmem>> -> memref<128xi32, #tpu.memory_space<vmem>>
        %dma_start3A_98 = arith.constant 0 : i32
        %dma_start3A_99 = arith.constant 0 : i32
        %dma_start3A_100 = tpu.memref_slice %arg8[%dma_start3A_98, %dma_start3A_99] : memref<10240x128xf32, #tpu.memory_space<vmem_shared>> -> memref<10240x128xf32, #tpu.memory_space<vmem_shared>>
        tpu.enqueue_indirect_dma source(%arg12 : memref<128x128xf32, #tpu.memory_space<vmem>>) target(%dma_start3A_100 : memref<10240x128xf32, #tpu.memory_space<vmem_shared>>) offsets(%dma_start3A_97 : memref<128xi32, #tpu.memory_space<vmem>>) semaphore(%arg16 : memref<!tpu.dma_semaphore, #tpu.memory_space<semaphore_mem>>) {add = true}
      }
      %scan3A_23 = arith.constant 80 : i32
      %dma_wait3A = arith.constant 1 : i32
      %dma_wait3A_24 = arith.constant 0 : i32
      %dma_wait3A_25 = arith.constant 0 : i32
      %dma_wait3A_26 = tpu.memref_slice %arg9[%dma_wait3A, %dma_wait3A_24, %dma_wait3A_25] : memref<2x1x128xi32, #tpu.memory_space<vmem>> -> memref<1x1x128xi32, #tpu.memory_space<vmem>>
      %dma_wait3A_27 = tpu.memref_squeeze %dma_wait3A_26 : memref<1x1x128xi32, #tpu.memory_space<vmem>> -> memref<128xi32, #tpu.memory_space<vmem>>
      %dma_wait3A_28 = arith.constant 0 : i32
      %dma_wait3A_29 = arith.constant 0 : i32
      %dma_wait3A_30 = tpu.memref_slice %arg8[%dma_wait3A_28, %dma_wait3A_29] : memref<10240x128xf32, #tpu.memory_space<vmem_shared>> -> memref<10240x128xf32, #tpu.memory_space<vmem_shared>>
      tpu.wait_indirect_dma semaphore(%arg15 : memref<!tpu.dma_semaphore, #tpu.memory_space<semaphore_mem>>) src(%arg11 : memref<128x128xf32, #tpu.memory_space<vmem>>) dst(%dma_wait3A_30 : memref<10240x128xf32, #tpu.memory_space<vmem_shared>>)
      %dma_wait3A_31 = arith.constant 1 : i32
      %dma_wait3A_32 = arith.constant 0 : i32
      %dma_wait3A_33 = arith.constant 0 : i32
      %dma_wait3A_34 = tpu.memref_slice %arg10[%dma_wait3A_31, %dma_wait3A_32, %dma_wait3A_33] : memref<2x1x128xi32, #tpu.memory_space<vmem>> -> memref<1x1x128xi32, #tpu.memory_space<vmem>>
      %dma_wait3A_35 = tpu.memref_squeeze %dma_wait3A_34 : memref<1x1x128xi32, #tpu.memory_space<vmem>> -> memref<128xi32, #tpu.memory_space<vmem>>
      %dma_wait3A_36 = arith.constant 0 : i32
      %dma_wait3A_37 = arith.constant 0 : i32
      %dma_wait3A_38 = tpu.memref_slice %arg8[%dma_wait3A_36, %dma_wait3A_37] : memref<10240x128xf32, #tpu.memory_space<vmem_shared>> -> memref<10240x128xf32, #tpu.memory_space<vmem_shared>>
      tpu.wait_indirect_dma semaphore(%arg16 : memref<!tpu.dma_semaphore, #tpu.memory_space<semaphore_mem>>) src(%arg12 : memref<128x128xf32, #tpu.memory_space<vmem>>) dst(%dma_wait3A_38 : memref<10240x128xf32, #tpu.memory_space<vmem_shared>>)
      %barrier3A_39 = arith.constant 0 : index
      tpu.barrier barrier_id(%barrier3A_39)
      %mul3A_40 = arith.constant 640 : i32
      %mul3A_41 = arith.muli %arg1, %mul3A_40 : i32
      %mul3A_42 = arith.constant 640 : i32
      %mul3A_43 = arith.muli %arg1, %mul3A_42 : i32
      "tpu.region"() ({
        %run_scoped3A = tpu.sem_alloc : memref<!tpu.dma_semaphore, #tpu.memory_space<semaphore_mem>>
        %dma_start3A_44 = arith.constant 0 : i32
        %dma_start3A_45 = tpu.memref_slice %arg7[%mul3A_43, %dma_start3A_44] : memref<10240x128xf32, #tpu.memory_space<hbm>> -> memref<640x128xf32, #tpu.memory_space<hbm>>
        %dma_start3A_46 = arith.constant 0 : i32
        %dma_start3A_47 = tpu.memref_slice %arg8[%mul3A_41, %dma_start3A_46] : memref<10240x128xf32, #tpu.memory_space<vmem_shared>> -> memref<640x128xf32, #tpu.memory_space<vmem_shared>>
        tpu.enqueue_dma source(%dma_start3A_47 : memref<640x128xf32, #tpu.memory_space<vmem_shared>>) target(%dma_start3A_45 : memref<640x128xf32, #tpu.memory_space<hbm>>) target_semaphore(%run_scoped3A : memref<!tpu.dma_semaphore, #tpu.memory_space<semaphore_mem>>)
        %dma_wait3A_48 = arith.constant 0 : i32
        %dma_wait3A_49 = tpu.memref_slice %arg7[%mul3A_43, %dma_wait3A_48] : memref<10240x128xf32, #tpu.memory_space<hbm>> -> memref<640x128xf32, #tpu.memory_space<hbm>>
        %dma_wait3A_50 = arith.constant 0 : i32
        %dma_wait3A_51 = tpu.memref_slice %arg8[%mul3A_41, %dma_wait3A_50] : memref<10240x128xf32, #tpu.memory_space<vmem_shared>> -> memref<640x128xf32, #tpu.memory_space<vmem_shared>>
        tpu.wait_dma2 semaphore(%run_scoped3A : memref<!tpu.dma_semaphore, #tpu.memory_space<semaphore_mem>>) src(%dma_wait3A_51 : memref<640x128xf32, #tpu.memory_space<vmem_shared>>) dst(%dma_wait3A_49 : memref<640x128xf32, #tpu.memory_space<hbm>>)
        tpu.yield
      }) : () -> ()
    } else {
    }
    return
  }
}

#map = affine_map<(d0, d1) -> (0, 0)>
#map1 = affine_map<(d0, d1) -> (0, 0, 0, 0)>
module attributes {stable_mosaic.version = 14 : i64} {
  func.func @_sc_conv_body(%arg0: i32, %arg1: i32, %arg2: memref<10240x128xf32, #tpu.memory_space<hbm>>, %arg3: memref<10240x128xf32, #tpu.memory_space<hbm>>, %arg4: memref<2560x2x1x128xi32, #tpu.memory_space<hbm>>, %arg5: memref<2560x2x1x128xi32, #tpu.memory_space<hbm>>, %arg6: memref<10240x128xf32, #tpu.memory_space<hbm>>, %arg7: memref<10240x128xf32, #tpu.memory_space<hbm>>, %arg8: memref<10240x128xf32, #tpu.memory_space<vmem_shared>>, %arg9: memref<2x1x128xi32, #tpu.memory_space<vmem>>, %arg10: memref<2x1x128xi32, #tpu.memory_space<vmem>>, %arg11: memref<128x128xf32, #tpu.memory_space<vmem>>, %arg12: memref<128x128xf32, #tpu.memory_space<vmem>>, %arg13: memref<!tpu.dma_semaphore, #tpu.memory_space<semaphore_mem>>, %arg14: memref<!tpu.dma_semaphore, #tpu.memory_space<semaphore_mem>>, %arg15: memref<!tpu.dma_semaphore, #tpu.memory_space<semaphore_mem>>, %arg16: memref<!tpu.dma_semaphore, #tpu.memory_space<semaphore_mem>>) attributes {dimension_semantics = [#tpu.dimension_semantics<core_parallel>, #tpu.dimension_semantics<subcore_parallel>], iteration_bounds = array<i64: 2, 16>, scalar_prefetch = 0 : i64, scratch_operands = 9 : i64, tpu.core_type = #tpu.core_type<sc_vector_subcore>, window_params = [{transform_indices = #map}, {transform_indices = #map}, {transform_indices = #map1}, {transform_indices = #map1}, {transform_indices = #map}, {transform_indices = #map}]} {
    %eq3A = arith.constant 0 : i32
    %eq3A_0 = arith.cmpi eq, %arg0, %eq3A : i32
    %convert_element_type3A = arith.extui %eq3A_0 : i1 to i32
    %cond3A = arith.constant 0 : i32
    %cond3A_1 = arith.cmpi ne, %convert_element_type3A, %cond3A : i32
    scf.if %cond3A_1 {
      %mul3A = arith.constant 640 : i32
      %mul3A_7 = arith.muli %arg1, %mul3A : i32
      %mul3A_8 = arith.constant 640 : i32
      %mul3A_9 = arith.muli %arg1, %mul3A_8 : i32
      "tpu.region"() ({
        %run_scoped3A = tpu.sem_alloc : memref<!tpu.dma_semaphore, #tpu.memory_space<semaphore_mem>>
        %dma_start3A_44 = arith.constant 0 : i32
        %dma_start3A_45 = tpu.memref_slice %arg8[%mul3A_9, %dma_start3A_44] : memref<10240x128xf32, #tpu.memory_space<vmem_shared>> -> memref<640x128xf32, #tpu.memory_space<vmem_shared>>
        %dma_start3A_46 = arith.constant 0 : i32
        %dma_start3A_47 = tpu.memref_slice %arg2[%mul3A_7, %dma_start3A_46] : memref<10240x128xf32, #tpu.memory_space<hbm>> -> memref<640x128xf32, #tpu.memory_space<hbm>>
        tpu.enqueue_dma source(%dma_start3A_47 : memref<640x128xf32, #tpu.memory_space<hbm>>) target(%dma_start3A_45 : memref<640x128xf32, #tpu.memory_space<vmem_shared>>) target_semaphore(%run_scoped3A : memref<!tpu.dma_semaphore, #tpu.memory_space<semaphore_mem>>)
        %dma_wait3A_48 = arith.constant 0 : i32
        %dma_wait3A_49 = tpu.memref_slice %arg8[%mul3A_9, %dma_wait3A_48] : memref<10240x128xf32, #tpu.memory_space<vmem_shared>> -> memref<640x128xf32, #tpu.memory_space<vmem_shared>>
        %dma_wait3A_50 = arith.constant 0 : i32
        %dma_wait3A_51 = tpu.memref_slice %arg2[%mul3A_7, %dma_wait3A_50] : memref<10240x128xf32, #tpu.memory_space<hbm>> -> memref<640x128xf32, #tpu.memory_space<hbm>>
        tpu.wait_dma2 semaphore(%run_scoped3A : memref<!tpu.dma_semaphore, #tpu.memory_space<semaphore_mem>>) src(%dma_wait3A_51 : memref<640x128xf32, #tpu.memory_space<hbm>>) dst(%dma_wait3A_49 : memref<640x128xf32, #tpu.memory_space<vmem_shared>>)
        tpu.yield
      }) : () -> ()
      %barrier3A = arith.constant 0 : index
      tpu.barrier barrier_id(%barrier3A)
      %mul3A_10 = arith.constant 160 : i32
      %mul3A_11 = arith.muli %arg1, %mul3A_10 : i32
      "tpu.region"() ({
        %run_scoped3A = tpu.sem_alloc : memref<!tpu.dma_semaphore, #tpu.memory_space<semaphore_mem>>
        %dma_start3A_44 = arith.constant 0 : i32
        %dma_start3A_45 = arith.constant 0 : i32
        %dma_start3A_46 = arith.constant 0 : i32
        %dma_start3A_47 = tpu.memref_slice %arg4[%mul3A_11, %dma_start3A_44, %dma_start3A_45, %dma_start3A_46] : memref<2560x2x1x128xi32, #tpu.memory_space<hbm>> -> memref<1x2x1x128xi32, #tpu.memory_space<hbm>>
        %dma_start3A_48 = tpu.memref_squeeze %dma_start3A_47 : memref<1x2x1x128xi32, #tpu.memory_space<hbm>> -> memref<2x1x128xi32, #tpu.memory_space<hbm>>
        %dma_start3A_49 = arith.constant 0 : i32
        %dma_start3A_50 = arith.constant 0 : i32
        %dma_start3A_51 = arith.constant 0 : i32
        %dma_start3A_52 = tpu.memref_slice %arg4[%mul3A_11, %dma_start3A_49, %dma_start3A_50, %dma_start3A_51] : memref<2560x2x1x128xi32, #tpu.memory_space<hbm>> -> memref<1x2x1x128xi32, #tpu.memory_space<hbm>>
        %dma_start3A_53 = tpu.memref_squeeze %dma_start3A_52 : memref<1x2x1x128xi32, #tpu.memory_space<hbm>> -> memref<2x1x128xi32, #tpu.memory_space<hbm>>
        tpu.enqueue_dma source(%dma_start3A_53 : memref<2x1x128xi32, #tpu.memory_space<hbm>>) target(%arg9 : memref<2x1x128xi32, #tpu.memory_space<vmem>>) target_semaphore(%run_scoped3A : memref<!tpu.dma_semaphore, #tpu.memory_space<semaphore_mem>>)
        %dma_wait3A_54 = arith.constant 0 : i32
        %dma_wait3A_55 = arith.constant 0 : i32
        %dma_wait3A_56 = arith.constant 0 : i32
        %dma_wait3A_57 = tpu.memref_slice %arg4[%mul3A_11, %dma_wait3A_54, %dma_wait3A_55, %dma_wait3A_56] : memref<2560x2x1x128xi32, #tpu.memory_space<hbm>> -> memref<1x2x1x128xi32, #tpu.memory_space<hbm>>
        %dma_wait3A_58 = tpu.memref_squeeze %dma_wait3A_57 : memref<1x2x1x128xi32, #tpu.memory_space<hbm>> -> memref<2x1x128xi32, #tpu.memory_space<hbm>>
        %dma_wait3A_59 = arith.constant 0 : i32
        %dma_wait3A_60 = arith.constant 0 : i32
        %dma_wait3A_61 = arith.constant 0 : i32
        %dma_wait3A_62 = tpu.memref_slice %arg4[%mul3A_11, %dma_wait3A_59, %dma_wait3A_60, %dma_wait3A_61] : memref<2560x2x1x128xi32, #tpu.memory_space<hbm>> -> memref<1x2x1x128xi32, #tpu.memory_space<hbm>>
        %dma_wait3A_63 = tpu.memref_squeeze %dma_wait3A_62 : memref<1x2x1x128xi32, #tpu.memory_space<hbm>> -> memref<2x1x128xi32, #tpu.memory_space<hbm>>
        tpu.wait_dma2 semaphore(%run_scoped3A : memref<!tpu.dma_semaphore, #tpu.memory_space<semaphore_mem>>) src(%dma_wait3A_63 : memref<2x1x128xi32, #tpu.memory_space<hbm>>) dst(%arg9 : memref<2x1x128xi32, #tpu.memory_space<vmem>>)
        tpu.yield
      }) : () -> ()
      %dma_start3A = arith.constant 0 : i32
      %dma_start3A_12 = arith.constant 0 : i32
      %dma_start3A_13 = arith.constant 0 : i32
      %dma_start3A_14 = tpu.memref_slice %arg9[%dma_start3A, %dma_start3A_12, %dma_start3A_13] : memref<2x1x128xi32, #tpu.memory_space<vmem>> -> memref<1x1x128xi32, #tpu.memory_space<vmem>>
      %dma_start3A_15 = tpu.memref_squeeze %dma_start3A_14 : memref<1x1x128xi32, #tpu.memory_space<vmem>> -> memref<128xi32, #tpu.memory_space<vmem>>
      %dma_start3A_16 = arith.constant 0 : i32
      %dma_start3A_17 = arith.constant 0 : i32
      %dma_start3A_18 = tpu.memref_slice %arg2[%dma_start3A_16, %dma_start3A_17] : memref<10240x128xf32, #tpu.memory_space<hbm>> -> memref<10240x128xf32, #tpu.memory_space<hbm>>
      tpu.enqueue_indirect_dma source(%dma_start3A_18 : memref<10240x128xf32, #tpu.memory_space<hbm>>) target(%arg11 : memref<128x128xf32, #tpu.memory_space<vmem>>) offsets(%dma_start3A_15 : memref<128xi32, #tpu.memory_space<vmem>>) semaphore(%arg13 : memref<!tpu.dma_semaphore, #tpu.memory_space<semaphore_mem>>)
      %scan3A = arith.constant 0 : i32
      %scan3A_19 = arith.constant 0 : i32
      %scan3A_20 = arith.constant 80 : i32
      %scan3A_21 = arith.addi %scan3A_19, %scan3A_20 : i32
      %scan3A_22 = arith.constant 1 : i32
      scf.for %scan3A_44 = %scan3A_19 to %scan3A_21 step %scan3A_22  : i32 {
        %mul3A_45 = arith.constant 2 : i32
        %mul3A_46 = arith.muli %mul3A_45, %scan3A_44 : i32
        %add3A = arith.addi %mul3A_11, %mul3A_46 : i32
        %gt3A = arith.constant 0 : i32
        %gt3A_47 = arith.cmpi sgt, %scan3A_44, %gt3A : i32
        %convert_element_type3A_48 = arith.extui %gt3A_47 : i1 to i32
        %cond3A_49 = arith.constant 0 : i32
        %cond3A_50 = arith.cmpi ne, %convert_element_type3A_48, %cond3A_49 : i32
        scf.if %cond3A_50 {
          %dma_wait3A_101 = arith.constant 1 : i32
          %dma_wait3A_102 = arith.constant 0 : i32
          %dma_wait3A_103 = arith.constant 0 : i32
          %dma_wait3A_104 = tpu.memref_slice %arg10[%dma_wait3A_101, %dma_wait3A_102, %dma_wait3A_103] : memref<2x1x128xi32, #tpu.memory_space<vmem>> -> memref<1x1x128xi32, #tpu.memory_space<vmem>>
          %dma_wait3A_105 = tpu.memref_squeeze %dma_wait3A_104 : memref<1x1x128xi32, #tpu.memory_space<vmem>> -> memref<128xi32, #tpu.memory_space<vmem>>
          %dma_wait3A_106 = arith.constant 0 : i32
          %dma_wait3A_107 = arith.constant 0 : i32
          %dma_wait3A_108 = tpu.memref_slice %arg8[%dma_wait3A_106, %dma_wait3A_107] : memref<10240x128xf32, #tpu.memory_space<vmem_shared>> -> memref<10240x128xf32, #tpu.memory_space<vmem_shared>>
          tpu.wait_indirect_dma semaphore(%arg16 : memref<!tpu.dma_semaphore, #tpu.memory_space<semaphore_mem>>) src(%arg12 : memref<128x128xf32, #tpu.memory_space<vmem>>) dst(%dma_wait3A_108 : memref<10240x128xf32, #tpu.memory_space<vmem_shared>>)
        } else {
        }
        %add3A_51 = arith.constant 1 : i32
        %add3A_52 = arith.addi %add3A, %add3A_51 : i32
        "tpu.region"() ({
          %run_scoped3A = tpu.sem_alloc : memref<!tpu.dma_semaphore, #tpu.memory_space<semaphore_mem>>
          %dma_start3A_101 = arith.constant 0 : i32
          %dma_start3A_102 = arith.constant 0 : i32
          %dma_start3A_103 = arith.constant 0 : i32
          %dma_start3A_104 = tpu.memref_slice %arg4[%add3A_52, %dma_start3A_101, %dma_start3A_102, %dma_start3A_103] : memref<2560x2x1x128xi32, #tpu.memory_space<hbm>> -> memref<1x2x1x128xi32, #tpu.memory_space<hbm>>
          %dma_start3A_105 = tpu.memref_squeeze %dma_start3A_104 : memref<1x2x1x128xi32, #tpu.memory_space<hbm>> -> memref<2x1x128xi32, #tpu.memory_space<hbm>>
          %dma_start3A_106 = arith.constant 0 : i32
          %dma_start3A_107 = arith.constant 0 : i32
          %dma_start3A_108 = arith.constant 0 : i32
          %dma_start3A_109 = tpu.memref_slice %arg4[%add3A_52, %dma_start3A_106, %dma_start3A_107, %dma_start3A_108] : memref<2560x2x1x128xi32, #tpu.memory_space<hbm>> -> memref<1x2x1x128xi32, #tpu.memory_space<hbm>>
          %dma_start3A_110 = tpu.memref_squeeze %dma_start3A_109 : memref<1x2x1x128xi32, #tpu.memory_space<hbm>> -> memref<2x1x128xi32, #tpu.memory_space<hbm>>
          tpu.enqueue_dma source(%dma_start3A_110 : memref<2x1x128xi32, #tpu.memory_space<hbm>>) target(%arg10 : memref<2x1x128xi32, #tpu.memory_space<vmem>>) target_semaphore(%run_scoped3A : memref<!tpu.dma_semaphore, #tpu.memory_space<semaphore_mem>>)
          %dma_wait3A_111 = arith.constant 0 : i32
          %dma_wait3A_112 = arith.constant 0 : i32
          %dma_wait3A_113 = arith.constant 0 : i32
          %dma_wait3A_114 = tpu.memref_slice %arg4[%add3A_52, %dma_wait3A_111, %dma_wait3A_112, %dma_wait3A_113] : memref<2560x2x1x128xi32, #tpu.memory_space<hbm>> -> memref<1x2x1x128xi32, #tpu.memory_space<hbm>>
          %dma_wait3A_115 = tpu.memref_squeeze %dma_wait3A_114 : memref<1x2x1x128xi32, #tpu.memory_space<hbm>> -> memref<2x1x128xi32, #tpu.memory_space<hbm>>
          %dma_wait3A_116 = arith.constant 0 : i32
          %dma_wait3A_117 = arith.constant 0 : i32
          %dma_wait3A_118 = arith.constant 0 : i32
          %dma_wait3A_119 = tpu.memref_slice %arg4[%add3A_52, %dma_wait3A_116, %dma_wait3A_117, %dma_wait3A_118] : memref<2560x2x1x128xi32, #tpu.memory_space<hbm>> -> memref<1x2x1x128xi32, #tpu.memory_space<hbm>>
          %dma_wait3A_120 = tpu.memref_squeeze %dma_wait3A_119 : memref<1x2x1x128xi32, #tpu.memory_space<hbm>> -> memref<2x1x128xi32, #tpu.memory_space<hbm>>
          tpu.wait_dma2 semaphore(%run_scoped3A : memref<!tpu.dma_semaphore, #tpu.memory_space<semaphore_mem>>) src(%dma_wait3A_120 : memref<2x1x128xi32, #tpu.memory_space<hbm>>) dst(%arg10 : memref<2x1x128xi32, #tpu.memory_space<vmem>>)
          tpu.yield
        }) : () -> ()
        %dma_start3A_53 = arith.constant 0 : i32
        %dma_start3A_54 = arith.constant 0 : i32
        %dma_start3A_55 = arith.constant 0 : i32
        %dma_start3A_56 = tpu.memref_slice %arg10[%dma_start3A_53, %dma_start3A_54, %dma_start3A_55] : memref<2x1x128xi32, #tpu.memory_space<vmem>> -> memref<1x1x128xi32, #tpu.memory_space<vmem>>
        %dma_start3A_57 = tpu.memref_squeeze %dma_start3A_56 : memref<1x1x128xi32, #tpu.memory_space<vmem>> -> memref<128xi32, #tpu.memory_space<vmem>>
        %dma_start3A_58 = arith.constant 0 : i32
        %dma_start3A_59 = arith.constant 0 : i32
        %dma_start3A_60 = tpu.memref_slice %arg2[%dma_start3A_58, %dma_start3A_59] : memref<10240x128xf32, #tpu.memory_space<hbm>> -> memref<10240x128xf32, #tpu.memory_space<hbm>>
        tpu.enqueue_indirect_dma source(%dma_start3A_60 : memref<10240x128xf32, #tpu.memory_space<hbm>>) target(%arg12 : memref<128x128xf32, #tpu.memory_space<vmem>>) offsets(%dma_start3A_57 : memref<128xi32, #tpu.memory_space<vmem>>) semaphore(%arg14 : memref<!tpu.dma_semaphore, #tpu.memory_space<semaphore_mem>>)
        %dma_wait3A_61 = arith.constant 0 : i32
        %dma_wait3A_62 = arith.constant 0 : i32
        %dma_wait3A_63 = arith.constant 0 : i32
        %dma_wait3A_64 = tpu.memref_slice %arg9[%dma_wait3A_61, %dma_wait3A_62, %dma_wait3A_63] : memref<2x1x128xi32, #tpu.memory_space<vmem>> -> memref<1x1x128xi32, #tpu.memory_space<vmem>>
        %dma_wait3A_65 = tpu.memref_squeeze %dma_wait3A_64 : memref<1x1x128xi32, #tpu.memory_space<vmem>> -> memref<128xi32, #tpu.memory_space<vmem>>
        %dma_wait3A_66 = arith.constant 0 : i32
        %dma_wait3A_67 = arith.constant 0 : i32
        %dma_wait3A_68 = tpu.memref_slice %arg2[%dma_wait3A_66, %dma_wait3A_67] : memref<10240x128xf32, #tpu.memory_space<hbm>> -> memref<10240x128xf32, #tpu.memory_space<hbm>>
        tpu.wait_indirect_dma semaphore(%arg13 : memref<!tpu.dma_semaphore, #tpu.memory_space<semaphore_mem>>) src(%dma_wait3A_68 : memref<10240x128xf32, #tpu.memory_space<hbm>>) dst(%arg11 : memref<128x128xf32, #tpu.memory_space<vmem>>)
        %dma_start3A_69 = arith.constant 1 : i32
        %dma_start3A_70 = arith.constant 0 : i32
        %dma_start3A_71 = arith.constant 0 : i32
        %dma_start3A_72 = tpu.memref_slice %arg9[%dma_start3A_69, %dma_start3A_70, %dma_start3A_71] : memref<2x1x128xi32, #tpu.memory_space<vmem>> -> memref<1x1x128xi32, #tpu.memory_space<vmem>>
        %dma_start3A_73 = tpu.memref_squeeze %dma_start3A_72 : memref<1x1x128xi32, #tpu.memory_space<vmem>> -> memref<128xi32, #tpu.memory_space<vmem>>
        %dma_start3A_74 = arith.constant 0 : i32
        %dma_start3A_75 = arith.constant 0 : i32
        %dma_start3A_76 = tpu.memref_slice %arg8[%dma_start3A_74, %dma_start3A_75] : memref<10240x128xf32, #tpu.memory_space<vmem_shared>> -> memref<10240x128xf32, #tpu.memory_space<vmem_shared>>
        tpu.enqueue_indirect_dma source(%arg11 : memref<128x128xf32, #tpu.memory_space<vmem>>) target(%dma_start3A_76 : memref<10240x128xf32, #tpu.memory_space<vmem_shared>>) offsets(%dma_start3A_73 : memref<128xi32, #tpu.memory_space<vmem>>) semaphore(%arg15 : memref<!tpu.dma_semaphore, #tpu.memory_space<semaphore_mem>>) {add = true}
        %add3A_77 = arith.constant 1 : i32
        %add3A_78 = arith.addi %scan3A_44, %add3A_77 : i32
        %lt3A = arith.constant 80 : i32
        %lt3A_79 = arith.cmpi slt, %add3A_78, %lt3A : i32
        %convert_element_type3A_80 = arith.extui %lt3A_79 : i1 to i32
        %cond3A_81 = arith.constant 1 : i32
        %cond3A_82 = arith.constant 0 : i32
        %cond3A_83 = arith.constant 0 : i32
        %cond3A_84 = arith.cmpi ne, %convert_element_type3A_80, %cond3A_83 : i32
        scf.if %cond3A_84 {
          %dma_wait3A_101 = arith.constant 0 : i32
          %dma_wait3A_102 = tpu.memref_slice %arg9[%cond3A_81, %cond3A_82, %dma_wait3A_101] : memref<2x1x128xi32, #tpu.memory_space<vmem>> -> memref<1x1x128xi32, #tpu.memory_space<vmem>>
          %dma_wait3A_103 = tpu.memref_squeeze %dma_wait3A_102 : memref<1x1x128xi32, #tpu.memory_space<vmem>> -> memref<128xi32, #tpu.memory_space<vmem>>
          %dma_wait3A_104 = arith.constant 0 : i32
          %dma_wait3A_105 = arith.constant 0 : i32
          %dma_wait3A_106 = tpu.memref_slice %arg8[%dma_wait3A_104, %dma_wait3A_105] : memref<10240x128xf32, #tpu.memory_space<vmem_shared>> -> memref<10240x128xf32, #tpu.memory_space<vmem_shared>>
          tpu.wait_indirect_dma semaphore(%arg15 : memref<!tpu.dma_semaphore, #tpu.memory_space<semaphore_mem>>) src(%arg11 : memref<128x128xf32, #tpu.memory_space<vmem>>) dst(%dma_wait3A_106 : memref<10240x128xf32, #tpu.memory_space<vmem_shared>>)
          %add3A_107 = arith.constant 2 : i32
          %add3A_108 = arith.addi %add3A, %add3A_107 : i32
          "tpu.region"() ({
            %run_scoped3A = tpu.sem_alloc : memref<!tpu.dma_semaphore, #tpu.memory_space<semaphore_mem>>
            %dma_start3A_117 = arith.constant 0 : i32
            %dma_start3A_118 = arith.constant 0 : i32
            %dma_start3A_119 = arith.constant 0 : i32
            %dma_start3A_120 = tpu.memref_slice %arg4[%add3A_108, %dma_start3A_117, %dma_start3A_118, %dma_start3A_119] : memref<2560x2x1x128xi32, #tpu.memory_space<hbm>> -> memref<1x2x1x128xi32, #tpu.memory_space<hbm>>
            %dma_start3A_121 = tpu.memref_squeeze %dma_start3A_120 : memref<1x2x1x128xi32, #tpu.memory_space<hbm>> -> memref<2x1x128xi32, #tpu.memory_space<hbm>>
            %dma_start3A_122 = arith.constant 0 : i32
            %dma_start3A_123 = arith.constant 0 : i32
            %dma_start3A_124 = arith.constant 0 : i32
            %dma_start3A_125 = tpu.memref_slice %arg4[%add3A_108, %dma_start3A_122, %dma_start3A_123, %dma_start3A_124] : memref<2560x2x1x128xi32, #tpu.memory_space<hbm>> -> memref<1x2x1x128xi32, #tpu.memory_space<hbm>>
            %dma_start3A_126 = tpu.memref_squeeze %dma_start3A_125 : memref<1x2x1x128xi32, #tpu.memory_space<hbm>> -> memref<2x1x128xi32, #tpu.memory_space<hbm>>
            tpu.enqueue_dma source(%dma_start3A_126 : memref<2x1x128xi32, #tpu.memory_space<hbm>>) target(%arg9 : memref<2x1x128xi32, #tpu.memory_space<vmem>>) target_semaphore(%run_scoped3A : memref<!tpu.dma_semaphore, #tpu.memory_space<semaphore_mem>>)
            %dma_wait3A_127 = arith.constant 0 : i32
            %dma_wait3A_128 = arith.constant 0 : i32
            %dma_wait3A_129 = arith.constant 0 : i32
            %dma_wait3A_130 = tpu.memref_slice %arg4[%add3A_108, %dma_wait3A_127, %dma_wait3A_128, %dma_wait3A_129] : memref<2560x2x1x128xi32, #tpu.memory_space<hbm>> -> memref<1x2x1x128xi32, #tpu.memory_space<hbm>>
            %dma_wait3A_131 = tpu.memref_squeeze %dma_wait3A_130 : memref<1x2x1x128xi32, #tpu.memory_space<hbm>> -> memref<2x1x128xi32, #tpu.memory_space<hbm>>
            %dma_wait3A_132 = arith.constant 0 : i32
            %dma_wait3A_133 = arith.constant 0 : i32
            %dma_wait3A_134 = arith.constant 0 : i32
            %dma_wait3A_135 = tpu.memref_slice %arg4[%add3A_108, %dma_wait3A_132, %dma_wait3A_133, %dma_wait3A_134] : memref<2560x2x1x128xi32, #tpu.memory_space<hbm>> -> memref<1x2x1x128xi32, #tpu.memory_space<hbm>>
            %dma_wait3A_136 = tpu.memref_squeeze %dma_wait3A_135 : memref<1x2x1x128xi32, #tpu.memory_space<hbm>> -> memref<2x1x128xi32, #tpu.memory_space<hbm>>
            tpu.wait_dma2 semaphore(%run_scoped3A : memref<!tpu.dma_semaphore, #tpu.memory_space<semaphore_mem>>) src(%dma_wait3A_136 : memref<2x1x128xi32, #tpu.memory_space<hbm>>) dst(%arg9 : memref<2x1x128xi32, #tpu.memory_space<vmem>>)
            tpu.yield
          }) : () -> ()
          %dma_start3A_109 = arith.constant 0 : i32
          %dma_start3A_110 = arith.constant 0 : i32
          %dma_start3A_111 = arith.constant 0 : i32
          %dma_start3A_112 = tpu.memref_slice %arg9[%dma_start3A_109, %dma_start3A_110, %dma_start3A_111] : memref<2x1x128xi32, #tpu.memory_space<vmem>> -> memref<1x1x128xi32, #tpu.memory_space<vmem>>
          %dma_start3A_113 = tpu.memref_squeeze %dma_start3A_112 : memref<1x1x128xi32, #tpu.memory_space<vmem>> -> memref<128xi32, #tpu.memory_space<vmem>>
          %dma_start3A_114 = arith.constant 0 : i32
          %dma_start3A_115 = arith.constant 0 : i32
          %dma_start3A_116 = tpu.memref_slice %arg2[%dma_start3A_114, %dma_start3A_115] : memref<10240x128xf32, #tpu.memory_space<hbm>> -> memref<10240x128xf32, #tpu.memory_space<hbm>>
          tpu.enqueue_indirect_dma source(%dma_start3A_116 : memref<10240x128xf32, #tpu.memory_space<hbm>>) target(%arg11 : memref<128x128xf32, #tpu.memory_space<vmem>>) offsets(%dma_start3A_113 : memref<128xi32, #tpu.memory_space<vmem>>) semaphore(%arg13 : memref<!tpu.dma_semaphore, #tpu.memory_space<semaphore_mem>>)
        } else {
        }
        %dma_wait3A_85 = arith.constant 0 : i32
        %dma_wait3A_86 = arith.constant 0 : i32
        %dma_wait3A_87 = arith.constant 0 : i32
        %dma_wait3A_88 = tpu.memref_slice %arg10[%dma_wait3A_85, %dma_wait3A_86, %dma_wait3A_87] : memref<2x1x128xi32, #tpu.memory_space<vmem>> -> memref<1x1x128xi32, #tpu.memory_space<vmem>>
        %dma_wait3A_89 = tpu.memref_squeeze %dma_wait3A_88 : memref<1x1x128xi32, #tpu.memory_space<vmem>> -> memref<128xi32, #tpu.memory_space<vmem>>
        %dma_wait3A_90 = arith.constant 0 : i32
        %dma_wait3A_91 = arith.constant 0 : i32
        %dma_wait3A_92 = tpu.memref_slice %arg2[%dma_wait3A_90, %dma_wait3A_91] : memref<10240x128xf32, #tpu.memory_space<hbm>> -> memref<10240x128xf32, #tpu.memory_space<hbm>>
        tpu.wait_indirect_dma semaphore(%arg14 : memref<!tpu.dma_semaphore, #tpu.memory_space<semaphore_mem>>) src(%dma_wait3A_92 : memref<10240x128xf32, #tpu.memory_space<hbm>>) dst(%arg12 : memref<128x128xf32, #tpu.memory_space<vmem>>)
        %dma_start3A_93 = arith.constant 1 : i32
        %dma_start3A_94 = arith.constant 0 : i32
        %dma_start3A_95 = arith.constant 0 : i32
        %dma_start3A_96 = tpu.memref_slice %arg10[%dma_start3A_93, %dma_start3A_94, %dma_start3A_95] : memref<2x1x128xi32, #tpu.memory_space<vmem>> -> memref<1x1x128xi32, #tpu.memory_space<vmem>>
        %dma_start3A_97 = tpu.memref_squeeze %dma_start3A_96 : memref<1x1x128xi32, #tpu.memory_space<vmem>> -> memref<128xi32, #tpu.memory_space<vmem>>
        %dma_start3A_98 = arith.constant 0 : i32
        %dma_start3A_99 = arith.constant 0 : i32
        %dma_start3A_100 = tpu.memref_slice %arg8[%dma_start3A_98, %dma_start3A_99] : memref<10240x128xf32, #tpu.memory_space<vmem_shared>> -> memref<10240x128xf32, #tpu.memory_space<vmem_shared>>
        tpu.enqueue_indirect_dma source(%arg12 : memref<128x128xf32, #tpu.memory_space<vmem>>) target(%dma_start3A_100 : memref<10240x128xf32, #tpu.memory_space<vmem_shared>>) offsets(%dma_start3A_97 : memref<128xi32, #tpu.memory_space<vmem>>) semaphore(%arg16 : memref<!tpu.dma_semaphore, #tpu.memory_space<semaphore_mem>>) {add = true}
      }
      %scan3A_23 = arith.constant 80 : i32
      %dma_wait3A = arith.constant 1 : i32
      %dma_wait3A_24 = arith.constant 0 : i32
      %dma_wait3A_25 = arith.constant 0 : i32
      %dma_wait3A_26 = tpu.memref_slice %arg9[%dma_wait3A, %dma_wait3A_24, %dma_wait3A_25] : memref<2x1x128xi32, #tpu.memory_space<vmem>> -> memref<1x1x128xi32, #tpu.memory_space<vmem>>
      %dma_wait3A_27 = tpu.memref_squeeze %dma_wait3A_26 : memref<1x1x128xi32, #tpu.memory_space<vmem>> -> memref<128xi32, #tpu.memory_space<vmem>>
      %dma_wait3A_28 = arith.constant 0 : i32
      %dma_wait3A_29 = arith.constant 0 : i32
      %dma_wait3A_30 = tpu.memref_slice %arg8[%dma_wait3A_28, %dma_wait3A_29] : memref<10240x128xf32, #tpu.memory_space<vmem_shared>> -> memref<10240x128xf32, #tpu.memory_space<vmem_shared>>
      tpu.wait_indirect_dma semaphore(%arg15 : memref<!tpu.dma_semaphore, #tpu.memory_space<semaphore_mem>>) src(%arg11 : memref<128x128xf32, #tpu.memory_space<vmem>>) dst(%dma_wait3A_30 : memref<10240x128xf32, #tpu.memory_space<vmem_shared>>)
      %dma_wait3A_31 = arith.constant 1 : i32
      %dma_wait3A_32 = arith.constant 0 : i32
      %dma_wait3A_33 = arith.constant 0 : i32
      %dma_wait3A_34 = tpu.memref_slice %arg10[%dma_wait3A_31, %dma_wait3A_32, %dma_wait3A_33] : memref<2x1x128xi32, #tpu.memory_space<vmem>> -> memref<1x1x128xi32, #tpu.memory_space<vmem>>
      %dma_wait3A_35 = tpu.memref_squeeze %dma_wait3A_34 : memref<1x1x128xi32, #tpu.memory_space<vmem>> -> memref<128xi32, #tpu.memory_space<vmem>>
      %dma_wait3A_36 = arith.constant 0 : i32
      %dma_wait3A_37 = arith.constant 0 : i32
      %dma_wait3A_38 = tpu.memref_slice %arg8[%dma_wait3A_36, %dma_wait3A_37] : memref<10240x128xf32, #tpu.memory_space<vmem_shared>> -> memref<10240x128xf32, #tpu.memory_space<vmem_shared>>
      tpu.wait_indirect_dma semaphore(%arg16 : memref<!tpu.dma_semaphore, #tpu.memory_space<semaphore_mem>>) src(%arg12 : memref<128x128xf32, #tpu.memory_space<vmem>>) dst(%dma_wait3A_38 : memref<10240x128xf32, #tpu.memory_space<vmem_shared>>)
      %barrier3A_39 = arith.constant 0 : index
      tpu.barrier barrier_id(%barrier3A_39)
      %mul3A_40 = arith.constant 640 : i32
      %mul3A_41 = arith.muli %arg1, %mul3A_40 : i32
      %mul3A_42 = arith.constant 640 : i32
      %mul3A_43 = arith.muli %arg1, %mul3A_42 : i32
      "tpu.region"() ({
        %run_scoped3A = tpu.sem_alloc : memref<!tpu.dma_semaphore, #tpu.memory_space<semaphore_mem>>
        %dma_start3A_44 = arith.constant 0 : i32
        %dma_start3A_45 = tpu.memref_slice %arg6[%mul3A_43, %dma_start3A_44] : memref<10240x128xf32, #tpu.memory_space<hbm>> -> memref<640x128xf32, #tpu.memory_space<hbm>>
        %dma_start3A_46 = arith.constant 0 : i32
        %dma_start3A_47 = tpu.memref_slice %arg8[%mul3A_41, %dma_start3A_46] : memref<10240x128xf32, #tpu.memory_space<vmem_shared>> -> memref<640x128xf32, #tpu.memory_space<vmem_shared>>
        tpu.enqueue_dma source(%dma_start3A_47 : memref<640x128xf32, #tpu.memory_space<vmem_shared>>) target(%dma_start3A_45 : memref<640x128xf32, #tpu.memory_space<hbm>>) target_semaphore(%run_scoped3A : memref<!tpu.dma_semaphore, #tpu.memory_space<semaphore_mem>>)
        %dma_wait3A_48 = arith.constant 0 : i32
        %dma_wait3A_49 = tpu.memref_slice %arg6[%mul3A_43, %dma_wait3A_48] : memref<10240x128xf32, #tpu.memory_space<hbm>> -> memref<640x128xf32, #tpu.memory_space<hbm>>
        %dma_wait3A_50 = arith.constant 0 : i32
        %dma_wait3A_51 = tpu.memref_slice %arg8[%mul3A_41, %dma_wait3A_50] : memref<10240x128xf32, #tpu.memory_space<vmem_shared>> -> memref<640x128xf32, #tpu.memory_space<vmem_shared>>
        tpu.wait_dma2 semaphore(%run_scoped3A : memref<!tpu.dma_semaphore, #tpu.memory_space<semaphore_mem>>) src(%dma_wait3A_51 : memref<640x128xf32, #tpu.memory_space<vmem_shared>>) dst(%dma_wait3A_49 : memref<640x128xf32, #tpu.memory_space<hbm>>)
        tpu.yield
      }) : () -> ()
    } else {
    }
    %eq3A_2 = arith.constant 1 : i32
    %eq3A_3 = arith.cmpi eq, %arg0, %eq3A_2 : i32
    %convert_element_type3A_4 = arith.extui %eq3A_3 : i1 to i32
    %cond3A_5 = arith.constant 0 : i32
    %cond3A_6 = arith.cmpi ne, %convert_element_type3A_4, %cond3A_5 : i32
    scf.if %cond3A_6 {
      %mul3A = arith.constant 640 : i32
      %mul3A_7 = arith.muli %arg1, %mul3A : i32
      %mul3A_8 = arith.constant 640 : i32
      %mul3A_9 = arith.muli %arg1, %mul3A_8 : i32
      "tpu.region"() ({
        %run_scoped3A = tpu.sem_alloc : memref<!tpu.dma_semaphore, #tpu.memory_space<semaphore_mem>>
        %dma_start3A_44 = arith.constant 0 : i32
        %dma_start3A_45 = tpu.memref_slice %arg8[%mul3A_9, %dma_start3A_44] : memref<10240x128xf32, #tpu.memory_space<vmem_shared>> -> memref<640x128xf32, #tpu.memory_space<vmem_shared>>
        %dma_start3A_46 = arith.constant 0 : i32
        %dma_start3A_47 = tpu.memref_slice %arg3[%mul3A_7, %dma_start3A_46] : memref<10240x128xf32, #tpu.memory_space<hbm>> -> memref<640x128xf32, #tpu.memory_space<hbm>>
        tpu.enqueue_dma source(%dma_start3A_47 : memref<640x128xf32, #tpu.memory_space<hbm>>) target(%dma_start3A_45 : memref<640x128xf32, #tpu.memory_space<vmem_shared>>) target_semaphore(%run_scoped3A : memref<!tpu.dma_semaphore, #tpu.memory_space<semaphore_mem>>)
        %dma_wait3A_48 = arith.constant 0 : i32
        %dma_wait3A_49 = tpu.memref_slice %arg8[%mul3A_9, %dma_wait3A_48] : memref<10240x128xf32, #tpu.memory_space<vmem_shared>> -> memref<640x128xf32, #tpu.memory_space<vmem_shared>>
        %dma_wait3A_50 = arith.constant 0 : i32
        %dma_wait3A_51 = tpu.memref_slice %arg3[%mul3A_7, %dma_wait3A_50] : memref<10240x128xf32, #tpu.memory_space<hbm>> -> memref<640x128xf32, #tpu.memory_space<hbm>>
        tpu.wait_dma2 semaphore(%run_scoped3A : memref<!tpu.dma_semaphore, #tpu.memory_space<semaphore_mem>>) src(%dma_wait3A_51 : memref<640x128xf32, #tpu.memory_space<hbm>>) dst(%dma_wait3A_49 : memref<640x128xf32, #tpu.memory_space<vmem_shared>>)
        tpu.yield
      }) : () -> ()
      %barrier3A = arith.constant 0 : index
      tpu.barrier barrier_id(%barrier3A)
      %mul3A_10 = arith.constant 160 : i32
      %mul3A_11 = arith.muli %arg1, %mul3A_10 : i32
      "tpu.region"() ({
        %run_scoped3A = tpu.sem_alloc : memref<!tpu.dma_semaphore, #tpu.memory_space<semaphore_mem>>
        %dma_start3A_44 = arith.constant 0 : i32
        %dma_start3A_45 = arith.constant 0 : i32
        %dma_start3A_46 = arith.constant 0 : i32
        %dma_start3A_47 = tpu.memref_slice %arg5[%mul3A_11, %dma_start3A_44, %dma_start3A_45, %dma_start3A_46] : memref<2560x2x1x128xi32, #tpu.memory_space<hbm>> -> memref<1x2x1x128xi32, #tpu.memory_space<hbm>>
        %dma_start3A_48 = tpu.memref_squeeze %dma_start3A_47 : memref<1x2x1x128xi32, #tpu.memory_space<hbm>> -> memref<2x1x128xi32, #tpu.memory_space<hbm>>
        %dma_start3A_49 = arith.constant 0 : i32
        %dma_start3A_50 = arith.constant 0 : i32
        %dma_start3A_51 = arith.constant 0 : i32
        %dma_start3A_52 = tpu.memref_slice %arg5[%mul3A_11, %dma_start3A_49, %dma_start3A_50, %dma_start3A_51] : memref<2560x2x1x128xi32, #tpu.memory_space<hbm>> -> memref<1x2x1x128xi32, #tpu.memory_space<hbm>>
        %dma_start3A_53 = tpu.memref_squeeze %dma_start3A_52 : memref<1x2x1x128xi32, #tpu.memory_space<hbm>> -> memref<2x1x128xi32, #tpu.memory_space<hbm>>
        tpu.enqueue_dma source(%dma_start3A_53 : memref<2x1x128xi32, #tpu.memory_space<hbm>>) target(%arg9 : memref<2x1x128xi32, #tpu.memory_space<vmem>>) target_semaphore(%run_scoped3A : memref<!tpu.dma_semaphore, #tpu.memory_space<semaphore_mem>>)
        %dma_wait3A_54 = arith.constant 0 : i32
        %dma_wait3A_55 = arith.constant 0 : i32
        %dma_wait3A_56 = arith.constant 0 : i32
        %dma_wait3A_57 = tpu.memref_slice %arg5[%mul3A_11, %dma_wait3A_54, %dma_wait3A_55, %dma_wait3A_56] : memref<2560x2x1x128xi32, #tpu.memory_space<hbm>> -> memref<1x2x1x128xi32, #tpu.memory_space<hbm>>
        %dma_wait3A_58 = tpu.memref_squeeze %dma_wait3A_57 : memref<1x2x1x128xi32, #tpu.memory_space<hbm>> -> memref<2x1x128xi32, #tpu.memory_space<hbm>>
        %dma_wait3A_59 = arith.constant 0 : i32
        %dma_wait3A_60 = arith.constant 0 : i32
        %dma_wait3A_61 = arith.constant 0 : i32
        %dma_wait3A_62 = tpu.memref_slice %arg5[%mul3A_11, %dma_wait3A_59, %dma_wait3A_60, %dma_wait3A_61] : memref<2560x2x1x128xi32, #tpu.memory_space<hbm>> -> memref<1x2x1x128xi32, #tpu.memory_space<hbm>>
        %dma_wait3A_63 = tpu.memref_squeeze %dma_wait3A_62 : memref<1x2x1x128xi32, #tpu.memory_space<hbm>> -> memref<2x1x128xi32, #tpu.memory_space<hbm>>
        tpu.wait_dma2 semaphore(%run_scoped3A : memref<!tpu.dma_semaphore, #tpu.memory_space<semaphore_mem>>) src(%dma_wait3A_63 : memref<2x1x128xi32, #tpu.memory_space<hbm>>) dst(%arg9 : memref<2x1x128xi32, #tpu.memory_space<vmem>>)
        tpu.yield
      }) : () -> ()
      %dma_start3A = arith.constant 0 : i32
      %dma_start3A_12 = arith.constant 0 : i32
      %dma_start3A_13 = arith.constant 0 : i32
      %dma_start3A_14 = tpu.memref_slice %arg9[%dma_start3A, %dma_start3A_12, %dma_start3A_13] : memref<2x1x128xi32, #tpu.memory_space<vmem>> -> memref<1x1x128xi32, #tpu.memory_space<vmem>>
      %dma_start3A_15 = tpu.memref_squeeze %dma_start3A_14 : memref<1x1x128xi32, #tpu.memory_space<vmem>> -> memref<128xi32, #tpu.memory_space<vmem>>
      %dma_start3A_16 = arith.constant 0 : i32
      %dma_start3A_17 = arith.constant 0 : i32
      %dma_start3A_18 = tpu.memref_slice %arg3[%dma_start3A_16, %dma_start3A_17] : memref<10240x128xf32, #tpu.memory_space<hbm>> -> memref<10240x128xf32, #tpu.memory_space<hbm>>
      tpu.enqueue_indirect_dma source(%dma_start3A_18 : memref<10240x128xf32, #tpu.memory_space<hbm>>) target(%arg11 : memref<128x128xf32, #tpu.memory_space<vmem>>) offsets(%dma_start3A_15 : memref<128xi32, #tpu.memory_space<vmem>>) semaphore(%arg13 : memref<!tpu.dma_semaphore, #tpu.memory_space<semaphore_mem>>)
      %scan3A = arith.constant 0 : i32
      %scan3A_19 = arith.constant 0 : i32
      %scan3A_20 = arith.constant 80 : i32
      %scan3A_21 = arith.addi %scan3A_19, %scan3A_20 : i32
      %scan3A_22 = arith.constant 1 : i32
      scf.for %scan3A_44 = %scan3A_19 to %scan3A_21 step %scan3A_22  : i32 {
        %mul3A_45 = arith.constant 2 : i32
        %mul3A_46 = arith.muli %mul3A_45, %scan3A_44 : i32
        %add3A = arith.addi %mul3A_11, %mul3A_46 : i32
        %gt3A = arith.constant 0 : i32
        %gt3A_47 = arith.cmpi sgt, %scan3A_44, %gt3A : i32
        %convert_element_type3A_48 = arith.extui %gt3A_47 : i1 to i32
        %cond3A_49 = arith.constant 0 : i32
        %cond3A_50 = arith.cmpi ne, %convert_element_type3A_48, %cond3A_49 : i32
        scf.if %cond3A_50 {
          %dma_wait3A_101 = arith.constant 1 : i32
          %dma_wait3A_102 = arith.constant 0 : i32
          %dma_wait3A_103 = arith.constant 0 : i32
          %dma_wait3A_104 = tpu.memref_slice %arg10[%dma_wait3A_101, %dma_wait3A_102, %dma_wait3A_103] : memref<2x1x128xi32, #tpu.memory_space<vmem>> -> memref<1x1x128xi32, #tpu.memory_space<vmem>>
          %dma_wait3A_105 = tpu.memref_squeeze %dma_wait3A_104 : memref<1x1x128xi32, #tpu.memory_space<vmem>> -> memref<128xi32, #tpu.memory_space<vmem>>
          %dma_wait3A_106 = arith.constant 0 : i32
          %dma_wait3A_107 = arith.constant 0 : i32
          %dma_wait3A_108 = tpu.memref_slice %arg8[%dma_wait3A_106, %dma_wait3A_107] : memref<10240x128xf32, #tpu.memory_space<vmem_shared>> -> memref<10240x128xf32, #tpu.memory_space<vmem_shared>>
          tpu.wait_indirect_dma semaphore(%arg16 : memref<!tpu.dma_semaphore, #tpu.memory_space<semaphore_mem>>) src(%arg12 : memref<128x128xf32, #tpu.memory_space<vmem>>) dst(%dma_wait3A_108 : memref<10240x128xf32, #tpu.memory_space<vmem_shared>>)
        } else {
        }
        %add3A_51 = arith.constant 1 : i32
        %add3A_52 = arith.addi %add3A, %add3A_51 : i32
        "tpu.region"() ({
          %run_scoped3A = tpu.sem_alloc : memref<!tpu.dma_semaphore, #tpu.memory_space<semaphore_mem>>
          %dma_start3A_101 = arith.constant 0 : i32
          %dma_start3A_102 = arith.constant 0 : i32
          %dma_start3A_103 = arith.constant 0 : i32
          %dma_start3A_104 = tpu.memref_slice %arg5[%add3A_52, %dma_start3A_101, %dma_start3A_102, %dma_start3A_103] : memref<2560x2x1x128xi32, #tpu.memory_space<hbm>> -> memref<1x2x1x128xi32, #tpu.memory_space<hbm>>
          %dma_start3A_105 = tpu.memref_squeeze %dma_start3A_104 : memref<1x2x1x128xi32, #tpu.memory_space<hbm>> -> memref<2x1x128xi32, #tpu.memory_space<hbm>>
          %dma_start3A_106 = arith.constant 0 : i32
          %dma_start3A_107 = arith.constant 0 : i32
          %dma_start3A_108 = arith.constant 0 : i32
          %dma_start3A_109 = tpu.memref_slice %arg5[%add3A_52, %dma_start3A_106, %dma_start3A_107, %dma_start3A_108] : memref<2560x2x1x128xi32, #tpu.memory_space<hbm>> -> memref<1x2x1x128xi32, #tpu.memory_space<hbm>>
          %dma_start3A_110 = tpu.memref_squeeze %dma_start3A_109 : memref<1x2x1x128xi32, #tpu.memory_space<hbm>> -> memref<2x1x128xi32, #tpu.memory_space<hbm>>
          tpu.enqueue_dma source(%dma_start3A_110 : memref<2x1x128xi32, #tpu.memory_space<hbm>>) target(%arg10 : memref<2x1x128xi32, #tpu.memory_space<vmem>>) target_semaphore(%run_scoped3A : memref<!tpu.dma_semaphore, #tpu.memory_space<semaphore_mem>>)
          %dma_wait3A_111 = arith.constant 0 : i32
          %dma_wait3A_112 = arith.constant 0 : i32
          %dma_wait3A_113 = arith.constant 0 : i32
          %dma_wait3A_114 = tpu.memref_slice %arg5[%add3A_52, %dma_wait3A_111, %dma_wait3A_112, %dma_wait3A_113] : memref<2560x2x1x128xi32, #tpu.memory_space<hbm>> -> memref<1x2x1x128xi32, #tpu.memory_space<hbm>>
          %dma_wait3A_115 = tpu.memref_squeeze %dma_wait3A_114 : memref<1x2x1x128xi32, #tpu.memory_space<hbm>> -> memref<2x1x128xi32, #tpu.memory_space<hbm>>
          %dma_wait3A_116 = arith.constant 0 : i32
          %dma_wait3A_117 = arith.constant 0 : i32
          %dma_wait3A_118 = arith.constant 0 : i32
          %dma_wait3A_119 = tpu.memref_slice %arg5[%add3A_52, %dma_wait3A_116, %dma_wait3A_117, %dma_wait3A_118] : memref<2560x2x1x128xi32, #tpu.memory_space<hbm>> -> memref<1x2x1x128xi32, #tpu.memory_space<hbm>>
          %dma_wait3A_120 = tpu.memref_squeeze %dma_wait3A_119 : memref<1x2x1x128xi32, #tpu.memory_space<hbm>> -> memref<2x1x128xi32, #tpu.memory_space<hbm>>
          tpu.wait_dma2 semaphore(%run_scoped3A : memref<!tpu.dma_semaphore, #tpu.memory_space<semaphore_mem>>) src(%dma_wait3A_120 : memref<2x1x128xi32, #tpu.memory_space<hbm>>) dst(%arg10 : memref<2x1x128xi32, #tpu.memory_space<vmem>>)
          tpu.yield
        }) : () -> ()
        %dma_start3A_53 = arith.constant 0 : i32
        %dma_start3A_54 = arith.constant 0 : i32
        %dma_start3A_55 = arith.constant 0 : i32
        %dma_start3A_56 = tpu.memref_slice %arg10[%dma_start3A_53, %dma_start3A_54, %dma_start3A_55] : memref<2x1x128xi32, #tpu.memory_space<vmem>> -> memref<1x1x128xi32, #tpu.memory_space<vmem>>
        %dma_start3A_57 = tpu.memref_squeeze %dma_start3A_56 : memref<1x1x128xi32, #tpu.memory_space<vmem>> -> memref<128xi32, #tpu.memory_space<vmem>>
        %dma_start3A_58 = arith.constant 0 : i32
        %dma_start3A_59 = arith.constant 0 : i32
        %dma_start3A_60 = tpu.memref_slice %arg3[%dma_start3A_58, %dma_start3A_59] : memref<10240x128xf32, #tpu.memory_space<hbm>> -> memref<10240x128xf32, #tpu.memory_space<hbm>>
        tpu.enqueue_indirect_dma source(%dma_start3A_60 : memref<10240x128xf32, #tpu.memory_space<hbm>>) target(%arg12 : memref<128x128xf32, #tpu.memory_space<vmem>>) offsets(%dma_start3A_57 : memref<128xi32, #tpu.memory_space<vmem>>) semaphore(%arg14 : memref<!tpu.dma_semaphore, #tpu.memory_space<semaphore_mem>>)
        %dma_wait3A_61 = arith.constant 0 : i32
        %dma_wait3A_62 = arith.constant 0 : i32
        %dma_wait3A_63 = arith.constant 0 : i32
        %dma_wait3A_64 = tpu.memref_slice %arg9[%dma_wait3A_61, %dma_wait3A_62, %dma_wait3A_63] : memref<2x1x128xi32, #tpu.memory_space<vmem>> -> memref<1x1x128xi32, #tpu.memory_space<vmem>>
        %dma_wait3A_65 = tpu.memref_squeeze %dma_wait3A_64 : memref<1x1x128xi32, #tpu.memory_space<vmem>> -> memref<128xi32, #tpu.memory_space<vmem>>
        %dma_wait3A_66 = arith.constant 0 : i32
        %dma_wait3A_67 = arith.constant 0 : i32
        %dma_wait3A_68 = tpu.memref_slice %arg3[%dma_wait3A_66, %dma_wait3A_67] : memref<10240x128xf32, #tpu.memory_space<hbm>> -> memref<10240x128xf32, #tpu.memory_space<hbm>>
        tpu.wait_indirect_dma semaphore(%arg13 : memref<!tpu.dma_semaphore, #tpu.memory_space<semaphore_mem>>) src(%dma_wait3A_68 : memref<10240x128xf32, #tpu.memory_space<hbm>>) dst(%arg11 : memref<128x128xf32, #tpu.memory_space<vmem>>)
        %dma_start3A_69 = arith.constant 1 : i32
        %dma_start3A_70 = arith.constant 0 : i32
        %dma_start3A_71 = arith.constant 0 : i32
        %dma_start3A_72 = tpu.memref_slice %arg9[%dma_start3A_69, %dma_start3A_70, %dma_start3A_71] : memref<2x1x128xi32, #tpu.memory_space<vmem>> -> memref<1x1x128xi32, #tpu.memory_space<vmem>>
        %dma_start3A_73 = tpu.memref_squeeze %dma_start3A_72 : memref<1x1x128xi32, #tpu.memory_space<vmem>> -> memref<128xi32, #tpu.memory_space<vmem>>
        %dma_start3A_74 = arith.constant 0 : i32
        %dma_start3A_75 = arith.constant 0 : i32
        %dma_start3A_76 = tpu.memref_slice %arg8[%dma_start3A_74, %dma_start3A_75] : memref<10240x128xf32, #tpu.memory_space<vmem_shared>> -> memref<10240x128xf32, #tpu.memory_space<vmem_shared>>
        tpu.enqueue_indirect_dma source(%arg11 : memref<128x128xf32, #tpu.memory_space<vmem>>) target(%dma_start3A_76 : memref<10240x128xf32, #tpu.memory_space<vmem_shared>>) offsets(%dma_start3A_73 : memref<128xi32, #tpu.memory_space<vmem>>) semaphore(%arg15 : memref<!tpu.dma_semaphore, #tpu.memory_space<semaphore_mem>>) {add = true}
        %add3A_77 = arith.constant 1 : i32
        %add3A_78 = arith.addi %scan3A_44, %add3A_77 : i32
        %lt3A = arith.constant 80 : i32
        %lt3A_79 = arith.cmpi slt, %add3A_78, %lt3A : i32
        %convert_element_type3A_80 = arith.extui %lt3A_79 : i1 to i32
        %cond3A_81 = arith.constant 1 : i32
        %cond3A_82 = arith.constant 0 : i32
        %cond3A_83 = arith.constant 0 : i32
        %cond3A_84 = arith.cmpi ne, %convert_element_type3A_80, %cond3A_83 : i32
        scf.if %cond3A_84 {
          %dma_wait3A_101 = arith.constant 0 : i32
          %dma_wait3A_102 = tpu.memref_slice %arg9[%cond3A_81, %cond3A_82, %dma_wait3A_101] : memref<2x1x128xi32, #tpu.memory_space<vmem>> -> memref<1x1x128xi32, #tpu.memory_space<vmem>>
          %dma_wait3A_103 = tpu.memref_squeeze %dma_wait3A_102 : memref<1x1x128xi32, #tpu.memory_space<vmem>> -> memref<128xi32, #tpu.memory_space<vmem>>
          %dma_wait3A_104 = arith.constant 0 : i32
          %dma_wait3A_105 = arith.constant 0 : i32
          %dma_wait3A_106 = tpu.memref_slice %arg8[%dma_wait3A_104, %dma_wait3A_105] : memref<10240x128xf32, #tpu.memory_space<vmem_shared>> -> memref<10240x128xf32, #tpu.memory_space<vmem_shared>>
          tpu.wait_indirect_dma semaphore(%arg15 : memref<!tpu.dma_semaphore, #tpu.memory_space<semaphore_mem>>) src(%arg11 : memref<128x128xf32, #tpu.memory_space<vmem>>) dst(%dma_wait3A_106 : memref<10240x128xf32, #tpu.memory_space<vmem_shared>>)
          %add3A_107 = arith.constant 2 : i32
          %add3A_108 = arith.addi %add3A, %add3A_107 : i32
          "tpu.region"() ({
            %run_scoped3A = tpu.sem_alloc : memref<!tpu.dma_semaphore, #tpu.memory_space<semaphore_mem>>
            %dma_start3A_117 = arith.constant 0 : i32
            %dma_start3A_118 = arith.constant 0 : i32
            %dma_start3A_119 = arith.constant 0 : i32
            %dma_start3A_120 = tpu.memref_slice %arg5[%add3A_108, %dma_start3A_117, %dma_start3A_118, %dma_start3A_119] : memref<2560x2x1x128xi32, #tpu.memory_space<hbm>> -> memref<1x2x1x128xi32, #tpu.memory_space<hbm>>
            %dma_start3A_121 = tpu.memref_squeeze %dma_start3A_120 : memref<1x2x1x128xi32, #tpu.memory_space<hbm>> -> memref<2x1x128xi32, #tpu.memory_space<hbm>>
            %dma_start3A_122 = arith.constant 0 : i32
            %dma_start3A_123 = arith.constant 0 : i32
            %dma_start3A_124 = arith.constant 0 : i32
            %dma_start3A_125 = tpu.memref_slice %arg5[%add3A_108, %dma_start3A_122, %dma_start3A_123, %dma_start3A_124] : memref<2560x2x1x128xi32, #tpu.memory_space<hbm>> -> memref<1x2x1x128xi32, #tpu.memory_space<hbm>>
            %dma_start3A_126 = tpu.memref_squeeze %dma_start3A_125 : memref<1x2x1x128xi32, #tpu.memory_space<hbm>> -> memref<2x1x128xi32, #tpu.memory_space<hbm>>
            tpu.enqueue_dma source(%dma_start3A_126 : memref<2x1x128xi32, #tpu.memory_space<hbm>>) target(%arg9 : memref<2x1x128xi32, #tpu.memory_space<vmem>>) target_semaphore(%run_scoped3A : memref<!tpu.dma_semaphore, #tpu.memory_space<semaphore_mem>>)
            %dma_wait3A_127 = arith.constant 0 : i32
            %dma_wait3A_128 = arith.constant 0 : i32
            %dma_wait3A_129 = arith.constant 0 : i32
            %dma_wait3A_130 = tpu.memref_slice %arg5[%add3A_108, %dma_wait3A_127, %dma_wait3A_128, %dma_wait3A_129] : memref<2560x2x1x128xi32, #tpu.memory_space<hbm>> -> memref<1x2x1x128xi32, #tpu.memory_space<hbm>>
            %dma_wait3A_131 = tpu.memref_squeeze %dma_wait3A_130 : memref<1x2x1x128xi32, #tpu.memory_space<hbm>> -> memref<2x1x128xi32, #tpu.memory_space<hbm>>
            %dma_wait3A_132 = arith.constant 0 : i32
            %dma_wait3A_133 = arith.constant 0 : i32
            %dma_wait3A_134 = arith.constant 0 : i32
            %dma_wait3A_135 = tpu.memref_slice %arg5[%add3A_108, %dma_wait3A_132, %dma_wait3A_133, %dma_wait3A_134] : memref<2560x2x1x128xi32, #tpu.memory_space<hbm>> -> memref<1x2x1x128xi32, #tpu.memory_space<hbm>>
            %dma_wait3A_136 = tpu.memref_squeeze %dma_wait3A_135 : memref<1x2x1x128xi32, #tpu.memory_space<hbm>> -> memref<2x1x128xi32, #tpu.memory_space<hbm>>
            tpu.wait_dma2 semaphore(%run_scoped3A : memref<!tpu.dma_semaphore, #tpu.memory_space<semaphore_mem>>) src(%dma_wait3A_136 : memref<2x1x128xi32, #tpu.memory_space<hbm>>) dst(%arg9 : memref<2x1x128xi32, #tpu.memory_space<vmem>>)
            tpu.yield
          }) : () -> ()
          %dma_start3A_109 = arith.constant 0 : i32
          %dma_start3A_110 = arith.constant 0 : i32
          %dma_start3A_111 = arith.constant 0 : i32
          %dma_start3A_112 = tpu.memref_slice %arg9[%dma_start3A_109, %dma_start3A_110, %dma_start3A_111] : memref<2x1x128xi32, #tpu.memory_space<vmem>> -> memref<1x1x128xi32, #tpu.memory_space<vmem>>
          %dma_start3A_113 = tpu.memref_squeeze %dma_start3A_112 : memref<1x1x128xi32, #tpu.memory_space<vmem>> -> memref<128xi32, #tpu.memory_space<vmem>>
          %dma_start3A_114 = arith.constant 0 : i32
          %dma_start3A_115 = arith.constant 0 : i32
          %dma_start3A_116 = tpu.memref_slice %arg3[%dma_start3A_114, %dma_start3A_115] : memref<10240x128xf32, #tpu.memory_space<hbm>> -> memref<10240x128xf32, #tpu.memory_space<hbm>>
          tpu.enqueue_indirect_dma source(%dma_start3A_116 : memref<10240x128xf32, #tpu.memory_space<hbm>>) target(%arg11 : memref<128x128xf32, #tpu.memory_space<vmem>>) offsets(%dma_start3A_113 : memref<128xi32, #tpu.memory_space<vmem>>) semaphore(%arg13 : memref<!tpu.dma_semaphore, #tpu.memory_space<semaphore_mem>>)
        } else {
        }
        %dma_wait3A_85 = arith.constant 0 : i32
        %dma_wait3A_86 = arith.constant 0 : i32
        %dma_wait3A_87 = arith.constant 0 : i32
        %dma_wait3A_88 = tpu.memref_slice %arg10[%dma_wait3A_85, %dma_wait3A_86, %dma_wait3A_87] : memref<2x1x128xi32, #tpu.memory_space<vmem>> -> memref<1x1x128xi32, #tpu.memory_space<vmem>>
        %dma_wait3A_89 = tpu.memref_squeeze %dma_wait3A_88 : memref<1x1x128xi32, #tpu.memory_space<vmem>> -> memref<128xi32, #tpu.memory_space<vmem>>
        %dma_wait3A_90 = arith.constant 0 : i32
        %dma_wait3A_91 = arith.constant 0 : i32
        %dma_wait3A_92 = tpu.memref_slice %arg3[%dma_wait3A_90, %dma_wait3A_91] : memref<10240x128xf32, #tpu.memory_space<hbm>> -> memref<10240x128xf32, #tpu.memory_space<hbm>>
        tpu.wait_indirect_dma semaphore(%arg14 : memref<!tpu.dma_semaphore, #tpu.memory_space<semaphore_mem>>) src(%dma_wait3A_92 : memref<10240x128xf32, #tpu.memory_space<hbm>>) dst(%arg12 : memref<128x128xf32, #tpu.memory_space<vmem>>)
        %dma_start3A_93 = arith.constant 1 : i32
        %dma_start3A_94 = arith.constant 0 : i32
        %dma_start3A_95 = arith.constant 0 : i32
        %dma_start3A_96 = tpu.memref_slice %arg10[%dma_start3A_93, %dma_start3A_94, %dma_start3A_95] : memref<2x1x128xi32, #tpu.memory_space<vmem>> -> memref<1x1x128xi32, #tpu.memory_space<vmem>>
        %dma_start3A_97 = tpu.memref_squeeze %dma_start3A_96 : memref<1x1x128xi32, #tpu.memory_space<vmem>> -> memref<128xi32, #tpu.memory_space<vmem>>
        %dma_start3A_98 = arith.constant 0 : i32
        %dma_start3A_99 = arith.constant 0 : i32
        %dma_start3A_100 = tpu.memref_slice %arg8[%dma_start3A_98, %dma_start3A_99] : memref<10240x128xf32, #tpu.memory_space<vmem_shared>> -> memref<10240x128xf32, #tpu.memory_space<vmem_shared>>
        tpu.enqueue_indirect_dma source(%arg12 : memref<128x128xf32, #tpu.memory_space<vmem>>) target(%dma_start3A_100 : memref<10240x128xf32, #tpu.memory_space<vmem_shared>>) offsets(%dma_start3A_97 : memref<128xi32, #tpu.memory_space<vmem>>) semaphore(%arg16 : memref<!tpu.dma_semaphore, #tpu.memory_space<semaphore_mem>>) {add = true}
      }
      %scan3A_23 = arith.constant 80 : i32
      %dma_wait3A = arith.constant 1 : i32
      %dma_wait3A_24 = arith.constant 0 : i32
      %dma_wait3A_25 = arith.constant 0 : i32
      %dma_wait3A_26 = tpu.memref_slice %arg9[%dma_wait3A, %dma_wait3A_24, %dma_wait3A_25] : memref<2x1x128xi32, #tpu.memory_space<vmem>> -> memref<1x1x128xi32, #tpu.memory_space<vmem>>
      %dma_wait3A_27 = tpu.memref_squeeze %dma_wait3A_26 : memref<1x1x128xi32, #tpu.memory_space<vmem>> -> memref<128xi32, #tpu.memory_space<vmem>>
      %dma_wait3A_28 = arith.constant 0 : i32
      %dma_wait3A_29 = arith.constant 0 : i32
      %dma_wait3A_30 = tpu.memref_slice %arg8[%dma_wait3A_28, %dma_wait3A_29] : memref<10240x128xf32, #tpu.memory_space<vmem_shared>> -> memref<10240x128xf32, #tpu.memory_space<vmem_shared>>
      tpu.wait_indirect_dma semaphore(%arg15 : memref<!tpu.dma_semaphore, #tpu.memory_space<semaphore_mem>>) src(%arg11 : memref<128x128xf32, #tpu.memory_space<vmem>>) dst(%dma_wait3A_30 : memref<10240x128xf32, #tpu.memory_space<vmem_shared>>)
      %dma_wait3A_31 = arith.constant 1 : i32
      %dma_wait3A_32 = arith.constant 0 : i32
      %dma_wait3A_33 = arith.constant 0 : i32
      %dma_wait3A_34 = tpu.memref_slice %arg10[%dma_wait3A_31, %dma_wait3A_32, %dma_wait3A_33] : memref<2x1x128xi32, #tpu.memory_space<vmem>> -> memref<1x1x128xi32, #tpu.memory_space<vmem>>
      %dma_wait3A_35 = tpu.memref_squeeze %dma_wait3A_34 : memref<1x1x128xi32, #tpu.memory_space<vmem>> -> memref<128xi32, #tpu.memory_space<vmem>>
      %dma_wait3A_36 = arith.constant 0 : i32
      %dma_wait3A_37 = arith.constant 0 : i32
      %dma_wait3A_38 = tpu.memref_slice %arg8[%dma_wait3A_36, %dma_wait3A_37] : memref<10240x128xf32, #tpu.memory_space<vmem_shared>> -> memref<10240x128xf32, #tpu.memory_space<vmem_shared>>
      tpu.wait_indirect_dma semaphore(%arg16 : memref<!tpu.dma_semaphore, #tpu.memory_space<semaphore_mem>>) src(%arg12 : memref<128x128xf32, #tpu.memory_space<vmem>>) dst(%dma_wait3A_38 : memref<10240x128xf32, #tpu.memory_space<vmem_shared>>)
      %barrier3A_39 = arith.constant 0 : index
      tpu.barrier barrier_id(%barrier3A_39)
      %mul3A_40 = arith.constant 640 : i32
      %mul3A_41 = arith.muli %arg1, %mul3A_40 : i32
      %mul3A_42 = arith.constant 640 : i32
      %mul3A_43 = arith.muli %arg1, %mul3A_42 : i32
      "tpu.region"() ({
        %run_scoped3A = tpu.sem_alloc : memref<!tpu.dma_semaphore, #tpu.memory_space<semaphore_mem>>
        %dma_start3A_44 = arith.constant 0 : i32
        %dma_start3A_45 = tpu.memref_slice %arg7[%mul3A_43, %dma_start3A_44] : memref<10240x128xf32, #tpu.memory_space<hbm>> -> memref<640x128xf32, #tpu.memory_space<hbm>>
        %dma_start3A_46 = arith.constant 0 : i32
        %dma_start3A_47 = tpu.memref_slice %arg8[%mul3A_41, %dma_start3A_46] : memref<10240x128xf32, #tpu.memory_space<vmem_shared>> -> memref<640x128xf32, #tpu.memory_space<vmem_shared>>
        tpu.enqueue_dma source(%dma_start3A_47 : memref<640x128xf32, #tpu.memory_space<vmem_shared>>) target(%dma_start3A_45 : memref<640x128xf32, #tpu.memory_space<hbm>>) target_semaphore(%run_scoped3A : memref<!tpu.dma_semaphore, #tpu.memory_space<semaphore_mem>>)
        %dma_wait3A_48 = arith.constant 0 : i32
        %dma_wait3A_49 = tpu.memref_slice %arg7[%mul3A_43, %dma_wait3A_48] : memref<10240x128xf32, #tpu.memory_space<hbm>> -> memref<640x128xf32, #tpu.memory_space<hbm>>
        %dma_wait3A_50 = arith.constant 0 : i32
        %dma_wait3A_51 = tpu.memref_slice %arg8[%mul3A_41, %dma_wait3A_50] : memref<10240x128xf32, #tpu.memory_space<vmem_shared>> -> memref<640x128xf32, #tpu.memory_space<vmem_shared>>
        tpu.wait_dma2 semaphore(%run_scoped3A : memref<!tpu.dma_semaphore, #tpu.memory_space<semaphore_mem>>) src(%dma_wait3A_51 : memref<640x128xf32, #tpu.memory_space<vmem_shared>>) dst(%dma_wait3A_49 : memref<640x128xf32, #tpu.memory_space<hbm>>)
        tpu.yield
      }) : () -> ()
    } else {
    }
    return
  }
}

#map = affine_map<(d0, d1) -> (0, 0)>
#map1 = affine_map<(d0, d1) -> (0, 0, 0, 0)>
module attributes {stable_mosaic.version = 14 : i64} {
  func.func @_sc_conv_body(%arg0: i32, %arg1: i32, %arg2: memref<10240x128xf32, #tpu.memory_space<hbm>>, %arg3: memref<10240x128xf32, #tpu.memory_space<hbm>>, %arg4: memref<2560x2x1x128xi32, #tpu.memory_space<hbm>>, %arg5: memref<2560x2x1x128xi32, #tpu.memory_space<hbm>>, %arg6: memref<10240x128xf32, #tpu.memory_space<hbm>>, %arg7: memref<10240x128xf32, #tpu.memory_space<hbm>>, %arg8: memref<10240x128xf32, #tpu.memory_space<vmem_shared>>, %arg9: memref<2x1x128xi32, #tpu.memory_space<vmem>>, %arg10: memref<2x1x128xi32, #tpu.memory_space<vmem>>, %arg11: memref<128x128xf32, #tpu.memory_space<vmem>>, %arg12: memref<128x128xf32, #tpu.memory_space<vmem>>, %arg13: memref<!tpu.dma_semaphore, #tpu.memory_space<semaphore_mem>>, %arg14: memref<!tpu.dma_semaphore, #tpu.memory_space<semaphore_mem>>, %arg15: memref<!tpu.dma_semaphore, #tpu.memory_space<semaphore_mem>>, %arg16: memref<!tpu.dma_semaphore, #tpu.memory_space<semaphore_mem>>) attributes {dimension_semantics = [#tpu.dimension_semantics<core_parallel>, #tpu.dimension_semantics<subcore_parallel>], iteration_bounds = array<i64: 2, 16>, scalar_prefetch = 0 : i64, scratch_operands = 9 : i64, tpu.core_type = #tpu.core_type<sc_vector_subcore>, window_params = [{transform_indices = #map}, {transform_indices = #map}, {transform_indices = #map1}, {transform_indices = #map1}, {transform_indices = #map}, {transform_indices = #map}]} {
    %eq3A = arith.constant 0 : i32
    %eq3A_0 = arith.cmpi eq, %arg0, %eq3A : i32
    %convert_element_type3A = arith.extui %eq3A_0 : i1 to i32
    %cond3A = arith.constant 0 : i32
    %cond3A_1 = arith.cmpi ne, %convert_element_type3A, %cond3A : i32
    scf.if %cond3A_1 {
      %mul3A = arith.constant 640 : i32
      %mul3A_7 = arith.muli %arg1, %mul3A : i32
      %mul3A_8 = arith.constant 640 : i32
      %mul3A_9 = arith.muli %arg1, %mul3A_8 : i32
      "tpu.region"() ({
        %run_scoped3A = tpu.sem_alloc : memref<!tpu.dma_semaphore, #tpu.memory_space<semaphore_mem>>
        %dma_start3A_44 = arith.constant 0 : i32
        %dma_start3A_45 = tpu.memref_slice %arg8[%mul3A_9, %dma_start3A_44] : memref<10240x128xf32, #tpu.memory_space<vmem_shared>> -> memref<640x128xf32, #tpu.memory_space<vmem_shared>>
        %dma_start3A_46 = arith.constant 0 : i32
        %dma_start3A_47 = tpu.memref_slice %arg2[%mul3A_7, %dma_start3A_46] : memref<10240x128xf32, #tpu.memory_space<hbm>> -> memref<640x128xf32, #tpu.memory_space<hbm>>
        tpu.enqueue_dma source(%dma_start3A_47 : memref<640x128xf32, #tpu.memory_space<hbm>>) target(%dma_start3A_45 : memref<640x128xf32, #tpu.memory_space<vmem_shared>>) target_semaphore(%run_scoped3A : memref<!tpu.dma_semaphore, #tpu.memory_space<semaphore_mem>>)
        %dma_wait3A_48 = arith.constant 0 : i32
        %dma_wait3A_49 = tpu.memref_slice %arg8[%mul3A_9, %dma_wait3A_48] : memref<10240x128xf32, #tpu.memory_space<vmem_shared>> -> memref<640x128xf32, #tpu.memory_space<vmem_shared>>
        %dma_wait3A_50 = arith.constant 0 : i32
        %dma_wait3A_51 = tpu.memref_slice %arg2[%mul3A_7, %dma_wait3A_50] : memref<10240x128xf32, #tpu.memory_space<hbm>> -> memref<640x128xf32, #tpu.memory_space<hbm>>
        tpu.wait_dma2 semaphore(%run_scoped3A : memref<!tpu.dma_semaphore, #tpu.memory_space<semaphore_mem>>) src(%dma_wait3A_51 : memref<640x128xf32, #tpu.memory_space<hbm>>) dst(%dma_wait3A_49 : memref<640x128xf32, #tpu.memory_space<vmem_shared>>)
        tpu.yield
      }) : () -> ()
      %barrier3A = arith.constant 0 : index
      tpu.barrier barrier_id(%barrier3A)
      %mul3A_10 = arith.constant 160 : i32
      %mul3A_11 = arith.muli %arg1, %mul3A_10 : i32
      "tpu.region"() ({
        %run_scoped3A = tpu.sem_alloc : memref<!tpu.dma_semaphore, #tpu.memory_space<semaphore_mem>>
        %dma_start3A_44 = arith.constant 0 : i32
        %dma_start3A_45 = arith.constant 0 : i32
        %dma_start3A_46 = arith.constant 0 : i32
        %dma_start3A_47 = tpu.memref_slice %arg4[%mul3A_11, %dma_start3A_44, %dma_start3A_45, %dma_start3A_46] : memref<2560x2x1x128xi32, #tpu.memory_space<hbm>> -> memref<1x2x1x128xi32, #tpu.memory_space<hbm>>
        %dma_start3A_48 = tpu.memref_squeeze %dma_start3A_47 : memref<1x2x1x128xi32, #tpu.memory_space<hbm>> -> memref<2x1x128xi32, #tpu.memory_space<hbm>>
        %dma_start3A_49 = arith.constant 0 : i32
        %dma_start3A_50 = arith.constant 0 : i32
        %dma_start3A_51 = arith.constant 0 : i32
        %dma_start3A_52 = tpu.memref_slice %arg4[%mul3A_11, %dma_start3A_49, %dma_start3A_50, %dma_start3A_51] : memref<2560x2x1x128xi32, #tpu.memory_space<hbm>> -> memref<1x2x1x128xi32, #tpu.memory_space<hbm>>
        %dma_start3A_53 = tpu.memref_squeeze %dma_start3A_52 : memref<1x2x1x128xi32, #tpu.memory_space<hbm>> -> memref<2x1x128xi32, #tpu.memory_space<hbm>>
        tpu.enqueue_dma source(%dma_start3A_53 : memref<2x1x128xi32, #tpu.memory_space<hbm>>) target(%arg9 : memref<2x1x128xi32, #tpu.memory_space<vmem>>) target_semaphore(%run_scoped3A : memref<!tpu.dma_semaphore, #tpu.memory_space<semaphore_mem>>)
        %dma_wait3A_54 = arith.constant 0 : i32
        %dma_wait3A_55 = arith.constant 0 : i32
        %dma_wait3A_56 = arith.constant 0 : i32
        %dma_wait3A_57 = tpu.memref_slice %arg4[%mul3A_11, %dma_wait3A_54, %dma_wait3A_55, %dma_wait3A_56] : memref<2560x2x1x128xi32, #tpu.memory_space<hbm>> -> memref<1x2x1x128xi32, #tpu.memory_space<hbm>>
        %dma_wait3A_58 = tpu.memref_squeeze %dma_wait3A_57 : memref<1x2x1x128xi32, #tpu.memory_space<hbm>> -> memref<2x1x128xi32, #tpu.memory_space<hbm>>
        %dma_wait3A_59 = arith.constant 0 : i32
        %dma_wait3A_60 = arith.constant 0 : i32
        %dma_wait3A_61 = arith.constant 0 : i32
        %dma_wait3A_62 = tpu.memref_slice %arg4[%mul3A_11, %dma_wait3A_59, %dma_wait3A_60, %dma_wait3A_61] : memref<2560x2x1x128xi32, #tpu.memory_space<hbm>> -> memref<1x2x1x128xi32, #tpu.memory_space<hbm>>
        %dma_wait3A_63 = tpu.memref_squeeze %dma_wait3A_62 : memref<1x2x1x128xi32, #tpu.memory_space<hbm>> -> memref<2x1x128xi32, #tpu.memory_space<hbm>>
        tpu.wait_dma2 semaphore(%run_scoped3A : memref<!tpu.dma_semaphore, #tpu.memory_space<semaphore_mem>>) src(%dma_wait3A_63 : memref<2x1x128xi32, #tpu.memory_space<hbm>>) dst(%arg9 : memref<2x1x128xi32, #tpu.memory_space<vmem>>)
        tpu.yield
      }) : () -> ()
      %dma_start3A = arith.constant 0 : i32
      %dma_start3A_12 = arith.constant 0 : i32
      %dma_start3A_13 = arith.constant 0 : i32
      %dma_start3A_14 = tpu.memref_slice %arg9[%dma_start3A, %dma_start3A_12, %dma_start3A_13] : memref<2x1x128xi32, #tpu.memory_space<vmem>> -> memref<1x1x128xi32, #tpu.memory_space<vmem>>
      %dma_start3A_15 = tpu.memref_squeeze %dma_start3A_14 : memref<1x1x128xi32, #tpu.memory_space<vmem>> -> memref<128xi32, #tpu.memory_space<vmem>>
      %dma_start3A_16 = arith.constant 0 : i32
      %dma_start3A_17 = arith.constant 0 : i32
      %dma_start3A_18 = tpu.memref_slice %arg2[%dma_start3A_16, %dma_start3A_17] : memref<10240x128xf32, #tpu.memory_space<hbm>> -> memref<10240x128xf32, #tpu.memory_space<hbm>>
      tpu.enqueue_indirect_dma source(%dma_start3A_18 : memref<10240x128xf32, #tpu.memory_space<hbm>>) target(%arg11 : memref<128x128xf32, #tpu.memory_space<vmem>>) offsets(%dma_start3A_15 : memref<128xi32, #tpu.memory_space<vmem>>) semaphore(%arg13 : memref<!tpu.dma_semaphore, #tpu.memory_space<semaphore_mem>>)
      %scan3A = arith.constant 0 : i32
      %scan3A_19 = arith.constant 0 : i32
      %scan3A_20 = arith.constant 80 : i32
      %scan3A_21 = arith.addi %scan3A_19, %scan3A_20 : i32
      %scan3A_22 = arith.constant 1 : i32
      scf.for %scan3A_44 = %scan3A_19 to %scan3A_21 step %scan3A_22  : i32 {
        %mul3A_45 = arith.constant 2 : i32
        %mul3A_46 = arith.muli %mul3A_45, %scan3A_44 : i32
        %add3A = arith.addi %mul3A_11, %mul3A_46 : i32
        %gt3A = arith.constant 0 : i32
        %gt3A_47 = arith.cmpi sgt, %scan3A_44, %gt3A : i32
        %convert_element_type3A_48 = arith.extui %gt3A_47 : i1 to i32
        %cond3A_49 = arith.constant 0 : i32
        %cond3A_50 = arith.cmpi ne, %convert_element_type3A_48, %cond3A_49 : i32
        scf.if %cond3A_50 {
          %dma_wait3A_101 = arith.constant 1 : i32
          %dma_wait3A_102 = arith.constant 0 : i32
          %dma_wait3A_103 = arith.constant 0 : i32
          %dma_wait3A_104 = tpu.memref_slice %arg10[%dma_wait3A_101, %dma_wait3A_102, %dma_wait3A_103] : memref<2x1x128xi32, #tpu.memory_space<vmem>> -> memref<1x1x128xi32, #tpu.memory_space<vmem>>
          %dma_wait3A_105 = tpu.memref_squeeze %dma_wait3A_104 : memref<1x1x128xi32, #tpu.memory_space<vmem>> -> memref<128xi32, #tpu.memory_space<vmem>>
          %dma_wait3A_106 = arith.constant 0 : i32
          %dma_wait3A_107 = arith.constant 0 : i32
          %dma_wait3A_108 = tpu.memref_slice %arg8[%dma_wait3A_106, %dma_wait3A_107] : memref<10240x128xf32, #tpu.memory_space<vmem_shared>> -> memref<10240x128xf32, #tpu.memory_space<vmem_shared>>
          tpu.wait_indirect_dma semaphore(%arg16 : memref<!tpu.dma_semaphore, #tpu.memory_space<semaphore_mem>>) src(%arg12 : memref<128x128xf32, #tpu.memory_space<vmem>>) dst(%dma_wait3A_108 : memref<10240x128xf32, #tpu.memory_space<vmem_shared>>)
        } else {
        }
        %add3A_51 = arith.constant 1 : i32
        %add3A_52 = arith.addi %add3A, %add3A_51 : i32
        "tpu.region"() ({
          %run_scoped3A = tpu.sem_alloc : memref<!tpu.dma_semaphore, #tpu.memory_space<semaphore_mem>>
          %dma_start3A_101 = arith.constant 0 : i32
          %dma_start3A_102 = arith.constant 0 : i32
          %dma_start3A_103 = arith.constant 0 : i32
          %dma_start3A_104 = tpu.memref_slice %arg4[%add3A_52, %dma_start3A_101, %dma_start3A_102, %dma_start3A_103] : memref<2560x2x1x128xi32, #tpu.memory_space<hbm>> -> memref<1x2x1x128xi32, #tpu.memory_space<hbm>>
          %dma_start3A_105 = tpu.memref_squeeze %dma_start3A_104 : memref<1x2x1x128xi32, #tpu.memory_space<hbm>> -> memref<2x1x128xi32, #tpu.memory_space<hbm>>
          %dma_start3A_106 = arith.constant 0 : i32
          %dma_start3A_107 = arith.constant 0 : i32
          %dma_start3A_108 = arith.constant 0 : i32
          %dma_start3A_109 = tpu.memref_slice %arg4[%add3A_52, %dma_start3A_106, %dma_start3A_107, %dma_start3A_108] : memref<2560x2x1x128xi32, #tpu.memory_space<hbm>> -> memref<1x2x1x128xi32, #tpu.memory_space<hbm>>
          %dma_start3A_110 = tpu.memref_squeeze %dma_start3A_109 : memref<1x2x1x128xi32, #tpu.memory_space<hbm>> -> memref<2x1x128xi32, #tpu.memory_space<hbm>>
          tpu.enqueue_dma source(%dma_start3A_110 : memref<2x1x128xi32, #tpu.memory_space<hbm>>) target(%arg10 : memref<2x1x128xi32, #tpu.memory_space<vmem>>) target_semaphore(%run_scoped3A : memref<!tpu.dma_semaphore, #tpu.memory_space<semaphore_mem>>)
          %dma_wait3A_111 = arith.constant 0 : i32
          %dma_wait3A_112 = arith.constant 0 : i32
          %dma_wait3A_113 = arith.constant 0 : i32
          %dma_wait3A_114 = tpu.memref_slice %arg4[%add3A_52, %dma_wait3A_111, %dma_wait3A_112, %dma_wait3A_113] : memref<2560x2x1x128xi32, #tpu.memory_space<hbm>> -> memref<1x2x1x128xi32, #tpu.memory_space<hbm>>
          %dma_wait3A_115 = tpu.memref_squeeze %dma_wait3A_114 : memref<1x2x1x128xi32, #tpu.memory_space<hbm>> -> memref<2x1x128xi32, #tpu.memory_space<hbm>>
          %dma_wait3A_116 = arith.constant 0 : i32
          %dma_wait3A_117 = arith.constant 0 : i32
          %dma_wait3A_118 = arith.constant 0 : i32
          %dma_wait3A_119 = tpu.memref_slice %arg4[%add3A_52, %dma_wait3A_116, %dma_wait3A_117, %dma_wait3A_118] : memref<2560x2x1x128xi32, #tpu.memory_space<hbm>> -> memref<1x2x1x128xi32, #tpu.memory_space<hbm>>
          %dma_wait3A_120 = tpu.memref_squeeze %dma_wait3A_119 : memref<1x2x1x128xi32, #tpu.memory_space<hbm>> -> memref<2x1x128xi32, #tpu.memory_space<hbm>>
          tpu.wait_dma2 semaphore(%run_scoped3A : memref<!tpu.dma_semaphore, #tpu.memory_space<semaphore_mem>>) src(%dma_wait3A_120 : memref<2x1x128xi32, #tpu.memory_space<hbm>>) dst(%arg10 : memref<2x1x128xi32, #tpu.memory_space<vmem>>)
          tpu.yield
        }) : () -> ()
        %dma_start3A_53 = arith.constant 0 : i32
        %dma_start3A_54 = arith.constant 0 : i32
        %dma_start3A_55 = arith.constant 0 : i32
        %dma_start3A_56 = tpu.memref_slice %arg10[%dma_start3A_53, %dma_start3A_54, %dma_start3A_55] : memref<2x1x128xi32, #tpu.memory_space<vmem>> -> memref<1x1x128xi32, #tpu.memory_space<vmem>>
        %dma_start3A_57 = tpu.memref_squeeze %dma_start3A_56 : memref<1x1x128xi32, #tpu.memory_space<vmem>> -> memref<128xi32, #tpu.memory_space<vmem>>
        %dma_start3A_58 = arith.constant 0 : i32
        %dma_start3A_59 = arith.constant 0 : i32
        %dma_start3A_60 = tpu.memref_slice %arg2[%dma_start3A_58, %dma_start3A_59] : memref<10240x128xf32, #tpu.memory_space<hbm>> -> memref<10240x128xf32, #tpu.memory_space<hbm>>
        tpu.enqueue_indirect_dma source(%dma_start3A_60 : memref<10240x128xf32, #tpu.memory_space<hbm>>) target(%arg12 : memref<128x128xf32, #tpu.memory_space<vmem>>) offsets(%dma_start3A_57 : memref<128xi32, #tpu.memory_space<vmem>>) semaphore(%arg14 : memref<!tpu.dma_semaphore, #tpu.memory_space<semaphore_mem>>)
        %dma_wait3A_61 = arith.constant 0 : i32
        %dma_wait3A_62 = arith.constant 0 : i32
        %dma_wait3A_63 = arith.constant 0 : i32
        %dma_wait3A_64 = tpu.memref_slice %arg9[%dma_wait3A_61, %dma_wait3A_62, %dma_wait3A_63] : memref<2x1x128xi32, #tpu.memory_space<vmem>> -> memref<1x1x128xi32, #tpu.memory_space<vmem>>
        %dma_wait3A_65 = tpu.memref_squeeze %dma_wait3A_64 : memref<1x1x128xi32, #tpu.memory_space<vmem>> -> memref<128xi32, #tpu.memory_space<vmem>>
        %dma_wait3A_66 = arith.constant 0 : i32
        %dma_wait3A_67 = arith.constant 0 : i32
        %dma_wait3A_68 = tpu.memref_slice %arg2[%dma_wait3A_66, %dma_wait3A_67] : memref<10240x128xf32, #tpu.memory_space<hbm>> -> memref<10240x128xf32, #tpu.memory_space<hbm>>
        tpu.wait_indirect_dma semaphore(%arg13 : memref<!tpu.dma_semaphore, #tpu.memory_space<semaphore_mem>>) src(%dma_wait3A_68 : memref<10240x128xf32, #tpu.memory_space<hbm>>) dst(%arg11 : memref<128x128xf32, #tpu.memory_space<vmem>>)
        %dma_start3A_69 = arith.constant 1 : i32
        %dma_start3A_70 = arith.constant 0 : i32
        %dma_start3A_71 = arith.constant 0 : i32
        %dma_start3A_72 = tpu.memref_slice %arg9[%dma_start3A_69, %dma_start3A_70, %dma_start3A_71] : memref<2x1x128xi32, #tpu.memory_space<vmem>> -> memref<1x1x128xi32, #tpu.memory_space<vmem>>
        %dma_start3A_73 = tpu.memref_squeeze %dma_start3A_72 : memref<1x1x128xi32, #tpu.memory_space<vmem>> -> memref<128xi32, #tpu.memory_space<vmem>>
        %dma_start3A_74 = arith.constant 0 : i32
        %dma_start3A_75 = arith.constant 0 : i32
        %dma_start3A_76 = tpu.memref_slice %arg8[%dma_start3A_74, %dma_start3A_75] : memref<10240x128xf32, #tpu.memory_space<vmem_shared>> -> memref<10240x128xf32, #tpu.memory_space<vmem_shared>>
        tpu.enqueue_indirect_dma source(%arg11 : memref<128x128xf32, #tpu.memory_space<vmem>>) target(%dma_start3A_76 : memref<10240x128xf32, #tpu.memory_space<vmem_shared>>) offsets(%dma_start3A_73 : memref<128xi32, #tpu.memory_space<vmem>>) semaphore(%arg15 : memref<!tpu.dma_semaphore, #tpu.memory_space<semaphore_mem>>) {add = true}
        %add3A_77 = arith.constant 1 : i32
        %add3A_78 = arith.addi %scan3A_44, %add3A_77 : i32
        %lt3A = arith.constant 80 : i32
        %lt3A_79 = arith.cmpi slt, %add3A_78, %lt3A : i32
        %convert_element_type3A_80 = arith.extui %lt3A_79 : i1 to i32
        %cond3A_81 = arith.constant 1 : i32
        %cond3A_82 = arith.constant 0 : i32
        %cond3A_83 = arith.constant 0 : i32
        %cond3A_84 = arith.cmpi ne, %convert_element_type3A_80, %cond3A_83 : i32
        scf.if %cond3A_84 {
          %dma_wait3A_101 = arith.constant 0 : i32
          %dma_wait3A_102 = tpu.memref_slice %arg9[%cond3A_81, %cond3A_82, %dma_wait3A_101] : memref<2x1x128xi32, #tpu.memory_space<vmem>> -> memref<1x1x128xi32, #tpu.memory_space<vmem>>
          %dma_wait3A_103 = tpu.memref_squeeze %dma_wait3A_102 : memref<1x1x128xi32, #tpu.memory_space<vmem>> -> memref<128xi32, #tpu.memory_space<vmem>>
          %dma_wait3A_104 = arith.constant 0 : i32
          %dma_wait3A_105 = arith.constant 0 : i32
          %dma_wait3A_106 = tpu.memref_slice %arg8[%dma_wait3A_104, %dma_wait3A_105] : memref<10240x128xf32, #tpu.memory_space<vmem_shared>> -> memref<10240x128xf32, #tpu.memory_space<vmem_shared>>
          tpu.wait_indirect_dma semaphore(%arg15 : memref<!tpu.dma_semaphore, #tpu.memory_space<semaphore_mem>>) src(%arg11 : memref<128x128xf32, #tpu.memory_space<vmem>>) dst(%dma_wait3A_106 : memref<10240x128xf32, #tpu.memory_space<vmem_shared>>)
          %add3A_107 = arith.constant 2 : i32
          %add3A_108 = arith.addi %add3A, %add3A_107 : i32
          "tpu.region"() ({
            %run_scoped3A = tpu.sem_alloc : memref<!tpu.dma_semaphore, #tpu.memory_space<semaphore_mem>>
            %dma_start3A_117 = arith.constant 0 : i32
            %dma_start3A_118 = arith.constant 0 : i32
            %dma_start3A_119 = arith.constant 0 : i32
            %dma_start3A_120 = tpu.memref_slice %arg4[%add3A_108, %dma_start3A_117, %dma_start3A_118, %dma_start3A_119] : memref<2560x2x1x128xi32, #tpu.memory_space<hbm>> -> memref<1x2x1x128xi32, #tpu.memory_space<hbm>>
            %dma_start3A_121 = tpu.memref_squeeze %dma_start3A_120 : memref<1x2x1x128xi32, #tpu.memory_space<hbm>> -> memref<2x1x128xi32, #tpu.memory_space<hbm>>
            %dma_start3A_122 = arith.constant 0 : i32
            %dma_start3A_123 = arith.constant 0 : i32
            %dma_start3A_124 = arith.constant 0 : i32
            %dma_start3A_125 = tpu.memref_slice %arg4[%add3A_108, %dma_start3A_122, %dma_start3A_123, %dma_start3A_124] : memref<2560x2x1x128xi32, #tpu.memory_space<hbm>> -> memref<1x2x1x128xi32, #tpu.memory_space<hbm>>
            %dma_start3A_126 = tpu.memref_squeeze %dma_start3A_125 : memref<1x2x1x128xi32, #tpu.memory_space<hbm>> -> memref<2x1x128xi32, #tpu.memory_space<hbm>>
            tpu.enqueue_dma source(%dma_start3A_126 : memref<2x1x128xi32, #tpu.memory_space<hbm>>) target(%arg9 : memref<2x1x128xi32, #tpu.memory_space<vmem>>) target_semaphore(%run_scoped3A : memref<!tpu.dma_semaphore, #tpu.memory_space<semaphore_mem>>)
            %dma_wait3A_127 = arith.constant 0 : i32
            %dma_wait3A_128 = arith.constant 0 : i32
            %dma_wait3A_129 = arith.constant 0 : i32
            %dma_wait3A_130 = tpu.memref_slice %arg4[%add3A_108, %dma_wait3A_127, %dma_wait3A_128, %dma_wait3A_129] : memref<2560x2x1x128xi32, #tpu.memory_space<hbm>> -> memref<1x2x1x128xi32, #tpu.memory_space<hbm>>
            %dma_wait3A_131 = tpu.memref_squeeze %dma_wait3A_130 : memref<1x2x1x128xi32, #tpu.memory_space<hbm>> -> memref<2x1x128xi32, #tpu.memory_space<hbm>>
            %dma_wait3A_132 = arith.constant 0 : i32
            %dma_wait3A_133 = arith.constant 0 : i32
            %dma_wait3A_134 = arith.constant 0 : i32
            %dma_wait3A_135 = tpu.memref_slice %arg4[%add3A_108, %dma_wait3A_132, %dma_wait3A_133, %dma_wait3A_134] : memref<2560x2x1x128xi32, #tpu.memory_space<hbm>> -> memref<1x2x1x128xi32, #tpu.memory_space<hbm>>
            %dma_wait3A_136 = tpu.memref_squeeze %dma_wait3A_135 : memref<1x2x1x128xi32, #tpu.memory_space<hbm>> -> memref<2x1x128xi32, #tpu.memory_space<hbm>>
            tpu.wait_dma2 semaphore(%run_scoped3A : memref<!tpu.dma_semaphore, #tpu.memory_space<semaphore_mem>>) src(%dma_wait3A_136 : memref<2x1x128xi32, #tpu.memory_space<hbm>>) dst(%arg9 : memref<2x1x128xi32, #tpu.memory_space<vmem>>)
            tpu.yield
          }) : () -> ()
          %dma_start3A_109 = arith.constant 0 : i32
          %dma_start3A_110 = arith.constant 0 : i32
          %dma_start3A_111 = arith.constant 0 : i32
          %dma_start3A_112 = tpu.memref_slice %arg9[%dma_start3A_109, %dma_start3A_110, %dma_start3A_111] : memref<2x1x128xi32, #tpu.memory_space<vmem>> -> memref<1x1x128xi32, #tpu.memory_space<vmem>>
          %dma_start3A_113 = tpu.memref_squeeze %dma_start3A_112 : memref<1x1x128xi32, #tpu.memory_space<vmem>> -> memref<128xi32, #tpu.memory_space<vmem>>
          %dma_start3A_114 = arith.constant 0 : i32
          %dma_start3A_115 = arith.constant 0 : i32
          %dma_start3A_116 = tpu.memref_slice %arg2[%dma_start3A_114, %dma_start3A_115] : memref<10240x128xf32, #tpu.memory_space<hbm>> -> memref<10240x128xf32, #tpu.memory_space<hbm>>
          tpu.enqueue_indirect_dma source(%dma_start3A_116 : memref<10240x128xf32, #tpu.memory_space<hbm>>) target(%arg11 : memref<128x128xf32, #tpu.memory_space<vmem>>) offsets(%dma_start3A_113 : memref<128xi32, #tpu.memory_space<vmem>>) semaphore(%arg13 : memref<!tpu.dma_semaphore, #tpu.memory_space<semaphore_mem>>)
        } else {
        }
        %dma_wait3A_85 = arith.constant 0 : i32
        %dma_wait3A_86 = arith.constant 0 : i32
        %dma_wait3A_87 = arith.constant 0 : i32
        %dma_wait3A_88 = tpu.memref_slice %arg10[%dma_wait3A_85, %dma_wait3A_86, %dma_wait3A_87] : memref<2x1x128xi32, #tpu.memory_space<vmem>> -> memref<1x1x128xi32, #tpu.memory_space<vmem>>
        %dma_wait3A_89 = tpu.memref_squeeze %dma_wait3A_88 : memref<1x1x128xi32, #tpu.memory_space<vmem>> -> memref<128xi32, #tpu.memory_space<vmem>>
        %dma_wait3A_90 = arith.constant 0 : i32
        %dma_wait3A_91 = arith.constant 0 : i32
        %dma_wait3A_92 = tpu.memref_slice %arg2[%dma_wait3A_90, %dma_wait3A_91] : memref<10240x128xf32, #tpu.memory_space<hbm>> -> memref<10240x128xf32, #tpu.memory_space<hbm>>
        tpu.wait_indirect_dma semaphore(%arg14 : memref<!tpu.dma_semaphore, #tpu.memory_space<semaphore_mem>>) src(%dma_wait3A_92 : memref<10240x128xf32, #tpu.memory_space<hbm>>) dst(%arg12 : memref<128x128xf32, #tpu.memory_space<vmem>>)
        %dma_start3A_93 = arith.constant 1 : i32
        %dma_start3A_94 = arith.constant 0 : i32
        %dma_start3A_95 = arith.constant 0 : i32
        %dma_start3A_96 = tpu.memref_slice %arg10[%dma_start3A_93, %dma_start3A_94, %dma_start3A_95] : memref<2x1x128xi32, #tpu.memory_space<vmem>> -> memref<1x1x128xi32, #tpu.memory_space<vmem>>
        %dma_start3A_97 = tpu.memref_squeeze %dma_start3A_96 : memref<1x1x128xi32, #tpu.memory_space<vmem>> -> memref<128xi32, #tpu.memory_space<vmem>>
        %dma_start3A_98 = arith.constant 0 : i32
        %dma_start3A_99 = arith.constant 0 : i32
        %dma_start3A_100 = tpu.memref_slice %arg8[%dma_start3A_98, %dma_start3A_99] : memref<10240x128xf32, #tpu.memory_space<vmem_shared>> -> memref<10240x128xf32, #tpu.memory_space<vmem_shared>>
        tpu.enqueue_indirect_dma source(%arg12 : memref<128x128xf32, #tpu.memory_space<vmem>>) target(%dma_start3A_100 : memref<10240x128xf32, #tpu.memory_space<vmem_shared>>) offsets(%dma_start3A_97 : memref<128xi32, #tpu.memory_space<vmem>>) semaphore(%arg16 : memref<!tpu.dma_semaphore, #tpu.memory_space<semaphore_mem>>) {add = true}
      }
      %scan3A_23 = arith.constant 80 : i32
      %dma_wait3A = arith.constant 1 : i32
      %dma_wait3A_24 = arith.constant 0 : i32
      %dma_wait3A_25 = arith.constant 0 : i32
      %dma_wait3A_26 = tpu.memref_slice %arg9[%dma_wait3A, %dma_wait3A_24, %dma_wait3A_25] : memref<2x1x128xi32, #tpu.memory_space<vmem>> -> memref<1x1x128xi32, #tpu.memory_space<vmem>>
      %dma_wait3A_27 = tpu.memref_squeeze %dma_wait3A_26 : memref<1x1x128xi32, #tpu.memory_space<vmem>> -> memref<128xi32, #tpu.memory_space<vmem>>
      %dma_wait3A_28 = arith.constant 0 : i32
      %dma_wait3A_29 = arith.constant 0 : i32
      %dma_wait3A_30 = tpu.memref_slice %arg8[%dma_wait3A_28, %dma_wait3A_29] : memref<10240x128xf32, #tpu.memory_space<vmem_shared>> -> memref<10240x128xf32, #tpu.memory_space<vmem_shared>>
      tpu.wait_indirect_dma semaphore(%arg15 : memref<!tpu.dma_semaphore, #tpu.memory_space<semaphore_mem>>) src(%arg11 : memref<128x128xf32, #tpu.memory_space<vmem>>) dst(%dma_wait3A_30 : memref<10240x128xf32, #tpu.memory_space<vmem_shared>>)
      %dma_wait3A_31 = arith.constant 1 : i32
      %dma_wait3A_32 = arith.constant 0 : i32
      %dma_wait3A_33 = arith.constant 0 : i32
      %dma_wait3A_34 = tpu.memref_slice %arg10[%dma_wait3A_31, %dma_wait3A_32, %dma_wait3A_33] : memref<2x1x128xi32, #tpu.memory_space<vmem>> -> memref<1x1x128xi32, #tpu.memory_space<vmem>>
      %dma_wait3A_35 = tpu.memref_squeeze %dma_wait3A_34 : memref<1x1x128xi32, #tpu.memory_space<vmem>> -> memref<128xi32, #tpu.memory_space<vmem>>
      %dma_wait3A_36 = arith.constant 0 : i32
      %dma_wait3A_37 = arith.constant 0 : i32
      %dma_wait3A_38 = tpu.memref_slice %arg8[%dma_wait3A_36, %dma_wait3A_37] : memref<10240x128xf32, #tpu.memory_space<vmem_shared>> -> memref<10240x128xf32, #tpu.memory_space<vmem_shared>>
      tpu.wait_indirect_dma semaphore(%arg16 : memref<!tpu.dma_semaphore, #tpu.memory_space<semaphore_mem>>) src(%arg12 : memref<128x128xf32, #tpu.memory_space<vmem>>) dst(%dma_wait3A_38 : memref<10240x128xf32, #tpu.memory_space<vmem_shared>>)
      %barrier3A_39 = arith.constant 0 : index
      tpu.barrier barrier_id(%barrier3A_39)
      %mul3A_40 = arith.constant 640 : i32
      %mul3A_41 = arith.muli %arg1, %mul3A_40 : i32
      %mul3A_42 = arith.constant 640 : i32
      %mul3A_43 = arith.muli %arg1, %mul3A_42 : i32
      "tpu.region"() ({
        %run_scoped3A = tpu.sem_alloc : memref<!tpu.dma_semaphore, #tpu.memory_space<semaphore_mem>>
        %dma_start3A_44 = arith.constant 0 : i32
        %dma_start3A_45 = tpu.memref_slice %arg6[%mul3A_43, %dma_start3A_44] : memref<10240x128xf32, #tpu.memory_space<hbm>> -> memref<640x128xf32, #tpu.memory_space<hbm>>
        %dma_start3A_46 = arith.constant 0 : i32
        %dma_start3A_47 = tpu.memref_slice %arg8[%mul3A_41, %dma_start3A_46] : memref<10240x128xf32, #tpu.memory_space<vmem_shared>> -> memref<640x128xf32, #tpu.memory_space<vmem_shared>>
        tpu.enqueue_dma source(%dma_start3A_47 : memref<640x128xf32, #tpu.memory_space<vmem_shared>>) target(%dma_start3A_45 : memref<640x128xf32, #tpu.memory_space<hbm>>) target_semaphore(%run_scoped3A : memref<!tpu.dma_semaphore, #tpu.memory_space<semaphore_mem>>)
        %dma_wait3A_48 = arith.constant 0 : i32
        %dma_wait3A_49 = tpu.memref_slice %arg6[%mul3A_43, %dma_wait3A_48] : memref<10240x128xf32, #tpu.memory_space<hbm>> -> memref<640x128xf32, #tpu.memory_space<hbm>>
        %dma_wait3A_50 = arith.constant 0 : i32
        %dma_wait3A_51 = tpu.memref_slice %arg8[%mul3A_41, %dma_wait3A_50] : memref<10240x128xf32, #tpu.memory_space<vmem_shared>> -> memref<640x128xf32, #tpu.memory_space<vmem_shared>>
        tpu.wait_dma2 semaphore(%run_scoped3A : memref<!tpu.dma_semaphore, #tpu.memory_space<semaphore_mem>>) src(%dma_wait3A_51 : memref<640x128xf32, #tpu.memory_space<vmem_shared>>) dst(%dma_wait3A_49 : memref<640x128xf32, #tpu.memory_space<hbm>>)
        tpu.yield
      }) : () -> ()
    } else {
    }
    %eq3A_2 = arith.constant 1 : i32
    %eq3A_3 = arith.cmpi eq, %arg0, %eq3A_2 : i32
    %convert_element_type3A_4 = arith.extui %eq3A_3 : i1 to i32
    %cond3A_5 = arith.constant 0 : i32
    %cond3A_6 = arith.cmpi ne, %convert_element_type3A_4, %cond3A_5 : i32
    scf.if %cond3A_6 {
      %mul3A = arith.constant 640 : i32
      %mul3A_7 = arith.muli %arg1, %mul3A : i32
      %mul3A_8 = arith.constant 640 : i32
      %mul3A_9 = arith.muli %arg1, %mul3A_8 : i32
      "tpu.region"() ({
        %run_scoped3A = tpu.sem_alloc : memref<!tpu.dma_semaphore, #tpu.memory_space<semaphore_mem>>
        %dma_start3A_44 = arith.constant 0 : i32
        %dma_start3A_45 = tpu.memref_slice %arg8[%mul3A_9, %dma_start3A_44] : memref<10240x128xf32, #tpu.memory_space<vmem_shared>> -> memref<640x128xf32, #tpu.memory_space<vmem_shared>>
        %dma_start3A_46 = arith.constant 0 : i32
        %dma_start3A_47 = tpu.memref_slice %arg3[%mul3A_7, %dma_start3A_46] : memref<10240x128xf32, #tpu.memory_space<hbm>> -> memref<640x128xf32, #tpu.memory_space<hbm>>
        tpu.enqueue_dma source(%dma_start3A_47 : memref<640x128xf32, #tpu.memory_space<hbm>>) target(%dma_start3A_45 : memref<640x128xf32, #tpu.memory_space<vmem_shared>>) target_semaphore(%run_scoped3A : memref<!tpu.dma_semaphore, #tpu.memory_space<semaphore_mem>>)
        %dma_wait3A_48 = arith.constant 0 : i32
        %dma_wait3A_49 = tpu.memref_slice %arg8[%mul3A_9, %dma_wait3A_48] : memref<10240x128xf32, #tpu.memory_space<vmem_shared>> -> memref<640x128xf32, #tpu.memory_space<vmem_shared>>
        %dma_wait3A_50 = arith.constant 0 : i32
        %dma_wait3A_51 = tpu.memref_slice %arg3[%mul3A_7, %dma_wait3A_50] : memref<10240x128xf32, #tpu.memory_space<hbm>> -> memref<640x128xf32, #tpu.memory_space<hbm>>
        tpu.wait_dma2 semaphore(%run_scoped3A : memref<!tpu.dma_semaphore, #tpu.memory_space<semaphore_mem>>) src(%dma_wait3A_51 : memref<640x128xf32, #tpu.memory_space<hbm>>) dst(%dma_wait3A_49 : memref<640x128xf32, #tpu.memory_space<vmem_shared>>)
        tpu.yield
      }) : () -> ()
      %barrier3A = arith.constant 0 : index
      tpu.barrier barrier_id(%barrier3A)
      %mul3A_10 = arith.constant 160 : i32
      %mul3A_11 = arith.muli %arg1, %mul3A_10 : i32
      "tpu.region"() ({
        %run_scoped3A = tpu.sem_alloc : memref<!tpu.dma_semaphore, #tpu.memory_space<semaphore_mem>>
        %dma_start3A_44 = arith.constant 0 : i32
        %dma_start3A_45 = arith.constant 0 : i32
        %dma_start3A_46 = arith.constant 0 : i32
        %dma_start3A_47 = tpu.memref_slice %arg5[%mul3A_11, %dma_start3A_44, %dma_start3A_45, %dma_start3A_46] : memref<2560x2x1x128xi32, #tpu.memory_space<hbm>> -> memref<1x2x1x128xi32, #tpu.memory_space<hbm>>
        %dma_start3A_48 = tpu.memref_squeeze %dma_start3A_47 : memref<1x2x1x128xi32, #tpu.memory_space<hbm>> -> memref<2x1x128xi32, #tpu.memory_space<hbm>>
        %dma_start3A_49 = arith.constant 0 : i32
        %dma_start3A_50 = arith.constant 0 : i32
        %dma_start3A_51 = arith.constant 0 : i32
        %dma_start3A_52 = tpu.memref_slice %arg5[%mul3A_11, %dma_start3A_49, %dma_start3A_50, %dma_start3A_51] : memref<2560x2x1x128xi32, #tpu.memory_space<hbm>> -> memref<1x2x1x128xi32, #tpu.memory_space<hbm>>
        %dma_start3A_53 = tpu.memref_squeeze %dma_start3A_52 : memref<1x2x1x128xi32, #tpu.memory_space<hbm>> -> memref<2x1x128xi32, #tpu.memory_space<hbm>>
        tpu.enqueue_dma source(%dma_start3A_53 : memref<2x1x128xi32, #tpu.memory_space<hbm>>) target(%arg9 : memref<2x1x128xi32, #tpu.memory_space<vmem>>) target_semaphore(%run_scoped3A : memref<!tpu.dma_semaphore, #tpu.memory_space<semaphore_mem>>)
        %dma_wait3A_54 = arith.constant 0 : i32
        %dma_wait3A_55 = arith.constant 0 : i32
        %dma_wait3A_56 = arith.constant 0 : i32
        %dma_wait3A_57 = tpu.memref_slice %arg5[%mul3A_11, %dma_wait3A_54, %dma_wait3A_55, %dma_wait3A_56] : memref<2560x2x1x128xi32, #tpu.memory_space<hbm>> -> memref<1x2x1x128xi32, #tpu.memory_space<hbm>>
        %dma_wait3A_58 = tpu.memref_squeeze %dma_wait3A_57 : memref<1x2x1x128xi32, #tpu.memory_space<hbm>> -> memref<2x1x128xi32, #tpu.memory_space<hbm>>
        %dma_wait3A_59 = arith.constant 0 : i32
        %dma_wait3A_60 = arith.constant 0 : i32
        %dma_wait3A_61 = arith.constant 0 : i32
        %dma_wait3A_62 = tpu.memref_slice %arg5[%mul3A_11, %dma_wait3A_59, %dma_wait3A_60, %dma_wait3A_61] : memref<2560x2x1x128xi32, #tpu.memory_space<hbm>> -> memref<1x2x1x128xi32, #tpu.memory_space<hbm>>
        %dma_wait3A_63 = tpu.memref_squeeze %dma_wait3A_62 : memref<1x2x1x128xi32, #tpu.memory_space<hbm>> -> memref<2x1x128xi32, #tpu.memory_space<hbm>>
        tpu.wait_dma2 semaphore(%run_scoped3A : memref<!tpu.dma_semaphore, #tpu.memory_space<semaphore_mem>>) src(%dma_wait3A_63 : memref<2x1x128xi32, #tpu.memory_space<hbm>>) dst(%arg9 : memref<2x1x128xi32, #tpu.memory_space<vmem>>)
        tpu.yield
      }) : () -> ()
      %dma_start3A = arith.constant 0 : i32
      %dma_start3A_12 = arith.constant 0 : i32
      %dma_start3A_13 = arith.constant 0 : i32
      %dma_start3A_14 = tpu.memref_slice %arg9[%dma_start3A, %dma_start3A_12, %dma_start3A_13] : memref<2x1x128xi32, #tpu.memory_space<vmem>> -> memref<1x1x128xi32, #tpu.memory_space<vmem>>
      %dma_start3A_15 = tpu.memref_squeeze %dma_start3A_14 : memref<1x1x128xi32, #tpu.memory_space<vmem>> -> memref<128xi32, #tpu.memory_space<vmem>>
      %dma_start3A_16 = arith.constant 0 : i32
      %dma_start3A_17 = arith.constant 0 : i32
      %dma_start3A_18 = tpu.memref_slice %arg3[%dma_start3A_16, %dma_start3A_17] : memref<10240x128xf32, #tpu.memory_space<hbm>> -> memref<10240x128xf32, #tpu.memory_space<hbm>>
      tpu.enqueue_indirect_dma source(%dma_start3A_18 : memref<10240x128xf32, #tpu.memory_space<hbm>>) target(%arg11 : memref<128x128xf32, #tpu.memory_space<vmem>>) offsets(%dma_start3A_15 : memref<128xi32, #tpu.memory_space<vmem>>) semaphore(%arg13 : memref<!tpu.dma_semaphore, #tpu.memory_space<semaphore_mem>>)
      %scan3A = arith.constant 0 : i32
      %scan3A_19 = arith.constant 0 : i32
      %scan3A_20 = arith.constant 80 : i32
      %scan3A_21 = arith.addi %scan3A_19, %scan3A_20 : i32
      %scan3A_22 = arith.constant 1 : i32
      scf.for %scan3A_44 = %scan3A_19 to %scan3A_21 step %scan3A_22  : i32 {
        %mul3A_45 = arith.constant 2 : i32
        %mul3A_46 = arith.muli %mul3A_45, %scan3A_44 : i32
        %add3A = arith.addi %mul3A_11, %mul3A_46 : i32
        %gt3A = arith.constant 0 : i32
        %gt3A_47 = arith.cmpi sgt, %scan3A_44, %gt3A : i32
        %convert_element_type3A_48 = arith.extui %gt3A_47 : i1 to i32
        %cond3A_49 = arith.constant 0 : i32
        %cond3A_50 = arith.cmpi ne, %convert_element_type3A_48, %cond3A_49 : i32
        scf.if %cond3A_50 {
          %dma_wait3A_101 = arith.constant 1 : i32
          %dma_wait3A_102 = arith.constant 0 : i32
          %dma_wait3A_103 = arith.constant 0 : i32
          %dma_wait3A_104 = tpu.memref_slice %arg10[%dma_wait3A_101, %dma_wait3A_102, %dma_wait3A_103] : memref<2x1x128xi32, #tpu.memory_space<vmem>> -> memref<1x1x128xi32, #tpu.memory_space<vmem>>
          %dma_wait3A_105 = tpu.memref_squeeze %dma_wait3A_104 : memref<1x1x128xi32, #tpu.memory_space<vmem>> -> memref<128xi32, #tpu.memory_space<vmem>>
          %dma_wait3A_106 = arith.constant 0 : i32
          %dma_wait3A_107 = arith.constant 0 : i32
          %dma_wait3A_108 = tpu.memref_slice %arg8[%dma_wait3A_106, %dma_wait3A_107] : memref<10240x128xf32, #tpu.memory_space<vmem_shared>> -> memref<10240x128xf32, #tpu.memory_space<vmem_shared>>
          tpu.wait_indirect_dma semaphore(%arg16 : memref<!tpu.dma_semaphore, #tpu.memory_space<semaphore_mem>>) src(%arg12 : memref<128x128xf32, #tpu.memory_space<vmem>>) dst(%dma_wait3A_108 : memref<10240x128xf32, #tpu.memory_space<vmem_shared>>)
        } else {
        }
        %add3A_51 = arith.constant 1 : i32
        %add3A_52 = arith.addi %add3A, %add3A_51 : i32
        "tpu.region"() ({
          %run_scoped3A = tpu.sem_alloc : memref<!tpu.dma_semaphore, #tpu.memory_space<semaphore_mem>>
          %dma_start3A_101 = arith.constant 0 : i32
          %dma_start3A_102 = arith.constant 0 : i32
          %dma_start3A_103 = arith.constant 0 : i32
          %dma_start3A_104 = tpu.memref_slice %arg5[%add3A_52, %dma_start3A_101, %dma_start3A_102, %dma_start3A_103] : memref<2560x2x1x128xi32, #tpu.memory_space<hbm>> -> memref<1x2x1x128xi32, #tpu.memory_space<hbm>>
          %dma_start3A_105 = tpu.memref_squeeze %dma_start3A_104 : memref<1x2x1x128xi32, #tpu.memory_space<hbm>> -> memref<2x1x128xi32, #tpu.memory_space<hbm>>
          %dma_start3A_106 = arith.constant 0 : i32
          %dma_start3A_107 = arith.constant 0 : i32
          %dma_start3A_108 = arith.constant 0 : i32
          %dma_start3A_109 = tpu.memref_slice %arg5[%add3A_52, %dma_start3A_106, %dma_start3A_107, %dma_start3A_108] : memref<2560x2x1x128xi32, #tpu.memory_space<hbm>> -> memref<1x2x1x128xi32, #tpu.memory_space<hbm>>
          %dma_start3A_110 = tpu.memref_squeeze %dma_start3A_109 : memref<1x2x1x128xi32, #tpu.memory_space<hbm>> -> memref<2x1x128xi32, #tpu.memory_space<hbm>>
          tpu.enqueue_dma source(%dma_start3A_110 : memref<2x1x128xi32, #tpu.memory_space<hbm>>) target(%arg10 : memref<2x1x128xi32, #tpu.memory_space<vmem>>) target_semaphore(%run_scoped3A : memref<!tpu.dma_semaphore, #tpu.memory_space<semaphore_mem>>)
          %dma_wait3A_111 = arith.constant 0 : i32
          %dma_wait3A_112 = arith.constant 0 : i32
          %dma_wait3A_113 = arith.constant 0 : i32
          %dma_wait3A_114 = tpu.memref_slice %arg5[%add3A_52, %dma_wait3A_111, %dma_wait3A_112, %dma_wait3A_113] : memref<2560x2x1x128xi32, #tpu.memory_space<hbm>> -> memref<1x2x1x128xi32, #tpu.memory_space<hbm>>
          %dma_wait3A_115 = tpu.memref_squeeze %dma_wait3A_114 : memref<1x2x1x128xi32, #tpu.memory_space<hbm>> -> memref<2x1x128xi32, #tpu.memory_space<hbm>>
          %dma_wait3A_116 = arith.constant 0 : i32
          %dma_wait3A_117 = arith.constant 0 : i32
          %dma_wait3A_118 = arith.constant 0 : i32
          %dma_wait3A_119 = tpu.memref_slice %arg5[%add3A_52, %dma_wait3A_116, %dma_wait3A_117, %dma_wait3A_118] : memref<2560x2x1x128xi32, #tpu.memory_space<hbm>> -> memref<1x2x1x128xi32, #tpu.memory_space<hbm>>
          %dma_wait3A_120 = tpu.memref_squeeze %dma_wait3A_119 : memref<1x2x1x128xi32, #tpu.memory_space<hbm>> -> memref<2x1x128xi32, #tpu.memory_space<hbm>>
          tpu.wait_dma2 semaphore(%run_scoped3A : memref<!tpu.dma_semaphore, #tpu.memory_space<semaphore_mem>>) src(%dma_wait3A_120 : memref<2x1x128xi32, #tpu.memory_space<hbm>>) dst(%arg10 : memref<2x1x128xi32, #tpu.memory_space<vmem>>)
          tpu.yield
        }) : () -> ()
        %dma_start3A_53 = arith.constant 0 : i32
        %dma_start3A_54 = arith.constant 0 : i32
        %dma_start3A_55 = arith.constant 0 : i32
        %dma_start3A_56 = tpu.memref_slice %arg10[%dma_start3A_53, %dma_start3A_54, %dma_start3A_55] : memref<2x1x128xi32, #tpu.memory_space<vmem>> -> memref<1x1x128xi32, #tpu.memory_space<vmem>>
        %dma_start3A_57 = tpu.memref_squeeze %dma_start3A_56 : memref<1x1x128xi32, #tpu.memory_space<vmem>> -> memref<128xi32, #tpu.memory_space<vmem>>
        %dma_start3A_58 = arith.constant 0 : i32
        %dma_start3A_59 = arith.constant 0 : i32
        %dma_start3A_60 = tpu.memref_slice %arg3[%dma_start3A_58, %dma_start3A_59] : memref<10240x128xf32, #tpu.memory_space<hbm>> -> memref<10240x128xf32, #tpu.memory_space<hbm>>
        tpu.enqueue_indirect_dma source(%dma_start3A_60 : memref<10240x128xf32, #tpu.memory_space<hbm>>) target(%arg12 : memref<128x128xf32, #tpu.memory_space<vmem>>) offsets(%dma_start3A_57 : memref<128xi32, #tpu.memory_space<vmem>>) semaphore(%arg14 : memref<!tpu.dma_semaphore, #tpu.memory_space<semaphore_mem>>)
        %dma_wait3A_61 = arith.constant 0 : i32
        %dma_wait3A_62 = arith.constant 0 : i32
        %dma_wait3A_63 = arith.constant 0 : i32
        %dma_wait3A_64 = tpu.memref_slice %arg9[%dma_wait3A_61, %dma_wait3A_62, %dma_wait3A_63] : memref<2x1x128xi32, #tpu.memory_space<vmem>> -> memref<1x1x128xi32, #tpu.memory_space<vmem>>
        %dma_wait3A_65 = tpu.memref_squeeze %dma_wait3A_64 : memref<1x1x128xi32, #tpu.memory_space<vmem>> -> memref<128xi32, #tpu.memory_space<vmem>>
        %dma_wait3A_66 = arith.constant 0 : i32
        %dma_wait3A_67 = arith.constant 0 : i32
        %dma_wait3A_68 = tpu.memref_slice %arg3[%dma_wait3A_66, %dma_wait3A_67] : memref<10240x128xf32, #tpu.memory_space<hbm>> -> memref<10240x128xf32, #tpu.memory_space<hbm>>
        tpu.wait_indirect_dma semaphore(%arg13 : memref<!tpu.dma_semaphore, #tpu.memory_space<semaphore_mem>>) src(%dma_wait3A_68 : memref<10240x128xf32, #tpu.memory_space<hbm>>) dst(%arg11 : memref<128x128xf32, #tpu.memory_space<vmem>>)
        %dma_start3A_69 = arith.constant 1 : i32
        %dma_start3A_70 = arith.constant 0 : i32
        %dma_start3A_71 = arith.constant 0 : i32
        %dma_start3A_72 = tpu.memref_slice %arg9[%dma_start3A_69, %dma_start3A_70, %dma_start3A_71] : memref<2x1x128xi32, #tpu.memory_space<vmem>> -> memref<1x1x128xi32, #tpu.memory_space<vmem>>
        %dma_start3A_73 = tpu.memref_squeeze %dma_start3A_72 : memref<1x1x128xi32, #tpu.memory_space<vmem>> -> memref<128xi32, #tpu.memory_space<vmem>>
        %dma_start3A_74 = arith.constant 0 : i32
        %dma_start3A_75 = arith.constant 0 : i32
        %dma_start3A_76 = tpu.memref_slice %arg8[%dma_start3A_74, %dma_start3A_75] : memref<10240x128xf32, #tpu.memory_space<vmem_shared>> -> memref<10240x128xf32, #tpu.memory_space<vmem_shared>>
        tpu.enqueue_indirect_dma source(%arg11 : memref<128x128xf32, #tpu.memory_space<vmem>>) target(%dma_start3A_76 : memref<10240x128xf32, #tpu.memory_space<vmem_shared>>) offsets(%dma_start3A_73 : memref<128xi32, #tpu.memory_space<vmem>>) semaphore(%arg15 : memref<!tpu.dma_semaphore, #tpu.memory_space<semaphore_mem>>) {add = true}
        %add3A_77 = arith.constant 1 : i32
        %add3A_78 = arith.addi %scan3A_44, %add3A_77 : i32
        %lt3A = arith.constant 80 : i32
        %lt3A_79 = arith.cmpi slt, %add3A_78, %lt3A : i32
        %convert_element_type3A_80 = arith.extui %lt3A_79 : i1 to i32
        %cond3A_81 = arith.constant 1 : i32
        %cond3A_82 = arith.constant 0 : i32
        %cond3A_83 = arith.constant 0 : i32
        %cond3A_84 = arith.cmpi ne, %convert_element_type3A_80, %cond3A_83 : i32
        scf.if %cond3A_84 {
          %dma_wait3A_101 = arith.constant 0 : i32
          %dma_wait3A_102 = tpu.memref_slice %arg9[%cond3A_81, %cond3A_82, %dma_wait3A_101] : memref<2x1x128xi32, #tpu.memory_space<vmem>> -> memref<1x1x128xi32, #tpu.memory_space<vmem>>
          %dma_wait3A_103 = tpu.memref_squeeze %dma_wait3A_102 : memref<1x1x128xi32, #tpu.memory_space<vmem>> -> memref<128xi32, #tpu.memory_space<vmem>>
          %dma_wait3A_104 = arith.constant 0 : i32
          %dma_wait3A_105 = arith.constant 0 : i32
          %dma_wait3A_106 = tpu.memref_slice %arg8[%dma_wait3A_104, %dma_wait3A_105] : memref<10240x128xf32, #tpu.memory_space<vmem_shared>> -> memref<10240x128xf32, #tpu.memory_space<vmem_shared>>
          tpu.wait_indirect_dma semaphore(%arg15 : memref<!tpu.dma_semaphore, #tpu.memory_space<semaphore_mem>>) src(%arg11 : memref<128x128xf32, #tpu.memory_space<vmem>>) dst(%dma_wait3A_106 : memref<10240x128xf32, #tpu.memory_space<vmem_shared>>)
          %add3A_107 = arith.constant 2 : i32
          %add3A_108 = arith.addi %add3A, %add3A_107 : i32
          "tpu.region"() ({
            %run_scoped3A = tpu.sem_alloc : memref<!tpu.dma_semaphore, #tpu.memory_space<semaphore_mem>>
            %dma_start3A_117 = arith.constant 0 : i32
            %dma_start3A_118 = arith.constant 0 : i32
            %dma_start3A_119 = arith.constant 0 : i32
            %dma_start3A_120 = tpu.memref_slice %arg5[%add3A_108, %dma_start3A_117, %dma_start3A_118, %dma_start3A_119] : memref<2560x2x1x128xi32, #tpu.memory_space<hbm>> -> memref<1x2x1x128xi32, #tpu.memory_space<hbm>>
            %dma_start3A_121 = tpu.memref_squeeze %dma_start3A_120 : memref<1x2x1x128xi32, #tpu.memory_space<hbm>> -> memref<2x1x128xi32, #tpu.memory_space<hbm>>
            %dma_start3A_122 = arith.constant 0 : i32
            %dma_start3A_123 = arith.constant 0 : i32
            %dma_start3A_124 = arith.constant 0 : i32
            %dma_start3A_125 = tpu.memref_slice %arg5[%add3A_108, %dma_start3A_122, %dma_start3A_123, %dma_start3A_124] : memref<2560x2x1x128xi32, #tpu.memory_space<hbm>> -> memref<1x2x1x128xi32, #tpu.memory_space<hbm>>
            %dma_start3A_126 = tpu.memref_squeeze %dma_start3A_125 : memref<1x2x1x128xi32, #tpu.memory_space<hbm>> -> memref<2x1x128xi32, #tpu.memory_space<hbm>>
            tpu.enqueue_dma source(%dma_start3A_126 : memref<2x1x128xi32, #tpu.memory_space<hbm>>) target(%arg9 : memref<2x1x128xi32, #tpu.memory_space<vmem>>) target_semaphore(%run_scoped3A : memref<!tpu.dma_semaphore, #tpu.memory_space<semaphore_mem>>)
            %dma_wait3A_127 = arith.constant 0 : i32
            %dma_wait3A_128 = arith.constant 0 : i32
            %dma_wait3A_129 = arith.constant 0 : i32
            %dma_wait3A_130 = tpu.memref_slice %arg5[%add3A_108, %dma_wait3A_127, %dma_wait3A_128, %dma_wait3A_129] : memref<2560x2x1x128xi32, #tpu.memory_space<hbm>> -> memref<1x2x1x128xi32, #tpu.memory_space<hbm>>
            %dma_wait3A_131 = tpu.memref_squeeze %dma_wait3A_130 : memref<1x2x1x128xi32, #tpu.memory_space<hbm>> -> memref<2x1x128xi32, #tpu.memory_space<hbm>>
            %dma_wait3A_132 = arith.constant 0 : i32
            %dma_wait3A_133 = arith.constant 0 : i32
            %dma_wait3A_134 = arith.constant 0 : i32
            %dma_wait3A_135 = tpu.memref_slice %arg5[%add3A_108, %dma_wait3A_132, %dma_wait3A_133, %dma_wait3A_134] : memref<2560x2x1x128xi32, #tpu.memory_space<hbm>> -> memref<1x2x1x128xi32, #tpu.memory_space<hbm>>
            %dma_wait3A_136 = tpu.memref_squeeze %dma_wait3A_135 : memref<1x2x1x128xi32, #tpu.memory_space<hbm>> -> memref<2x1x128xi32, #tpu.memory_space<hbm>>
            tpu.wait_dma2 semaphore(%run_scoped3A : memref<!tpu.dma_semaphore, #tpu.memory_space<semaphore_mem>>) src(%dma_wait3A_136 : memref<2x1x128xi32, #tpu.memory_space<hbm>>) dst(%arg9 : memref<2x1x128xi32, #tpu.memory_space<vmem>>)
            tpu.yield
          }) : () -> ()
          %dma_start3A_109 = arith.constant 0 : i32
          %dma_start3A_110 = arith.constant 0 : i32
          %dma_start3A_111 = arith.constant 0 : i32
          %dma_start3A_112 = tpu.memref_slice %arg9[%dma_start3A_109, %dma_start3A_110, %dma_start3A_111] : memref<2x1x128xi32, #tpu.memory_space<vmem>> -> memref<1x1x128xi32, #tpu.memory_space<vmem>>
          %dma_start3A_113 = tpu.memref_squeeze %dma_start3A_112 : memref<1x1x128xi32, #tpu.memory_space<vmem>> -> memref<128xi32, #tpu.memory_space<vmem>>
          %dma_start3A_114 = arith.constant 0 : i32
          %dma_start3A_115 = arith.constant 0 : i32
          %dma_start3A_116 = tpu.memref_slice %arg3[%dma_start3A_114, %dma_start3A_115] : memref<10240x128xf32, #tpu.memory_space<hbm>> -> memref<10240x128xf32, #tpu.memory_space<hbm>>
          tpu.enqueue_indirect_dma source(%dma_start3A_116 : memref<10240x128xf32, #tpu.memory_space<hbm>>) target(%arg11 : memref<128x128xf32, #tpu.memory_space<vmem>>) offsets(%dma_start3A_113 : memref<128xi32, #tpu.memory_space<vmem>>) semaphore(%arg13 : memref<!tpu.dma_semaphore, #tpu.memory_space<semaphore_mem>>)
        } else {
        }
        %dma_wait3A_85 = arith.constant 0 : i32
        %dma_wait3A_86 = arith.constant 0 : i32
        %dma_wait3A_87 = arith.constant 0 : i32
        %dma_wait3A_88 = tpu.memref_slice %arg10[%dma_wait3A_85, %dma_wait3A_86, %dma_wait3A_87] : memref<2x1x128xi32, #tpu.memory_space<vmem>> -> memref<1x1x128xi32, #tpu.memory_space<vmem>>
        %dma_wait3A_89 = tpu.memref_squeeze %dma_wait3A_88 : memref<1x1x128xi32, #tpu.memory_space<vmem>> -> memref<128xi32, #tpu.memory_space<vmem>>
        %dma_wait3A_90 = arith.constant 0 : i32
        %dma_wait3A_91 = arith.constant 0 : i32
        %dma_wait3A_92 = tpu.memref_slice %arg3[%dma_wait3A_90, %dma_wait3A_91] : memref<10240x128xf32, #tpu.memory_space<hbm>> -> memref<10240x128xf32, #tpu.memory_space<hbm>>
        tpu.wait_indirect_dma semaphore(%arg14 : memref<!tpu.dma_semaphore, #tpu.memory_space<semaphore_mem>>) src(%dma_wait3A_92 : memref<10240x128xf32, #tpu.memory_space<hbm>>) dst(%arg12 : memref<128x128xf32, #tpu.memory_space<vmem>>)
        %dma_start3A_93 = arith.constant 1 : i32
        %dma_start3A_94 = arith.constant 0 : i32
        %dma_start3A_95 = arith.constant 0 : i32
        %dma_start3A_96 = tpu.memref_slice %arg10[%dma_start3A_93, %dma_start3A_94, %dma_start3A_95] : memref<2x1x128xi32, #tpu.memory_space<vmem>> -> memref<1x1x128xi32, #tpu.memory_space<vmem>>
        %dma_start3A_97 = tpu.memref_squeeze %dma_start3A_96 : memref<1x1x128xi32, #tpu.memory_space<vmem>> -> memref<128xi32, #tpu.memory_space<vmem>>
        %dma_start3A_98 = arith.constant 0 : i32
        %dma_start3A_99 = arith.constant 0 : i32
        %dma_start3A_100 = tpu.memref_slice %arg8[%dma_start3A_98, %dma_start3A_99] : memref<10240x128xf32, #tpu.memory_space<vmem_shared>> -> memref<10240x128xf32, #tpu.memory_space<vmem_shared>>
        tpu.enqueue_indirect_dma source(%arg12 : memref<128x128xf32, #tpu.memory_space<vmem>>) target(%dma_start3A_100 : memref<10240x128xf32, #tpu.memory_space<vmem_shared>>) offsets(%dma_start3A_97 : memref<128xi32, #tpu.memory_space<vmem>>) semaphore(%arg16 : memref<!tpu.dma_semaphore, #tpu.memory_space<semaphore_mem>>) {add = true}
      }
      %scan3A_23 = arith.constant 80 : i32
      %dma_wait3A = arith.constant 1 : i32
      %dma_wait3A_24 = arith.constant 0 : i32
      %dma_wait3A_25 = arith.constant 0 : i32
      %dma_wait3A_26 = tpu.memref_slice %arg9[%dma_wait3A, %dma_wait3A_24, %dma_wait3A_25] : memref<2x1x128xi32, #tpu.memory_space<vmem>> -> memref<1x1x128xi32, #tpu.memory_space<vmem>>
      %dma_wait3A_27 = tpu.memref_squeeze %dma_wait3A_26 : memref<1x1x128xi32, #tpu.memory_space<vmem>> -> memref<128xi32, #tpu.memory_space<vmem>>
      %dma_wait3A_28 = arith.constant 0 : i32
      %dma_wait3A_29 = arith.constant 0 : i32
      %dma_wait3A_30 = tpu.memref_slice %arg8[%dma_wait3A_28, %dma_wait3A_29] : memref<10240x128xf32, #tpu.memory_space<vmem_shared>> -> memref<10240x128xf32, #tpu.memory_space<vmem_shared>>
      tpu.wait_indirect_dma semaphore(%arg15 : memref<!tpu.dma_semaphore, #tpu.memory_space<semaphore_mem>>) src(%arg11 : memref<128x128xf32, #tpu.memory_space<vmem>>) dst(%dma_wait3A_30 : memref<10240x128xf32, #tpu.memory_space<vmem_shared>>)
      %dma_wait3A_31 = arith.constant 1 : i32
      %dma_wait3A_32 = arith.constant 0 : i32
      %dma_wait3A_33 = arith.constant 0 : i32
      %dma_wait3A_34 = tpu.memref_slice %arg10[%dma_wait3A_31, %dma_wait3A_32, %dma_wait3A_33] : memref<2x1x128xi32, #tpu.memory_space<vmem>> -> memref<1x1x128xi32, #tpu.memory_space<vmem>>
      %dma_wait3A_35 = tpu.memref_squeeze %dma_wait3A_34 : memref<1x1x128xi32, #tpu.memory_space<vmem>> -> memref<128xi32, #tpu.memory_space<vmem>>
      %dma_wait3A_36 = arith.constant 0 : i32
      %dma_wait3A_37 = arith.constant 0 : i32
      %dma_wait3A_38 = tpu.memref_slice %arg8[%dma_wait3A_36, %dma_wait3A_37] : memref<10240x128xf32, #tpu.memory_space<vmem_shared>> -> memref<10240x128xf32, #tpu.memory_space<vmem_shared>>
      tpu.wait_indirect_dma semaphore(%arg16 : memref<!tpu.dma_semaphore, #tpu.memory_space<semaphore_mem>>) src(%arg12 : memref<128x128xf32, #tpu.memory_space<vmem>>) dst(%dma_wait3A_38 : memref<10240x128xf32, #tpu.memory_space<vmem_shared>>)
      %barrier3A_39 = arith.constant 0 : index
      tpu.barrier barrier_id(%barrier3A_39)
      %mul3A_40 = arith.constant 640 : i32
      %mul3A_41 = arith.muli %arg1, %mul3A_40 : i32
      %mul3A_42 = arith.constant 640 : i32
      %mul3A_43 = arith.muli %arg1, %mul3A_42 : i32
      "tpu.region"() ({
        %run_scoped3A = tpu.sem_alloc : memref<!tpu.dma_semaphore, #tpu.memory_space<semaphore_mem>>
        %dma_start3A_44 = arith.constant 0 : i32
        %dma_start3A_45 = tpu.memref_slice %arg7[%mul3A_43, %dma_start3A_44] : memref<10240x128xf32, #tpu.memory_space<hbm>> -> memref<640x128xf32, #tpu.memory_space<hbm>>
        %dma_start3A_46 = arith.constant 0 : i32
        %dma_start3A_47 = tpu.memref_slice %arg8[%mul3A_41, %dma_start3A_46] : memref<10240x128xf32, #tpu.memory_space<vmem_shared>> -> memref<640x128xf32, #tpu.memory_space<vmem_shared>>
        tpu.enqueue_dma source(%dma_start3A_47 : memref<640x128xf32, #tpu.memory_space<vmem_shared>>) target(%dma_start3A_45 : memref<640x128xf32, #tpu.memory_space<hbm>>) target_semaphore(%run_scoped3A : memref<!tpu.dma_semaphore, #tpu.memory_space<semaphore_mem>>)
        %dma_wait3A_48 = arith.constant 0 : i32
        %dma_wait3A_49 = tpu.memref_slice %arg7[%mul3A_43, %dma_wait3A_48] : memref<10240x128xf32, #tpu.memory_space<hbm>> -> memref<640x128xf32, #tpu.memory_space<hbm>>
        %dma_wait3A_50 = arith.constant 0 : i32
        %dma_wait3A_51 = tpu.memref_slice %arg8[%mul3A_41, %dma_wait3A_50] : memref<10240x128xf32, #tpu.memory_space<vmem_shared>> -> memref<640x128xf32, #tpu.memory_space<vmem_shared>>
        tpu.wait_dma2 semaphore(%run_scoped3A : memref<!tpu.dma_semaphore, #tpu.memory_space<semaphore_mem>>) src(%dma_wait3A_51 : memref<640x128xf32, #tpu.memory_space<vmem_shared>>) dst(%dma_wait3A_49 : memref<640x128xf32, #tpu.memory_space<hbm>>)
        tpu.yield
      }) : () -> ()
    } else {
    }
    return
  }
}

module attributes {stable_mosaic.version = 14 : i64} {
  func.func @_mlp1_body(%arg0: i32, %arg1: memref<1024x128xf32, #tpu.memory_space<vmem>>, %arg2: memref<128x256xf32, #tpu.memory_space<vmem>>, %arg3: memref<1x256xf32, #tpu.memory_space<vmem>>, %arg4: memref<256x256xf32, #tpu.memory_space<vmem>>, %arg5: memref<1x256xf32, #tpu.memory_space<vmem>>, %arg6: memref<1024x256xf32, #tpu.memory_space<vmem>>) attributes {dimension_semantics = [#tpu.dimension_semantics<arbitrary>], iteration_bounds = array<i64: 10>, scalar_prefetch = 0 : i64, scratch_operands = 0 : i64, tpu.core_type = #tpu.core_type<tc>, window_params = [{transform_indices = @transform_0, window_bounds = array<i64: 1024, 128>}, {pipeline_mode = #tpu.pipeline_mode<synchronous>, transform_indices = @transform_1, window_bounds = array<i64: 128, 256>}, {pipeline_mode = #tpu.pipeline_mode<synchronous>, transform_indices = @transform_2, window_bounds = array<i64: 1, 256>}, {pipeline_mode = #tpu.pipeline_mode<synchronous>, transform_indices = @transform_3, window_bounds = array<i64: 256, 256>}, {pipeline_mode = #tpu.pipeline_mode<synchronous>, transform_indices = @transform_4, window_bounds = array<i64: 1, 256>}, {transform_indices = @transform_5, window_bounds = array<i64: 1024, 256>}]} {
    %get3A = arith.constant 0 : index
    %get3A_0 = arith.constant 0 : index
    %get3A_1 = vector.load %arg1[%get3A, %get3A_0] : memref<1024x128xf32, #tpu.memory_space<vmem>>, vector<1024x128xf32>
    %get3A_2 = arith.constant 0 : index
    %get3A_3 = arith.constant 0 : index
    %get3A_4 = vector.load %arg2[%get3A_2, %get3A_3] : memref<128x256xf32, #tpu.memory_space<vmem>>, vector<128x256xf32>
    %dot_general3A = arith.constant dense<0.000000e+00> : vector<1024x256xf32>
    %dot_general3A_5 = tpu.matmul %get3A_1, %get3A_4, %dot_general3A {dimension_numbers = #tpu.dot_dimension_numbers<[1], [0], [0], [1], [0, 0, 1, 1], [], []>, precision = #tpu.contract_precision<fp32>, transpose_lhs_hint = false} : vector<1024x128xf32>, vector<128x256xf32>, vector<1024x256xf32> -> vector<1024x256xf32>
    %get3A_6 = arith.constant 0 : index
    %get3A_7 = arith.constant 0 : index
    %get3A_8 = vector.load %arg3[%get3A_6, %get3A_7] : memref<1x256xf32, #tpu.memory_space<vmem>>, vector<1x256xf32>
    %add3A = vector.broadcast %get3A_8 : vector<1x256xf32> to vector<1024x256xf32>
    %add3A_9 = arith.addf %dot_general3A_5, %add3A : vector<1024x256xf32>
    %max3A = arith.constant 0.000000e+00 : f32
    %max3A_10 = vector.broadcast %max3A : f32 to vector<1024x256xf32>
    %max3A_11 = arith.maximumf %add3A_9, %max3A_10 : vector<1024x256xf32>
    %get3A_12 = arith.constant 0 : index
    %get3A_13 = arith.constant 0 : index
    %get3A_14 = vector.load %arg4[%get3A_12, %get3A_13] : memref<256x256xf32, #tpu.memory_space<vmem>>, vector<256x256xf32>
    %dot_general3A_15 = arith.constant dense<0.000000e+00> : vector<1024x256xf32>
    %dot_general3A_16 = tpu.matmul %max3A_11, %get3A_14, %dot_general3A_15 {dimension_numbers = #tpu.dot_dimension_numbers<[1], [0], [0], [1], [0, 0, 1, 1], [], []>, precision = #tpu.contract_precision<fp32>, transpose_lhs_hint = false} : vector<1024x256xf32>, vector<256x256xf32>, vector<1024x256xf32> -> vector<1024x256xf32>
    %get3A_17 = arith.constant 0 : index
    %get3A_18 = arith.constant 0 : index
    %get3A_19 = vector.load %arg5[%get3A_17, %get3A_18] : memref<1x256xf32, #tpu.memory_space<vmem>>, vector<1x256xf32>
    %add3A_20 = vector.broadcast %get3A_19 : vector<1x256xf32> to vector<1024x256xf32>
    %add3A_21 = arith.addf %dot_general3A_16, %add3A_20 : vector<1024x256xf32>
    %swap3A = arith.constant 0 : index
    %swap3A_22 = arith.constant 0 : index
    %swap3A_23 = vector.load %arg6[%swap3A, %swap3A_22] : memref<1024x256xf32, #tpu.memory_space<vmem>>, vector<1024x256xf32>
    tpu.vector_store %arg6[%swap3A, %swap3A_22], %add3A_21 {strides = array<i32>} : memref<1024x256xf32, #tpu.memory_space<vmem>>, vector<1024x256xf32>,
    return
  }
  func.func @transform_0(%arg0: i32) -> (i32, i32) {
    %c0_i32 = arith.constant 0 : i32
    %c0_i32_0 = arith.constant 0 : i32
    return %arg0, %c0_i32 : i32, i32
  }
  func.func @transform_1(%arg0: i32) -> (i32, i32) {
    %c0_i32 = arith.constant 0 : i32
    %c0_i32_0 = arith.constant 0 : i32
    %c0_i32_1 = arith.constant 0 : i32
    return %c0_i32, %c0_i32_0 : i32, i32
  }
  func.func @transform_2(%arg0: i32) -> (i32, i32) {
    %c0_i32 = arith.constant 0 : i32
    %c0_i32_0 = arith.constant 0 : i32
    %c0_i32_1 = arith.constant 0 : i32
    return %c0_i32, %c0_i32_0 : i32, i32
  }
  func.func @transform_3(%arg0: i32) -> (i32, i32) {
    %c0_i32 = arith.constant 0 : i32
    %c0_i32_0 = arith.constant 0 : i32
    %c0_i32_1 = arith.constant 0 : i32
    return %c0_i32, %c0_i32_0 : i32, i32
  }
  func.func @transform_4(%arg0: i32) -> (i32, i32) {
    %c0_i32 = arith.constant 0 : i32
    %c0_i32_0 = arith.constant 0 : i32
    %c0_i32_1 = arith.constant 0 : i32
    return %c0_i32, %c0_i32_0 : i32, i32
  }
  func.func @transform_5(%arg0: i32) -> (i32, i32) {
    %c0_i32 = arith.constant 0 : i32
    %c0_i32_0 = arith.constant 0 : i32
    return %arg0, %c0_i32 : i32, i32
  }
}

module attributes {stable_mosaic.version = 14 : i64} {
  func.func @_mlp2_pool_body(%arg0: i32, %arg1: memref<1024x256xf32, #tpu.memory_space<vmem>>, %arg2: memref<1x1x1024xi32, #tpu.memory_space<vmem>>, %arg3: memref<256x256xf32, #tpu.memory_space<vmem>>, %arg4: memref<1x256xf32, #tpu.memory_space<vmem>>, %arg5: memref<256x256xf32, #tpu.memory_space<vmem>>, %arg6: memref<1x256xf32, #tpu.memory_space<vmem>>, %arg7: memref<128x256xf32, #tpu.memory_space<vmem>>) attributes {dimension_semantics = [#tpu.dimension_semantics<arbitrary>], iteration_bounds = array<i64: 10>, scalar_prefetch = 0 : i64, scratch_operands = 0 : i64, tpu.core_type = #tpu.core_type<tc>, window_params = [{transform_indices = @transform_0, window_bounds = array<i64: 1024, 256>}, {transform_indices = @transform_1, window_bounds = array<i64: 1, 1, 1024>}, {pipeline_mode = #tpu.pipeline_mode<synchronous>, transform_indices = @transform_2, window_bounds = array<i64: 256, 256>}, {pipeline_mode = #tpu.pipeline_mode<synchronous>, transform_indices = @transform_3, window_bounds = array<i64: 1, 256>}, {pipeline_mode = #tpu.pipeline_mode<synchronous>, transform_indices = @transform_4, window_bounds = array<i64: 256, 256>}, {pipeline_mode = #tpu.pipeline_mode<synchronous>, transform_indices = @transform_5, window_bounds = array<i64: 1, 256>}, {pipeline_mode = #tpu.pipeline_mode<synchronous>, transform_indices = @transform_6, window_bounds = array<i64: 128, 256>}]} {
    %get3A = arith.constant 0 : index
    %get3A_0 = arith.constant 0 : index
    %get3A_1 = vector.load %arg1[%get3A, %get3A_0] : memref<1024x256xf32, #tpu.memory_space<vmem>>, vector<1024x256xf32>
    %get3A_2 = arith.constant 0 : index
    %get3A_3 = arith.constant 0 : index
    %get3A_4 = vector.load %arg3[%get3A_2, %get3A_3] : memref<256x256xf32, #tpu.memory_space<vmem>>, vector<256x256xf32>
    %dot_general3A = arith.constant dense<0.000000e+00> : vector<1024x256xf32>
    %dot_general3A_5 = tpu.matmul %get3A_1, %get3A_4, %dot_general3A {dimension_numbers = #tpu.dot_dimension_numbers<[1], [0], [0], [1], [0, 0, 1, 1], [], []>, precision = #tpu.contract_precision<fp32>, transpose_lhs_hint = false} : vector<1024x256xf32>, vector<256x256xf32>, vector<1024x256xf32> -> vector<1024x256xf32>
    %get3A_6 = arith.constant 0 : index
    %get3A_7 = arith.constant 0 : index
    %get3A_8 = vector.load %arg4[%get3A_6, %get3A_7] : memref<1x256xf32, #tpu.memory_space<vmem>>, vector<1x256xf32>
    %add3A = vector.broadcast %get3A_8 : vector<1x256xf32> to vector<1024x256xf32>
    %add3A_9 = arith.addf %dot_general3A_5, %add3A : vector<1024x256xf32>
    %max3A = arith.constant 0.000000e+00 : f32
    %max3A_10 = vector.broadcast %max3A : f32 to vector<1024x256xf32>
    %max3A_11 = arith.maximumf %add3A_9, %max3A_10 : vector<1024x256xf32>
    %get3A_12 = arith.constant 0 : index
    %get3A_13 = arith.constant 0 : index
    %get3A_14 = vector.load %arg5[%get3A_12, %get3A_13] : memref<256x256xf32, #tpu.memory_space<vmem>>, vector<256x256xf32>
    %dot_general3A_15 = arith.constant dense<0.000000e+00> : vector<1024x256xf32>
    %dot_general3A_16 = tpu.matmul %max3A_11, %get3A_14, %dot_general3A_15 {dimension_numbers = #tpu.dot_dimension_numbers<[1], [0], [0], [1], [0, 0, 1, 1], [], []>, precision = #tpu.contract_precision<fp32>, transpose_lhs_hint = false} : vector<1024x256xf32>, vector<256x256xf32>, vector<1024x256xf32> -> vector<1024x256xf32>
    %get3A_17 = arith.constant 0 : index
    %get3A_18 = arith.constant 0 : index
    %get3A_19 = vector.load %arg6[%get3A_17, %get3A_18] : memref<1x256xf32, #tpu.memory_space<vmem>>, vector<1x256xf32>
    %add3A_20 = vector.broadcast %get3A_19 : vector<1x256xf32> to vector<1024x256xf32>
    %add3A_21 = arith.addf %dot_general3A_16, %add3A_20 : vector<1024x256xf32>
    %get3A_22 = arith.constant 0 : index
    %get3A_23 = arith.constant 0 : index
    %get3A_24 = arith.constant 0 : index
    %get3A_25 = vector.load %arg2[%get3A_22, %get3A_23, %get3A_24] : memref<1x1x1024xi32, #tpu.memory_space<vmem>>, vector<1x1x1024xi32>
    %get3A_26 = vector.shape_cast %get3A_25 : vector<1x1x1024xi32> to vector<1x1024xi32>
    %iota3A = tpu.iota {dimensions = array<i32: 0>} : vector<128x1024xi32>
    %eq3A = vector.broadcast %get3A_26 : vector<1x1024xi32> to vector<128x1024xi32>
    %eq3A_27 = arith.cmpi eq, %iota3A, %eq3A : vector<128x1024xi32>
    %convert_element_type3A = arith.extui %eq3A_27 : vector<128x1024xi1> to vector<128x1024xi32>
    %convert_element_type3A_28 = arith.sitofp %convert_element_type3A : vector<128x1024xi32> to vector<128x1024xf32>
    %dot_general3A_29 = arith.constant dense<0.000000e+00> : vector<128x256xf32>
    %dot_general3A_30 = tpu.matmul %convert_element_type3A_28, %add3A_21, %dot_general3A_29 {dimension_numbers = #tpu.dot_dimension_numbers<[1], [0], [0], [1], [0, 0, 1, 1], [], []>, precision = #tpu.contract_precision<fp32>, transpose_lhs_hint = false} : vector<128x1024xf32>, vector<1024x256xf32>, vector<128x256xf32> -> vector<128x256xf32>
    %eq3A_31 = arith.constant 0 : i32
    %eq3A_32 = arith.cmpi eq, %arg0, %eq3A_31 : i32
    %convert_element_type3A_33 = arith.extui %eq3A_32 : i1 to i32
    %cond3A = arith.constant 0 : i32
    %cond3A_34 = arith.cmpi ne, %convert_element_type3A_33, %cond3A : i32
    scf.if %cond3A_34 {
      %broadcast_in_dim3A = arith.constant 0.000000e+00 : f32
      %broadcast_in_dim3A_41 = vector.broadcast %broadcast_in_dim3A : f32 to vector<128x256xf32>
      %swap3A_42 = arith.constant 0 : index
      %swap3A_43 = arith.constant 0 : index
      %swap3A_44 = vector.load %arg7[%swap3A_42, %swap3A_43] : memref<128x256xf32, #tpu.memory_space<vmem>>, vector<128x256xf32>
      tpu.vector_store %arg7[%swap3A_42, %swap3A_43], %broadcast_in_dim3A_41 {strides = array<i32>} : memref<128x256xf32, #tpu.memory_space<vmem>>, vector<128x256xf32>,
    } else {
    }
    %get3A_35 = arith.constant 0 : index
    %get3A_36 = arith.constant 0 : index
    %get3A_37 = vector.load %arg7[%get3A_35, %get3A_36] : memref<128x256xf32, #tpu.memory_space<vmem>>, vector<128x256xf32>
    %add3A_38 = arith.addf %get3A_37, %dot_general3A_30 : vector<128x256xf32>
    %swap3A = arith.constant 0 : index
    %swap3A_39 = arith.constant 0 : index
    %swap3A_40 = vector.load %arg7[%swap3A, %swap3A_39] : memref<128x256xf32, #tpu.memory_space<vmem>>, vector<128x256xf32>
    tpu.vector_store %arg7[%swap3A, %swap3A_39], %add3A_38 {strides = array<i32>} : memref<128x256xf32, #tpu.memory_space<vmem>>, vector<128x256xf32>,
    return
  }
  func.func @transform_0(%arg0: i32) -> (i32, i32) {
    %c0_i32 = arith.constant 0 : i32
    %c0_i32_0 = arith.constant 0 : i32
    return %arg0, %c0_i32 : i32, i32
  }
  func.func @transform_1(%arg0: i32) -> (i32, i32, i32) {
    %c0_i32 = arith.constant 0 : i32
    %c0_i32_0 = arith.constant 0 : i32
    %c0_i32_1 = arith.constant 0 : i32
    return %arg0, %c0_i32, %c0_i32_0 : i32, i32, i32
  }
  func.func @transform_2(%arg0: i32) -> (i32, i32) {
    %c0_i32 = arith.constant 0 : i32
    %c0_i32_0 = arith.constant 0 : i32
    %c0_i32_1 = arith.constant 0 : i32
    return %c0_i32, %c0_i32_0 : i32, i32
  }
  func.func @transform_3(%arg0: i32) -> (i32, i32) {
    %c0_i32 = arith.constant 0 : i32
    %c0_i32_0 = arith.constant 0 : i32
    %c0_i32_1 = arith.constant 0 : i32
    return %c0_i32, %c0_i32_0 : i32, i32
  }
  func.func @transform_4(%arg0: i32) -> (i32, i32) {
    %c0_i32 = arith.constant 0 : i32
    %c0_i32_0 = arith.constant 0 : i32
    %c0_i32_1 = arith.constant 0 : i32
    return %c0_i32, %c0_i32_0 : i32, i32
  }
  func.func @transform_5(%arg0: i32) -> (i32, i32) {
    %c0_i32 = arith.constant 0 : i32
    %c0_i32_0 = arith.constant 0 : i32
    %c0_i32_1 = arith.constant 0 : i32
    return %c0_i32, %c0_i32_0 : i32, i32
  }
  func.func @transform_6(%arg0: i32) -> (i32, i32) {
    %c0_i32 = arith.constant 0 : i32
    %c0_i32_0 = arith.constant 0 : i32
    %c0_i32_1 = arith.constant 0 : i32
    return %c0_i32, %c0_i32_0 : i32, i32
  }
}

module attributes {stable_mosaic.version = 14 : i64} {
  func.func @_head_body(%arg0: memref<128x256xf32, #tpu.memory_space<vmem>>, %arg1: memref<512x256xf32, #tpu.memory_space<vmem>>, %arg2: memref<1x256xf32, #tpu.memory_space<vmem>>, %arg3: memref<256x128xf32, #tpu.memory_space<vmem>>, %arg4: memref<1x128xf32, #tpu.memory_space<vmem>>, %arg5: memref<64x128xf32, #tpu.memory_space<vmem>>) attributes {dimension_semantics = [], scalar_prefetch = 0 : i64, scratch_operands = 0 : i64, tpu.core_type = #tpu.core_type<tc>} {
    %get3A = arith.constant 0 : index
    %get3A_0 = arith.constant 0 : index
    %get3A_1 = vector.load %arg0[%get3A, %get3A_0] : memref<128x256xf32, #tpu.memory_space<vmem>>, vector<64x256xf32>
    %get3A_2 = arith.constant 64 : index
    %get3A_3 = arith.constant 0 : index
    %get3A_4 = vector.load %arg0[%get3A_2, %get3A_3] : memref<128x256xf32, #tpu.memory_space<vmem>>, vector<64x256xf32>
    %concatenate3A = tpu.concatenate %get3A_1, %get3A_4 in 1 : vector<64x256xf32>, vector<64x256xf32> -> vector<64x512xf32>
    %get3A_5 = arith.constant 0 : index
    %get3A_6 = arith.constant 0 : index
    %get3A_7 = vector.load %arg1[%get3A_5, %get3A_6] : memref<512x256xf32, #tpu.memory_space<vmem>>, vector<512x256xf32>
    %dot_general3A = arith.constant dense<0.000000e+00> : vector<64x256xf32>
    %dot_general3A_8 = tpu.matmul %concatenate3A, %get3A_7, %dot_general3A {dimension_numbers = #tpu.dot_dimension_numbers<[1], [0], [0], [1], [0, 0, 1, 1], [], []>, precision = #tpu.contract_precision<fp32>, transpose_lhs_hint = false} : vector<64x512xf32>, vector<512x256xf32>, vector<64x256xf32> -> vector<64x256xf32>
    %get3A_9 = arith.constant 0 : index
    %get3A_10 = arith.constant 0 : index
    %get3A_11 = vector.load %arg2[%get3A_9, %get3A_10] : memref<1x256xf32, #tpu.memory_space<vmem>>, vector<1x256xf32>
    %add3A = vector.broadcast %get3A_11 : vector<1x256xf32> to vector<64x256xf32>
    %add3A_12 = arith.addf %dot_general3A_8, %add3A : vector<64x256xf32>
    %max3A = arith.constant 0.000000e+00 : f32
    %max3A_13 = vector.broadcast %max3A : f32 to vector<64x256xf32>
    %max3A_14 = arith.maximumf %add3A_12, %max3A_13 : vector<64x256xf32>
    %get3A_15 = arith.constant 0 : index
    %get3A_16 = arith.constant 0 : index
    %get3A_17 = vector.load %arg3[%get3A_15, %get3A_16] : memref<256x128xf32, #tpu.memory_space<vmem>>, vector<256x128xf32>
    %dot_general3A_18 = arith.constant dense<0.000000e+00> : vector<64x128xf32>
    %dot_general3A_19 = tpu.matmul %max3A_14, %get3A_17, %dot_general3A_18 {dimension_numbers = #tpu.dot_dimension_numbers<[1], [0], [0], [1], [0, 0, 1, 1], [], []>, precision = #tpu.contract_precision<fp32>, transpose_lhs_hint = false} : vector<64x256xf32>, vector<256x128xf32>, vector<64x128xf32> -> vector<64x128xf32>
    %get3A_20 = arith.constant 0 : index
    %get3A_21 = arith.constant 0 : index
    %get3A_22 = vector.load %arg4[%get3A_20, %get3A_21] : memref<1x128xf32, #tpu.memory_space<vmem>>, vector<1x128xf32>
    %add3A_23 = vector.broadcast %get3A_22 : vector<1x128xf32> to vector<64x128xf32>
    %add3A_24 = arith.addf %dot_general3A_19, %add3A_23 : vector<64x128xf32>
    %neg3A = arith.constant 0.000000e+00 : f32
    %neg3A_25 = vector.broadcast %neg3A : f32 to vector<64x128xf32>
    %neg3A_26 = arith.subf %neg3A_25, %add3A_24 : vector<64x128xf32>
    %exp3A = math.exp %neg3A_26 : vector<64x128xf32>
    %add3A_27 = arith.constant 1.000000e+00 : f32
    %add3A_28 = vector.broadcast %add3A_27 : f32 to vector<64x128xf32>
    %add3A_29 = arith.addf %add3A_28, %exp3A : vector<64x128xf32>
    %div3A = arith.constant 1.000000e+00 : f32
    %div3A_30 = vector.broadcast %div3A : f32 to vector<64x128xf32>
    %div3A_31 = arith.divf %div3A_30, %add3A_29 : vector<64x128xf32>
    %swap3A = arith.constant 0 : index
    %swap3A_32 = arith.constant 0 : index
    %swap3A_33 = vector.load %arg5[%swap3A, %swap3A_32] : memref<64x128xf32, #tpu.memory_space<vmem>>, vector<64x128xf32>
    tpu.vector_store %arg5[%swap3A, %swap3A_32], %div3A_31 {strides = array<i32>} : memref<64x128xf32, #tpu.memory_space<vmem>>, vector<64x128xf32>,
    return
  }
}

</mosaic_0001>

<sc_bundles>
// kernel: kernel.10.cloned.1.call-start
scs
__scs_entry_jumppad:
0x0: {  	(pc) =	sbr.rel $0x88, $3  }
0x1: {  	(tag) =	ssettag $0x0;
	lr =	simm.s32 $0x1  }
0x2: {  	[smem:$0x3F8F] =	sst lr;
	_ =	strace $0xD0000000  }
0x3: {  	_ = 	snop  }
0x4: {  	_ = 	snop  }
0x5: {  	_ = 	snop  }
0x6: {  	_ = 	snop  }
0x7: {  	_ = 	snop  }
__scs_overlays_trampoline_lowered:
0x8: {  	[smem:$0x3F9E] =	sst s0  }
0x9: {  	[smem:$0x3F9F] =	sst s1  }
0xa: {  	[smem:$0x3FA0] =	sst s2  }
0xb: {  	[smem:$0x3FA1] =	sst s3  }
0xc: {  	[smem:$0x3FA2] =	sst s4  }
0xd: {  	[smem:$0x3FA3] =	sst s5  }
0xe: {  	[smem:$0x3FA4] =	sst s6  }
0xf: {  	[smem:$0x3FA5] =	sst s7  }
0x10: {  	[smem:$0x3FA6] =	sst s8  }
0x11: {  	[smem:$0x3FA7] =	sst s9;
	s0 =	simm.s32 @!p0 $0x0  }
0x12: {  	s1 =	sld [smem:$0x3F8D];
	s0 =	simm.s32 @p0 $0x1  }
0x13: {  	[smem:$0x3FA8] =	sst s0;
	s0 =	simm.s32 @!p1 $0x0  }
0x14: {  	s2 =	sld [smem:$0x3F8C];
	s0 =	simm.s32 @p1 $0x1  }
0x15: {  	[smem:$0x3FA9] =	sst s0;
	s0 =	simm.s32 @!p2 $0x0  }
0x16: {  	s3 =	sld [smem:$0x3FDB];
	s0 =	simm.s32 @p2 $0x1  }
0x17: {  	s4 =	simm.s32 $0x1BF5;
	[smem:$0x3FAB] =	sst s0  }
0x18: {  	s0 =	sld [smem:$0x3F8E];
	_ =	swait.ge [sflag:s4], $0x0  }
0x19: {  	s7 =	sld [smem:$0x3F8F]  }
0x1a: {  	s8 =	sadd.s32 $0xFFFFE003, lr  }
0x1b: {  	s9 =	sadd.s32 $0xFFFFFEF7, lr;
	s5 =	simm.s32 $0xFFFFFFFF;
	p2 =	slt.u32 s8, $0xFFFFF086  }
0x1c: {  	p1 =	slt.u32 s9, $0xF7A;
	s5 =	simm.s32 @!p2 $0x0  }
0x1d: {  	s5 =	simm.s32 @p1 $0x1;
	p0 =	seq.s32 s7, s2  }
0x1e: {  	s7 =	smul.u32 @!p0 $0xF7A, s2;
	p2 =	seq.s32 @!p0 s5, $0x0  }
0x1f: {  	s9 =	smul.u32 $0xF7A, s1;
	s8 =	simm.s32 @!p0 $0x1BF5;
	p2 =	por !p2, p0  }
0x20: {  	[sflag:s8] =	ssyncset.s32 @!p0 $0xFFFFF086;
	s6 =	sadd.s32 @!p0 s3, s7;
	s7 =	simm.s32 @!p0 $0x108  }
0x21: {  	s3 =	sadd.s32 s3, s9;
	s6 =	sadd.s32 @!p0 $0x88, s6;
	s7 =	simm.s32 @p2 $0x1082  }
0x22: {  	[simem:s7], [sflag:s8] =	dma.local @!p0 [hbm:s6], $0xF7A  }
0x23: {  	s9 =	sor.u32 $0xD0000000, s2;
	s6 =	simm.s32 $0x108;
	_ =	swait.ge @!p0 [sflag:s8], $0x0  }
0x24: {  	s3 =	sadd.s32 $0x88, s3;
	s6 =	simm.s32 @!p1 $0x1082;
	[sflag:s4] =	ssyncset.s32 $0xFFFFF086  }
0x25: {  	[simem:s6], [sflag:s4] =	dma.local [hbm:s3], $0xF7A  }
0x26: {  	[smem:$0x3F8F] =	sst s1;
	(tag) =	ssettag s2;
	_ =	strace s9  }
0x27: {  	s1 =	sld [smem:$0x3F9F]  }
0x28: {  	s2 =	sld [smem:$0x3FA0]  }
0x29: {  	s4 =	sld [smem:$0x3FA2]  }
0x2a: {  	p0 =	seq.s32 s5, $0x0;
	s5 =	sld [smem:$0x3FA3]  }
0x2b: {  	s6 =	sld [smem:$0x3FA4]  }
0x2c: {  	s7 =	sld [smem:$0x3FA5]  }
0x2d: {  	s3 =	simm.s32 $0x108;
	s8 =	sld [smem:$0x3FA6]  }
0x2e: {  	s3 =	simm.s32 @!p0 $0x1082;
	s9 =	sld [smem:$0x3FA7]  }
0x2f: {  	lr =	sadd.s32 s0, s3;
	s0 =	sld [smem:$0x3F9E]  }
0x30: {  	s3 =	sld [smem:$0x3FA1]  }
0x31: {  	[smem:$0x3FAA] =	sst s10  }
0x32: {  	s10 =	sld [smem:$0x3FA8];
	_ =	sdelay $0x3  }
0x33: {  	p0 =	seq.s32 s10, $0x1;
	s10 =	sld [smem:$0x3FAA];
	_ =	sdelay $0x3  }
0x34: {  	[smem:$0x3FAA] =	sst s10  }
0x35: {  	s10 =	sld [smem:$0x3FA9];
	_ =	sdelay $0x3  }
0x36: {  	p1 =	seq.s32 s10, $0x1;
	s10 =	sld [smem:$0x3FAA];
	_ =	sdelay $0x3  }
0x37: {  	[smem:$0x3FAA] =	sst s10  }
0x38: {  	s10 =	sld [smem:$0x3FAB]  }
0x39: {  	_ = 	snop;
	(pc) =	sbr.ind lr, $3  }
0x3a: {  	_ = 	snop  }
0x3b: {  	_ = 	snop  }
0x3c: {  	p2 =	seq.s32 s10, $0x1;
	s10 =	sld [smem:$0x3FAA]  }
0x3d: {  	_ =	shalt  }
0x3e: {  	_ =	shalt  }
0x3f: {  	_ =	shalt  }
0x40: {  	_ =	shalt  }
0x41: {  	_ =	shalt  }
0x42: {  	_ =	shalt  }
0x43: {  	_ =	shalt  }
0x44: {  	_ =	shalt  }
0x45: {  	_ =	shalt  }
0x46: {  	_ =	shalt  }
0x47: {  	_ =	shalt  }
0x48: {  	_ =	shalt  }
0x49: {  	_ =	shalt  }
0x4a: {  	_ =	shalt  }
0x4b: {  	_ =	shalt  }
0x4c: {  	_ =	shalt  }
0x4d: {  	_ =	shalt  }
0x4e: {  	_ =	shalt  }
0x4f: {  	_ =	shalt  }
0x50: {  	_ =	shalt  }
0x51: {  	_ =	shalt  }
0x52: {  	_ =	shalt  }
0x53: {  	_ =	shalt  }
0x54: {  	_ =	shalt  }
0x55: {  	_ =	shalt  }
0x56: {  	_ =	shalt  }
0x57: {  	_ =	shalt  }
0x58: {  	_ =	shalt  }
0x59: {  	_ =	shalt  }
0x5a: {  	_ =	shalt  }
0x5b: {  	_ =	shalt  }
0x5c: {  	_ =	shalt  }
0x5d: {  	_ =	shalt  }
0x5e: {  	_ =	shalt  }
0x5f: {  	_ =	shalt  }
0x60: {  	_ =	shalt  }
0x61: {  	_ =	shalt  }
0x62: {  	_ =	shalt  }
0x63: {  	_ =	shalt  }
0x64: {  	_ =	shalt  }
0x65: {  	_ =	shalt  }
0x66: {  	_ =	shalt  }
0x67: {  	_ =	shalt  }
0x68: {  	_ =	shalt  }
0x69: {  	_ =	shalt  }
0x6a: {  	_ =	shalt  }
0x6b: {  	_ =	shalt  }
0x6c: {  	_ =	shalt  }
0x6d: {  	_ =	shalt  }
0x6e: {  	_ =	shalt  }
0x6f: {  	_ =	shalt  }
0x70: {  	_ =	shalt  }
0x71: {  	_ =	shalt  }
0x72: {  	_ =	shalt  }
0x73: {  	_ =	shalt  }
0x74: {  	_ =	shalt  }
0x75: {  	_ =	shalt  }
0x76: {  	_ =	shalt  }
0x77: {  	_ =	shalt  }
0x78: {  	_ =	shalt  }
0x79: {  	_ =	shalt  }
0x7a: {  	_ =	shalt  }
0x7b: {  	_ =	shalt  }
0x7c: {  	_ =	shalt  }
0x7d: {  	_ =	shalt  }
0x7e: {  	_ =	shalt  }
0x7f: {  	_ =	shalt  }
0x80: {  	_ =	shalt  }
0x81: {  	_ =	shalt  }
0x82: {  	_ =	shalt  }
0x83: {  	_ =	shalt  }
0x84: {  	_ =	shalt  }
0x85: {  	_ =	shalt  }
0x86: {  	_ =	shalt  }
0x87: {  	_ =	shalt  }
.Lfunc_end0:
.L_simem_size_0:
called_computation_lowered:
.L_overlay_start_0:
0x88: {  	s2 =	sld [smem:$0x3FD9]  }
0x89: {  	s3 =	sld [smem:$0x3FFE];
	_ =	sdelay $0x1  }
0x8a: {  	s1 =	srdreg.scid  }
0x8b: {  	s0 =	sand.u32 $0x1, s1  }
0x8c: {  	s16 =	sshll.u32 s0, $0xA;
	s2 =	sadd.s32 s3, s2  }
0x8d: {  	s2 =	sadd.s32 s2, s16  }
0x8e: {  	[smem:$0x3FB6] =	sst s2  }
0x8f: {  	_ = 	snop  }
0x90: {  	(tm) =	ssettm $0x1  }
0x91: {  	s17 =	sld [smem:$0x3FFB];
	_ =	sdelay $0x3  }
0x92: {  	_ =	strace s17  }
0x93: {  	s2 =	sld [smem:$0x3FFC];
	_ =	sdelay $0x3  }
0x94: {  	_ =	strace s2  }
0x95: {  	s2 =	sld [smem:$0x3FFD];
	_ =	sdelay $0x3  }
0x96: {  	_ =	strace s2  }
0x97: {  	_ =	strace $0x8FFFFFFF  }
0x98: {  	s18 =	sld [smem:$0x3FDB];
	_ =	sdelay $0x1  }
0x99: {  	s19 =	simm.s32 $_scs_section_size  }
0x9a: {  	s4 =	simm.s32 $_size__tile_overlayer_lowered;
	s5 =	simm.s32 $_tile_overlayer_lowered  }
0x9b: {  	s22 =	simm.s32 $0x1BFF;
	s21 =	sshll.u32 s5, $0x1;
	s2 =	sadd.s32 s19, s18  }
0x9c: {  	s6 =	simm.s32 $0x0;
	s20 =	sshll.u32 s4, $0x1;
	s4 =	sadd.s32 s21, s2  }
0x9d: {  	[timem:s6], [sflag:s22] =	dma.local [hbm:s4], s20  }
0x9e: {  	_ =	swait.ge [sflag:s22], s20  }
0x9f: {  	s3 =	ssub.s32 $0x0, s20;
	[sflag:s22] =	ssyncset.done $0x0  }
0xa0: {  	[sflag:s22] =	ssyncadd.s32 s3;
	_ =	sdelay $0x1  }
0xa1: {  	s23 =	simm.s32 $0x1B8B  }
0xa2: {  	_ =	swait.ge [sflag:s23], $0x1  }
0xa3: {  	[sflag:s23] =	ssyncset.done $0x0  }
0xa4: {  	s25 =	simm.s32 $0x1B8E;
	s24 =	sld [smem:$0x3FFE];
	[sflag:s23] =	ssyncadd.s32 $0xFFFFFFFF  }
0xa5: {  	s26 =	simm.s32 $execute0_lowered;
	[smem:$0x3FD2] =	sst s25  }
0xa6: {  	s4 =	sshll.u32 s26, $0x1;
	_ =	strace $0x80000046;
	[dreg:$0x1] =	wrdreg $0xFFFFFFFF  }
0xa7: {  	s28 =	simm.s32 $_size_execute0_lowered;
	s2 =	sadd.s32 s2, s4;
	[dreg:$0x0] =	wrdreg $0x0  }
0xa8: {  	s4 =	sshll.u32 s28, $0x1;
	[dreg:$0x2] =	wrdreg s2  }
0xa9: {  	[dreg:$0x3] =	wrdreg s4  }
0xaa: {  	[dreg:$0x4] =	wrdreg $0xC0  }
0xab: {  	_ =	task [dreg:s6], $0x5FFFF  }
0xac: {  	[dreg:$0x1] =	wrdreg $0xFFFFFFFF  }
0xad: {  	[dreg:$0x0] =	wrdreg $0x60  }
0xae: {  	[dreg:$0x2] =	wrdreg s24  }
0xaf: {  	[dreg:$0x3] =	wrdreg $0x0  }
0xb0: {  	[dreg:$0x4] =	wrdreg $0x9  }
0xb1: {  	_ =	task.clear_ibuf [dreg:s6], $0x5FFFF;
	_ =	strace $0x90000046  }
0xb2: {  	s29 =	simm.s32 $0x9;
	_ =	strace $0x80000048  }
0xb3: {  	_ =	swait.ge [sflag:s29], $0x1  }
0xb4: {  	[sflag:s29] =	ssyncadd.s32 $0xFFFFFFFF  }
0xb5: {  	_ =	strace $0x90000048  }
0xb6: {  	_ =	sfence  }
0xb7: {  	s30 =	sld [smem:$0x0];
	_ =	sdelay $0x2  }
0xb8: {  	s31 =	sshll.u32 s1, $0xD;
	s1 =	sshrl.u32 s1, $0x2  }
0xb9: {  	s3 =	sand.u32 $0x4000, s31;
	s1 =	sadd.s32 s1, s30  }
0xba: {  	s0 =	sor.u32 s3, s0;
	s1 =	sshll.u32 s1, $0x11  }
0xbb: {  	s0 =	sor.u32 s1, s0  }
0xbc: {  	s0 =	sadd.s32 $0x8F2B, s0  }
0xbd: {  	[sflag:s0] =	ssyncadd.remote.s32 $0x1  }
0xbe: {  	_ =	sfence.sel $0xFFFF  }
0xbf: {  	[dreg:$0x0] =	wrdreg $0xFFFFFFFF;
	(pc) =	sbr.abs _section_cstart, $3  }
0xc0: {  	[dreg:$0x1] =	wrdreg $0xFFFFFFFF  }
0xc1: {  	_ =	task.clear_ibuf [dreg:s6], $0x2FFFF;
	_ =	strace $0x9FFFFFFF  }
0xc2: {  	(tm) =	ssettm $0x7FFFFFFF  }
0xc3: {  	_ =	shalt  }
tec
execute0_lowered:
.L_overlay_start_1:
0x0: {  	(tag) =	ssettag $0x1  }
0x1: {  	s0 =	rddreg [dreg:$0x0]  }
0x2: {  	s2 =	rddreg [dreg:$0x1];
	s3 =	simm.s32 $0x0  }
0x3: {  	s15 =	stileid.u32;
	s6 =	srdreg.scid;
	s28 =	simm.s32 $0x14100  }
0x4: {  	s29 =	simm.s32 $0x18200;
	s30 =	simm.s32 $0x1;
	s31 =	simm.s32 $0x14080  }
0x5: {  	[smem:$0x7FF] =	sst s3;
	s1 =	smul.u32 $0x1400, s15;
	s4 =	sadd.s32 $0x2D200, s0  }
0x6: {  	s5 =	sadd.s32 $0x55200, s0;
	s6 =	sand.u32 $0x1, s6;
	s8 =	sadd.s32 $0xA5200, s0  }
0x7: {  	s10 =	smul.u32 $0x50000, s15;
	s19 =	sadd.s32 $0x7D200, s0;
	s22 =	sadd.s32 $0x5220, s0  }
0x8: {  	_ =	strace $0x80000047;
	[dreg:$0x3] =	wrdreg s8;
	s9 =	ssub.s32 $0x2, s6  }
0x9: {  	[dreg:$0x4] =	wrdreg s19;
	s8 =	smul.u32 $0x2800, s15;
	p0 =	seq.s32 s6, $0x1  }
0xa: {  	s6 =	simm.s32 $0x14180;
	s7 =	sadd.s32 s1, s0;
	s11 =	sshrl.u32 s9, $0x1  }
0xb: {  	s20 =	sshrl.u32 s10, $0x2;
	s0 =	sadd.s32 $0x19220, s0;
	s24 =	sadd.s32 s1, s22  }
0xc: {  	s10 =	simm.s32 $0x0;
	s12 =	ssub.s32 s9, s11;
	s9 =	sadd.s32 s20, s2  }
0xd: {  	s21 =	sadd.s32 s4, s8;
	s11 =	sadd.s32 $0x5200, s7;
	[dreg:$0x7] =	wrdreg s24  }
0xe: {  	s23 =	sadd.s32 s5, s8;
	s13 =	sadd.s32 $0x19200, s7;
	[dreg:$0x5] =	wrdreg s21  }
0xf: {  	s25 =	sadd.s32 $0x5240, s7;
	s26 =	sadd.s32 s1, s0;
	[dreg:$0x6] =	wrdreg s23  }
0x10: {  	s1 =	sadd.s32 $0x13C0, s1;
	s7 =	sadd.s32 $0x19240, s7;
	[dreg:$0x8] =	wrdreg s25  }
.Ltmp0:
0x11: {  	s20 =	sshll.u32 s15, $0x6;
	[dreg:$0x9] =	wrdreg s26;
	(pc) =	sbr.rel .LBB2_1-.Ltmp0, $4  }
0x12: {  	s24 =	simm.s32 $0x14000;
	s14 =	smax.u32 s12, $0x1;
	[dreg:$0xa] =	wrdreg s7  }
0x13: {  	s19 =	sadd.s32 s1, s22;
	s21 =	sadd.s32 s1, s0;
	s15 =	sor.u32 $0x1C05, s20  }
0x14: {  	s23 =	simm.s32 $0x5;
	s25 =	simm.s32 $0x80;
	s26 =	simm.s32 $0x14200  }
0x15: {  	s0 =	simm.s32 $0x3;
	s1 =	simm.s32 $0x2;
	s7 =	simm.s32 $0x4  }
.LBB2_7:
0x16: {  	[spmem:s2] =	stream.indirect.scatter.add.f32 [tilespmem:s29], [sflag:$0x4], $0x80, s6, s25, $0xb8;
	[tilespmem:$0x1C200] =	vst v63  }
0x17: {  	_ =	swait.ge [sflag:s7], $0x4000  }
0x18: {  	[sflag:s7] =	ssyncset.done $0x0  }
0x19: {  	[sflag:s7] =	ssyncadd.s32 $0xFFFFC000  }
0x1a: {  	[tilespmem:s28], [sflag:$0x5] =	stream.linear.gather [hbm4b:s21+s3], $0x100, $0x38;
	[tilespmem:$0x1C200] =	vst v63  }
0x1b: {  	_ =	swait.ge [sflag:s23], $0x100  }
0x1c: {  	[sflag:s23] =	ssyncset.done $0x0  }
0x1d: {  	[sflag:s23] =	ssyncadd.s32 $0xFFFFFF00  }
0x1e: {  	[tilespmem:s29], [sflag:$0x2] =	stream.indirect.gather [hbm4b:s5+s25], $0x80, s28, s25, $0xb8;
	[tilespmem:$0x1C200] =	vst v63  }
0x1f: {  	_ =	swait.ge [sflag:s30], $0x4000  }
0x20: {  	[sflag:s30] =	ssyncset.done $0x0  }
0x21: {  	[sflag:s30] =	ssyncadd.s32 $0xFFFFC000  }
0x22: {  	[spmem:s2] =	stream.indirect.scatter.add.f32 [tilespmem:s26], [sflag:$0x3], $0x80, s31, s25, $0xb8;
	[tilespmem:$0x1C200] =	vst v63  }
0x23: {  	_ =	swait.ge [sflag:s1], $0x4000  }
0x24: {  	[sflag:s1] =	ssyncset.done $0x0  }
0x25: {  	s22 =	smov.u32 s15;
	s16 =	rddreg [dreg:$0x4];
	[sflag:s1] =	ssyncadd.s32 $0xFFFFC000  }
0x26: {  	[spmem:s2] =	stream.indirect.scatter.add.f32 [tilespmem:s29], [sflag:$0x4], $0x80, s6, s25, $0xb8;
	[tilespmem:$0x1C200] =	vst v63  }
.LBB2_8:
0x27: {  	_ =	swait.ge [sflag:s0], $0x4000  }
0x28: {  	[sflag:s0] =	ssyncset.done $0x0  }
0x29: {  	[sflag:s0] =	ssyncadd.s32 $0xFFFFC000  }
0x2a: {  	_ =	swait.ge [sflag:s7], $0x4000  }
0x2b: {  	s10 =	sadd.s32 $0x1, s10;
	[sflag:s7] =	ssyncset.done $0x0  }
0x2c: {  	p1 =	sne.s32 s10, s14;
	[sflag:s7] =	ssyncadd.s32 $0xFFFFC000  }
.Ltmp1:
0x2d: {  	s16 =	sadd.s32 s16, s8;
	[bflag:$0x0] =	sbarrier.arrive $0xFFFF;
	(pc) =	sbr.rel @!p1 .LBB2_9-.Ltmp1, $4  }
0x2e: {  	[hbm:s16], [sflag:s22] =	dma.local [spmem:s12], $0x2800  }
0x2f: {  	_ =	swait.ge [sflag:s23], $0x2800  }
0x30: {  	[sflag:s23] =	ssyncset.done $0x0  }
0x31: {  	[sflag:s23] =	ssyncadd.s32 $0xFFFFD800  }
.LBB2_1:
.Ltmp2:
0x32: {  	(pc) =	sbr.rel @!p0 .LBB2_2-.Ltmp2, $2  }
0x33: {  	_ =	sdelay $0x2  }
0x34: {  	s12 =	sshrl.u32 s9, $0x3  }
0x35: {  	s16 =	rddreg [dreg:$0x6]  }
0x36: {  	[spmem:s12], [sflag:s15] =	dma.local [hbm:s16], $0x2800  }
0x37: {  	_ =	swait.ge [sflag:s23], $0x2800  }
0x38: {  	[sflag:s23] =	ssyncset.done $0x0  }
0x39: {  	[sflag:s23] =	ssyncadd.s32 $0xFFFFD800  }
0x3a: {  	[bflag:$0x0] =	sbarrier.arrive $0xFFFF  }
0x3b: {  	[tilespmem:s24], [sflag:$0x5] =	stream.linear.gather [hbm4b:s13+s3], $0x100, $0x38;
	[tilespmem:$0x1C200] =	vst v63  }
0x3c: {  	_ =	swait.ge [sflag:s23], $0x100  }
0x3d: {  	[sflag:s23] =	ssyncset.done $0x0  }
0x3e: {  	[sflag:s23] =	ssyncadd.s32 $0xFFFFFF00  }
0x3f: {  	[tilespmem:s26], [sflag:$0x1] =	stream.indirect.gather [hbm4b:s5+s25], $0x80, s24, s25, $0xb8;
	[tilespmem:$0x1C200] =	vst v63  }
0x40: {  	s17 =	rddreg [dreg:$0x9]  }
0x41: {  	[tilespmem:s28], [sflag:$0x5] =	stream.linear.gather [hbm4b:s17+s3], $0x100, $0x38;
	[tilespmem:$0x1C200] =	vst v63  }
0x42: {  	_ =	swait.ge [sflag:s23], $0x100  }
0x43: {  	[sflag:s23] =	ssyncset.done $0x0  }
0x44: {  	[sflag:s23] =	ssyncadd.s32 $0xFFFFFF00  }
0x45: {  	[tilespmem:s29], [sflag:$0x2] =	stream.indirect.gather [hbm4b:s5+s25], $0x80, s28, s25, $0xb8;
	[tilespmem:$0x1C200] =	vst v63  }
0x46: {  	_ =	swait.ge [sflag:s30], $0x4000  }
0x47: {  	[sflag:s30] =	ssyncset.done $0x0  }
0x48: {  	[sflag:s30] =	ssyncadd.s32 $0xFFFFC000  }
0x49: {  	[spmem:s2] =	stream.indirect.scatter.add.f32 [tilespmem:s26], [sflag:$0x3], $0x80, s31, s25, $0xb8;
	[tilespmem:$0x1C200] =	vst v63  }
0x4a: {  	_ =	swait.ge [sflag:s0], $0x4000  }
0x4b: {  	[sflag:s0] =	ssyncset.done $0x0  }
0x4c: {  	s18 =	rddreg [dreg:$0xa];
	[sflag:s0] =	ssyncadd.s32 $0xFFFFC000  }
0x4d: {  	[tilespmem:s24], [sflag:$0x5] =	stream.linear.gather [hbm4b:s18+s3], $0x100, $0x38;
	[tilespmem:$0x1C200] =	vst v63  }
0x4e: {  	_ =	swait.ge [sflag:s23], $0x100  }
0x4f: {  	[sflag:s23] =	ssyncset.done $0x0  }
0x50: {  	[sflag:s23] =	ssyncadd.s32 $0xFFFFFF00  }
0x51: {  	[tilespmem:s26], [sflag:$0x1] =	stream.indirect.gather [hbm4b:s5+s25], $0x80, s24, s25, $0xb8;
	[tilespmem:$0x1C200] =	vst v63  }
0x52: {  	_ =	swait.ge [sflag:s1], $0x4000  }
0x53: {  	[sflag:s1] =	ssyncset.done $0x0  }
0x54: {  	[sflag:s1] =	ssyncadd.s32 $0xFFFFC000  }
0x55: {  	[spmem:s2] =	stream.indirect.scatter.add.f32 [tilespmem:s29], [sflag:$0x4], $0x80, s6, s25, $0xb8;
	[tilespmem:$0x1C200] =	vst v63  }
0x56: {  	_ =	swait.ge [sflag:s7], $0x4000  }
0x57: {  	s22 =	sadd.s32 $0xFFFFEC80, s13;
	[sflag:s7] =	ssyncset.done $0x0  }
0x58: {  	s17 =	sadd.s32 $0x13E0, s22;
	[sflag:s7] =	ssyncadd.s32 $0xFFFFC000  }
0x59: {  	[tilespmem:s28], [sflag:$0x5] =	stream.linear.gather [hbm4b:s17+s3], $0x100, $0x38;
	[tilespmem:$0x1C200] =	vst v63  }
0x5a: {  	_ =	swait.ge [sflag:s23], $0x100  }
0x5b: {  	[sflag:s23] =	ssyncset.done $0x0  }
0x5c: {  	[sflag:s23] =	ssyncadd.s32 $0xFFFFFF00  }
0x5d: {  	[tilespmem:s29], [sflag:$0x2] =	stream.indirect.gather [hbm4b:s5+s25], $0x80, s28, s25, $0xb8;
	[tilespmem:$0x1C200] =	vst v63  }
0x5e: {  	_ =	swait.ge [sflag:s30], $0x4000  }
0x5f: {  	[sflag:s30] =	ssyncset.done $0x0  }
0x60: {  	[sflag:s30] =	ssyncadd.s32 $0xFFFFC000  }
0x61: {  	[spmem:s2] =	stream.indirect.scatter.add.f32 [tilespmem:s26], [sflag:$0x3], $0x80, s31, s25, $0xb8;
	[tilespmem:$0x1C200] =	vst v63  }
0x62: {  	_ =	swait.ge [sflag:s0], $0x4000  }
0x63: {  	[sflag:s0] =	ssyncset.done $0x0  }
0x64: {  	s16 =	sadd.s32 $0x1400, s22;
	[sflag:s0] =	ssyncadd.s32 $0xFFFFC000  }
0x65: {  	[tilespmem:s24], [sflag:$0x5] =	stream.linear.gather [hbm4b:s16+s3], $0x100, $0x38;
	[tilespmem:$0x1C200] =	vst v63  }
0x66: {  	_ =	swait.ge [sflag:s23], $0x100  }
0x67: {  	[sflag:s23] =	ssyncset.done $0x0  }
0x68: {  	[sflag:s23] =	ssyncadd.s32 $0xFFFFFF00  }
0x69: {  	[tilespmem:s26], [sflag:$0x1] =	stream.indirect.gather [hbm4b:s5+s25], $0x80, s24, s25, $0xb8;
	[tilespmem:$0x1C200] =	vst v63  }
0x6a: {  	_ =	swait.ge [sflag:s1], $0x4000  }
0x6b: {  	[sflag:s1] =	ssyncset.done $0x0  }
0x6c: {  	s16 =	simm.s32 $0xFFFFECC0;
	[sflag:s1] =	ssyncadd.s32 $0xFFFFC000  }
.LBB2_6:
0x6d: {  	[spmem:s2] =	stream.indirect.scatter.add.f32 [tilespmem:s29], [sflag:$0x4], $0x80, s6, s25, $0xb8;
	[tilespmem:$0x1C200] =	vst v63  }
0x6e: {  	s17 =	smov.u32 s16  }
0x6f: {  	p1 =	sne.s32 s16, $0xFFFFFFC0;
	s16 =	sadd.s32 $0x40, s16;
	_ =	swait.ge [sflag:s7], $0x4000  }
0x70: {  	s17 =	sadd.s32 s17, s13;
	[sflag:s7] =	ssyncset.done $0x0  }
0x71: {  	s18 =	sadd.s32 $0x13E0, s17;
	[sflag:s7] =	ssyncadd.s32 $0xFFFFC000  }
0x72: {  	[tilespmem:s28], [sflag:$0x5] =	stream.linear.gather [hbm4b:s18+s3], $0x100, $0x38;
	[tilespmem:$0x1C200] =	vst v63  }
0x73: {  	_ =	swait.ge [sflag:s23], $0x100  }
0x74: {  	[sflag:s23] =	ssyncset.done $0x0  }
0x75: {  	[sflag:s23] =	ssyncadd.s32 $0xFFFFFF00  }
0x76: {  	[tilespmem:s29], [sflag:$0x2] =	stream.indirect.gather [hbm4b:s5+s25], $0x80, s28, s25, $0xb8;
	[tilespmem:$0x1C200] =	vst v63  }
0x77: {  	_ =	swait.ge [sflag:s30], $0x4000  }
0x78: {  	[sflag:s30] =	ssyncset.done $0x0  }
0x79: {  	[sflag:s30] =	ssyncadd.s32 $0xFFFFC000  }
0x7a: {  	[spmem:s2] =	stream.indirect.scatter.add.f32 [tilespmem:s26], [sflag:$0x3], $0x80, s31, s25, $0xb8;
	[tilespmem:$0x1C200] =	vst v63  }
0x7b: {  	_ =	swait.ge [sflag:s0], $0x4000  }
0x7c: {  	[sflag:s0] =	ssyncset.done $0x0  }
0x7d: {  	s17 =	sadd.s32 $0x1400, s17;
	[sflag:s0] =	ssyncadd.s32 $0xFFFFC000  }
0x7e: {  	[tilespmem:s24], [sflag:$0x5] =	stream.linear.gather [hbm4b:s17+s3], $0x100, $0x38;
	[tilespmem:$0x1C200] =	vst v63  }
0x7f: {  	_ =	swait.ge [sflag:s23], $0x100  }
0x80: {  	[sflag:s23] =	ssyncset.done $0x0  }
.Ltmp3:
0x81: {  	[sflag:s23] =	ssyncadd.s32 $0xFFFFFF00;
	(pc) =	sbr.rel @p1 .LBB2_6-.Ltmp3, $4  }
0x82: {  	[tilespmem:s26], [sflag:$0x1] =	stream.indirect.gather [hbm4b:s5+s25], $0x80, s24, s25, $0xb8;
	[tilespmem:$0x1C200] =	vst v63  }
0x83: {  	_ =	swait.ge [sflag:s1], $0x4000  }
0x84: {  	[sflag:s1] =	ssyncset.done $0x0  }
0x85: {  	[sflag:s1] =	ssyncadd.s32 $0xFFFFC000  }
.Ltmp4:
0x86: {  	_ = 	snop;
	(pc) =	sbr.rel .LBB2_7-.Ltmp4, $1  }
0x87: {  	_ =	sdelay $0x3  }
.LBB2_2:
0x88: {  	s22 =	sor.u32 $0x1C05, s20;
	s16 =	rddreg [dreg:$0x5]  }
0x89: {  	[spmem:s12], [sflag:s22] =	dma.local [hbm:s16], $0x2800  }
0x8a: {  	_ =	swait.ge [sflag:s23], $0x2800  }
0x8b: {  	[sflag:s23] =	ssyncset.done $0x0  }
0x8c: {  	[sflag:s23] =	ssyncadd.s32 $0xFFFFD800  }
0x8d: {  	[bflag:$0x0] =	sbarrier.arrive $0xFFFF  }
0x8e: {  	[tilespmem:s24], [sflag:$0x5] =	stream.linear.gather [hbm4b:s11+s3], $0x100, $0x38;
	[tilespmem:$0x1C200] =	vst v63  }
0x8f: {  	_ =	swait.ge [sflag:s23], $0x100  }
0x90: {  	[sflag:s23] =	ssyncset.done $0x0  }
0x91: {  	[sflag:s23] =	ssyncadd.s32 $0xFFFFFF00  }
0x92: {  	[tilespmem:s26], [sflag:$0x1] =	stream.indirect.gather [hbm4b:s4+s25], $0x80, s24, s25, $0xb8;
	[tilespmem:$0x1C200] =	vst v63  }
0x93: {  	s18 =	rddreg [dreg:$0x7]  }
0x94: {  	[tilespmem:s28], [sflag:$0x5] =	stream.linear.gather [hbm4b:s18+s3], $0x100, $0x38;
	[tilespmem:$0x1C200] =	vst v63  }
0x95: {  	_ =	swait.ge [sflag:s23], $0x100  }
0x96: {  	[sflag:s23] =	ssyncset.done $0x0  }
0x97: {  	[sflag:s23] =	ssyncadd.s32 $0xFFFFFF00  }
0x98: {  	[tilespmem:s29], [sflag:$0x2] =	stream.indirect.gather [hbm4b:s4+s25], $0x80, s28, s25, $0xb8;
	[tilespmem:$0x1C200] =	vst v63  }
0x99: {  	_ =	swait.ge [sflag:s30], $0x4000  }
0x9a: {  	[sflag:s30] =	ssyncset.done $0x0  }
0x9b: {  	[sflag:s30] =	ssyncadd.s32 $0xFFFFC000  }
0x9c: {  	[spmem:s2] =	stream.indirect.scatter.add.f32 [tilespmem:s26], [sflag:$0x3], $0x80, s31, s25, $0xb8;
	[tilespmem:$0x1C200] =	vst v63  }
0x9d: {  	_ =	swait.ge [sflag:s0], $0x4000  }
0x9e: {  	[sflag:s0] =	ssyncset.done $0x0  }
0x9f: {  	s17 =	rddreg [dreg:$0x8];
	[sflag:s0] =	ssyncadd.s32 $0xFFFFC000  }
0xa0: {  	[tilespmem:s24], [sflag:$0x5] =	stream.linear.gather [hbm4b:s17+s3], $0x100, $0x38;
	[tilespmem:$0x1C200] =	vst v63  }
0xa1: {  	_ =	swait.ge [sflag:s23], $0x100  }
0xa2: {  	[sflag:s23] =	ssyncset.done $0x0  }
0xa3: {  	[sflag:s23] =	ssyncadd.s32 $0xFFFFFF00  }
0xa4: {  	[tilespmem:s26], [sflag:$0x1] =	stream.indirect.gather [hbm4b:s4+s25], $0x80, s24, s25, $0xb8;
	[tilespmem:$0x1C200] =	vst v63  }
0xa5: {  	_ =	swait.ge [sflag:s1], $0x4000  }
0xa6: {  	[sflag:s1] =	ssyncset.done $0x0  }
0xa7: {  	[sflag:s1] =	ssyncadd.s32 $0xFFFFC000  }
0xa8: {  	[spmem:s2] =	stream.indirect.scatter.add.f32 [tilespmem:s29], [sflag:$0x4], $0x80, s6, s25, $0xb8;
	[tilespmem:$0x1C200] =	vst v63  }
0xa9: {  	_ =	swait.ge [sflag:s7], $0x4000  }
0xaa: {  	s18 =	sadd.s32 $0xFFFFEC80, s11;
	[sflag:s7] =	ssyncset.done $0x0  }
0xab: {  	s17 =	sadd.s32 $0x13E0, s18;
	[sflag:s7] =	ssyncadd.s32 $0xFFFFC000  }
0xac: {  	[tilespmem:s28], [sflag:$0x5] =	stream.linear.gather [hbm4b:s17+s3], $0x100, $0x38;
	[tilespmem:$0x1C200] =	vst v63  }
0xad: {  	_ =	swait.ge [sflag:s23], $0x100  }
0xae: {  	[sflag:s23] =	ssyncset.done $0x0  }
0xaf: {  	[sflag:s23] =	ssyncadd.s32 $0xFFFFFF00  }
0xb0: {  	[tilespmem:s29], [sflag:$0x2] =	stream.indirect.gather [hbm4b:s4+s25], $0x80, s28, s25, $0xb8;
	[tilespmem:$0x1C200] =	vst v63  }
0xb1: {  	_ =	swait.ge [sflag:s30], $0x4000  }
0xb2: {  	[sflag:s30] =	ssyncset.done $0x0  }
0xb3: {  	[sflag:s30] =	ssyncadd.s32 $0xFFFFC000  }
0xb4: {  	[spmem:s2] =	stream.indirect.scatter.add.f32 [tilespmem:s26], [sflag:$0x3], $0x80, s31, s25, $0xb8;
	[tilespmem:$0x1C200] =	vst v63  }
0xb5: {  	_ =	swait.ge [sflag:s0], $0x4000  }
0xb6: {  	[sflag:s0] =	ssyncset.done $0x0  }
0xb7: {  	s16 =	sadd.s32 $0x1400, s18;
	[sflag:s0] =	ssyncadd.s32 $0xFFFFC000  }
0xb8: {  	[tilespmem:s24], [sflag:$0x5] =	stream.linear.gather [hbm4b:s16+s3], $0x100, $0x38;
	[tilespmem:$0x1C200] =	vst v63  }
0xb9: {  	_ =	swait.ge [sflag:s23], $0x100  }
0xba: {  	[sflag:s23] =	ssyncset.done $0x0  }
0xbb: {  	[sflag:s23] =	ssyncadd.s32 $0xFFFFFF00  }
0xbc: {  	[tilespmem:s26], [sflag:$0x1] =	stream.indirect.gather [hbm4b:s4+s25], $0x80, s24, s25, $0xb8;
	[tilespmem:$0x1C200] =	vst v63  }
0xbd: {  	_ =	swait.ge [sflag:s1], $0x4000  }
0xbe: {  	[sflag:s1] =	ssyncset.done $0x0  }
0xbf: {  	s16 =	simm.s32 $0xFFFFECC0;
	[sflag:s1] =	ssyncadd.s32 $0xFFFFC000  }
.LBB2_3:
0xc0: {  	[spmem:s2] =	stream.indirect.scatter.add.f32 [tilespmem:s29], [sflag:$0x4], $0x80, s6, s25, $0xb8;
	[tilespmem:$0x1C200] =	vst v63  }
0xc1: {  	s17 =	smov.u32 s16  }
0xc2: {  	p1 =	seq.s32 s16, $0xFFFFFFC0;
	s16 =	sadd.s32 $0x40, s16;
	_ =	swait.ge [sflag:s7], $0x4000  }
0xc3: {  	s17 =	sadd.s32 s17, s11;
	[sflag:s7] =	ssyncset.done $0x0  }
0xc4: {  	s18 =	sadd.s32 $0x13E0, s17;
	[sflag:s7] =	ssyncadd.s32 $0xFFFFC000  }
0xc5: {  	[tilespmem:s28], [sflag:$0x5] =	stream.linear.gather [hbm4b:s18+s3], $0x100, $0x38;
	[tilespmem:$0x1C200] =	vst v63  }
0xc6: {  	_ =	swait.ge [sflag:s23], $0x100  }
0xc7: {  	[sflag:s23] =	ssyncset.done $0x0  }
0xc8: {  	[sflag:s23] =	ssyncadd.s32 $0xFFFFFF00  }
0xc9: {  	[tilespmem:s29], [sflag:$0x2] =	stream.indirect.gather [hbm4b:s4+s25], $0x80, s28, s25, $0xb8;
	[tilespmem:$0x1C200] =	vst v63  }
0xca: {  	_ =	swait.ge [sflag:s30], $0x4000  }
0xcb: {  	[sflag:s30] =	ssyncset.done $0x0  }
0xcc: {  	[sflag:s30] =	ssyncadd.s32 $0xFFFFC000  }
0xcd: {  	[spmem:s2] =	stream.indirect.scatter.add.f32 [tilespmem:s26], [sflag:$0x3], $0x80, s31, s25, $0xb8;
	[tilespmem:$0x1C200] =	vst v63  }
0xce: {  	_ =	swait.ge [sflag:s0], $0x4000  }
0xcf: {  	[sflag:s0] =	ssyncset.done $0x0  }
0xd0: {  	s17 =	sadd.s32 $0x1400, s17;
	[sflag:s0] =	ssyncadd.s32 $0xFFFFC000  }
0xd1: {  	[tilespmem:s24], [sflag:$0x5] =	stream.linear.gather [hbm4b:s17+s3], $0x100, $0x38;
	[tilespmem:$0x1C200] =	vst v63  }
0xd2: {  	_ =	swait.ge [sflag:s23], $0x100  }
0xd3: {  	[sflag:s23] =	ssyncset.done $0x0  }
.Ltmp5:
0xd4: {  	[sflag:s23] =	ssyncadd.s32 $0xFFFFFF00;
	(pc) =	sbr.rel @!p1 .LBB2_3-.Ltmp5, $4  }
0xd5: {  	[tilespmem:s26], [sflag:$0x1] =	stream.indirect.gather [hbm4b:s4+s25], $0x80, s24, s25, $0xb8;
	[tilespmem:$0x1C200] =	vst v63  }
0xd6: {  	_ =	swait.ge [sflag:s1], $0x4000  }
0xd7: {  	[sflag:s1] =	ssyncset.done $0x0  }
0xd8: {  	[sflag:s1] =	ssyncadd.s32 $0xFFFFC000  }
0xd9: {  	[spmem:s2] =	stream.indirect.scatter.add.f32 [tilespmem:s29], [sflag:$0x4], $0x80, s6, s25, $0xb8;
	[tilespmem:$0x1C200] =	vst v63  }
0xda: {  	_ =	swait.ge [sflag:s7], $0x4000  }
0xdb: {  	[sflag:s7] =	ssyncset.done $0x0  }
0xdc: {  	[sflag:s7] =	ssyncadd.s32 $0xFFFFC000  }
0xdd: {  	[tilespmem:s28], [sflag:$0x5] =	stream.linear.gather [hbm4b:s19+s3], $0x100, $0x38;
	[tilespmem:$0x1C200] =	vst v63  }
0xde: {  	_ =	swait.ge [sflag:s23], $0x100  }
0xdf: {  	[sflag:s23] =	ssyncset.done $0x0  }
0xe0: {  	[sflag:s23] =	ssyncadd.s32 $0xFFFFFF00  }
0xe1: {  	[tilespmem:s29], [sflag:$0x2] =	stream.indirect.gather [hbm4b:s4+s25], $0x80, s28, s25, $0xb8;
	[tilespmem:$0x1C200] =	vst v63  }
0xe2: {  	_ =	swait.ge [sflag:s30], $0x4000  }
0xe3: {  	[sflag:s30] =	ssyncset.done $0x0  }
0xe4: {  	[sflag:s30] =	ssyncadd.s32 $0xFFFFC000  }
0xe5: {  	[spmem:s2] =	stream.indirect.scatter.add.f32 [tilespmem:s26], [sflag:$0x3], $0x80, s31, s25, $0xb8;
	[tilespmem:$0x1C200] =	vst v63  }
.Ltmp6:
0xe6: {  	_ = 	snop;
	(pc) =	sbr.rel .LBB2_8-.Ltmp6, $4  }
0xe7: {  	_ =	swait.ge [sflag:s1], $0x4000  }
0xe8: {  	[sflag:s1] =	ssyncset.done $0x0  }
0xe9: {  	s16 =	rddreg [dreg:$0x3];
	[sflag:s1] =	ssyncadd.s32 $0xFFFFC000  }
0xea: {  	[spmem:s2] =	stream.indirect.scatter.add.f32 [tilespmem:s29], [sflag:$0x4], $0x80, s6, s25, $0xb8;
	[tilespmem:$0x1C200] =	vst v63  }
.LBB2_9:
0xeb: {  	_ =	sfence.sel $0x180000  }
0xec: {  	[bflag:$0x0] =	sbarrier.arrive $0xFFFF  }
0xed: {  	_ =	strace $0x90000047  }
0xee: {  	s0 =	stileid.u32;
	[bflag:$0x2] =	sbarrier.arrive $0xFFFF  }
0xef: {  	p0 =	sne.s32 s0, $0x0;
	s0 =	rddreg [dreg:$0x2]  }
0xf0: {  	s0 =	sadd.s32 @!p0 $0x100000, s0  }
0xf1: {  	[sflag:s0] =	ssyncadd.tile.s32 @!p0 $0x1;
	_ =	shalt  }
.Lfunc_end2:
_tile_overlayer_lowered:
.L_overlay_start_2:
0xf2: {  	(tag) =	ssettag $0x2  }
0xf3: {  	s0 =	rddreg [dreg:$0x0];
	s2 =	stileid.u32  }
0xf4: {  	s1 =	rddreg [dreg:$0x1];
	p0 =	sne.s32 s2, $0x0  }
0xf5: {  	s3 =	rddreg [dreg:$0x2];
	[bflag:$0x3] =	sbarrier.arrive $0xFFFF;
	s2 =	simm.s32 @!p0 $0x1C05  }
0xf6: {  	[timem:s3], [sflag:s2] =	dma.local @!p0 [hbm:s0], s1  }
0xf7: {  	s0 =	simm.s32 @!p0 $0x5  }
0xf8: {  	_ =	swait.ge @!p0 [sflag:s0], s1  }
0xf9: {  	s1 =	ssub.s32 @!p0 $0x0, s1;
	[sflag:s0] =	ssyncset.done @!p0 $0x0  }
0xfa: {  	[sflag:s0] =	ssyncadd.s32 @!p0 s1  }
0xfb: {  	[bflag:$0x3] =	sbarrier.arrive $0xFFFF  }
0xfc: {  	_ =	shalt  }

// kernel: kernel.13.cloned.1.call-start
scs
__scs_entry_jumppad:
0x0: {  	(pc) =	sbr.rel $0x88, $3  }
0x1: {  	(tag) =	ssettag $0x0;
	lr =	simm.s32 $0x1  }
0x2: {  	[smem:$0x3F8F] =	sst lr;
	_ =	strace $0xD0000000  }
0x3: {  	_ = 	snop  }
0x4: {  	_ = 	snop  }
0x5: {  	_ = 	snop  }
0x6: {  	_ = 	snop  }
0x7: {  	_ = 	snop  }
__scs_overlays_trampoline_lowered:
0x8: {  	[smem:$0x3F9E] =	sst s0  }
0x9: {  	[smem:$0x3F9F] =	sst s1  }
0xa: {  	[smem:$0x3FA0] =	sst s2  }
0xb: {  	[smem:$0x3FA1] =	sst s3  }
0xc: {  	[smem:$0x3FA2] =	sst s4  }
0xd: {  	[smem:$0x3FA3] =	sst s5  }
0xe: {  	[smem:$0x3FA4] =	sst s6  }
0xf: {  	[smem:$0x3FA5] =	sst s7  }
0x10: {  	[smem:$0x3FA6] =	sst s8  }
0x11: {  	[smem:$0x3FA7] =	sst s9;
	s0 =	simm.s32 @!p0 $0x0  }
0x12: {  	s1 =	sld [smem:$0x3F8D];
	s0 =	simm.s32 @p0 $0x1  }
0x13: {  	[smem:$0x3FA8] =	sst s0;
	s0 =	simm.s32 @!p1 $0x0  }
0x14: {  	s2 =	sld [smem:$0x3F8C];
	s0 =	simm.s32 @p1 $0x1  }
0x15: {  	[smem:$0x3FA9] =	sst s0;
	s0 =	simm.s32 @!p2 $0x0  }
0x16: {  	s3 =	sld [smem:$0x3FDB];
	s0 =	simm.s32 @p2 $0x1  }
0x17: {  	s4 =	simm.s32 $0x1BF5;
	[smem:$0x3FAB] =	sst s0  }
0x18: {  	s0 =	sld [smem:$0x3F8E];
	_ =	swait.ge [sflag:s4], $0x0  }
0x19: {  	s7 =	sld [smem:$0x3F8F]  }
0x1a: {  	s8 =	sadd.s32 $0xFFFFE003, lr  }
0x1b: {  	s9 =	sadd.s32 $0xFFFFFEF7, lr;
	s5 =	simm.s32 $0xFFFFFFFF;
	p2 =	slt.u32 s8, $0xFFFFF086  }
0x1c: {  	p1 =	slt.u32 s9, $0xF7A;
	s5 =	simm.s32 @!p2 $0x0  }
0x1d: {  	s5 =	simm.s32 @p1 $0x1;
	p0 =	seq.s32 s7, s2  }
0x1e: {  	s7 =	smul.u32 @!p0 $0xF7A, s2;
	p2 =	seq.s32 @!p0 s5, $0x0  }
0x1f: {  	s9 =	smul.u32 $0xF7A, s1;
	s8 =	simm.s32 @!p0 $0x1BF5;
	p2 =	por !p2, p0  }
0x20: {  	[sflag:s8] =	ssyncset.s32 @!p0 $0xFFFFF086;
	s6 =	sadd.s32 @!p0 s3, s7;
	s7 =	simm.s32 @!p0 $0x108  }
0x21: {  	s3 =	sadd.s32 s3, s9;
	s6 =	sadd.s32 @!p0 $0x88, s6;
	s7 =	simm.s32 @p2 $0x1082  }
0x22: {  	[simem:s7], [sflag:s8] =	dma.local @!p0 [hbm:s6], $0xF7A  }
0x23: {  	s9 =	sor.u32 $0xD0000000, s2;
	s6 =	simm.s32 $0x108;
	_ =	swait.ge @!p0 [sflag:s8], $0x0  }
0x24: {  	s3 =	sadd.s32 $0x88, s3;
	s6 =	simm.s32 @!p1 $0x1082;
	[sflag:s4] =	ssyncset.s32 $0xFFFFF086  }
0x25: {  	[simem:s6], [sflag:s4] =	dma.local [hbm:s3], $0xF7A  }
0x26: {  	[smem:$0x3F8F] =	sst s1;
	(tag) =	ssettag s2;
	_ =	strace s9  }
0x27: {  	s1 =	sld [smem:$0x3F9F]  }
0x28: {  	s2 =	sld [smem:$0x3FA0]  }
0x29: {  	s4 =	sld [smem:$0x3FA2]  }
0x2a: {  	p0 =	seq.s32 s5, $0x0;
	s5 =	sld [smem:$0x3FA3]  }
0x2b: {  	s6 =	sld [smem:$0x3FA4]  }
0x2c: {  	s7 =	sld [smem:$0x3FA5]  }
0x2d: {  	s3 =	simm.s32 $0x108;
	s8 =	sld [smem:$0x3FA6]  }
0x2e: {  	s3 =	simm.s32 @!p0 $0x1082;
	s9 =	sld [smem:$0x3FA7]  }
0x2f: {  	lr =	sadd.s32 s0, s3;
	s0 =	sld [smem:$0x3F9E]  }
0x30: {  	s3 =	sld [smem:$0x3FA1]  }
0x31: {  	[smem:$0x3FAA] =	sst s10  }
0x32: {  	s10 =	sld [smem:$0x3FA8];
	_ =	sdelay $0x3  }
0x33: {  	p0 =	seq.s32 s10, $0x1;
	s10 =	sld [smem:$0x3FAA];
	_ =	sdelay $0x3  }
0x34: {  	[smem:$0x3FAA] =	sst s10  }
0x35: {  	s10 =	sld [smem:$0x3FA9];
	_ =	sdelay $0x3  }
0x36: {  	p1 =	seq.s32 s10, $0x1;
	s10 =	sld [smem:$0x3FAA];
	_ =	sdelay $0x3  }
0x37: {  	[smem:$0x3FAA] =	sst s10  }
0x38: {  	s10 =	sld [smem:$0x3FAB]  }
0x39: {  	_ = 	snop;
	(pc) =	sbr.ind lr, $3  }
0x3a: {  	_ = 	snop  }
0x3b: {  	_ = 	snop  }
0x3c: {  	p2 =	seq.s32 s10, $0x1;
	s10 =	sld [smem:$0x3FAA]  }
0x3d: {  	_ =	shalt  }
0x3e: {  	_ =	shalt  }
0x3f: {  	_ =	shalt  }
0x40: {  	_ =	shalt  }
0x41: {  	_ =	shalt  }
0x42: {  	_ =	shalt  }
0x43: {  	_ =	shalt  }
0x44: {  	_ =	shalt  }
0x45: {  	_ =	shalt  }
0x46: {  	_ =	shalt  }
0x47: {  	_ =	shalt  }
0x48: {  	_ =	shalt  }
0x49: {  	_ =	shalt  }
0x4a: {  	_ =	shalt  }
0x4b: {  	_ =	shalt  }
0x4c: {  	_ =	shalt  }
0x4d: {  	_ =	shalt  }
0x4e: {  	_ =	shalt  }
0x4f: {  	_ =	shalt  }
0x50: {  	_ =	shalt  }
0x51: {  	_ =	shalt  }
0x52: {  	_ =	shalt  }
0x53: {  	_ =	shalt  }
0x54: {  	_ =	shalt  }
0x55: {  	_ =	shalt  }
0x56: {  	_ =	shalt  }
0x57: {  	_ =	shalt  }
0x58: {  	_ =	shalt  }
0x59: {  	_ =	shalt  }
0x5a: {  	_ =	shalt  }
0x5b: {  	_ =	shalt  }
0x5c: {  	_ =	shalt  }
0x5d: {  	_ =	shalt  }
0x5e: {  	_ =	shalt  }
0x5f: {  	_ =	shalt  }
0x60: {  	_ =	shalt  }
0x61: {  	_ =	shalt  }
0x62: {  	_ =	shalt  }
0x63: {  	_ =	shalt  }
0x64: {  	_ =	shalt  }
0x65: {  	_ =	shalt  }
0x66: {  	_ =	shalt  }
0x67: {  	_ =	shalt  }
0x68: {  	_ =	shalt  }
0x69: {  	_ =	shalt  }
0x6a: {  	_ =	shalt  }
0x6b: {  	_ =	shalt  }
0x6c: {  	_ =	shalt  }
0x6d: {  	_ =	shalt  }
0x6e: {  	_ =	shalt  }
0x6f: {  	_ =	shalt  }
0x70: {  	_ =	shalt  }
0x71: {  	_ =	shalt  }
0x72: {  	_ =	shalt  }
0x73: {  	_ =	shalt  }
0x74: {  	_ =	shalt  }
0x75: {  	_ =	shalt  }
0x76: {  	_ =	shalt  }
0x77: {  	_ =	shalt  }
0x78: {  	_ =	shalt  }
0x79: {  	_ =	shalt  }
0x7a: {  	_ =	shalt  }
0x7b: {  	_ =	shalt  }
0x7c: {  	_ =	shalt  }
0x7d: {  	_ =	shalt  }
0x7e: {  	_ =	shalt  }
0x7f: {  	_ =	shalt  }
0x80: {  	_ =	shalt  }
0x81: {  	_ =	shalt  }
0x82: {  	_ =	shalt  }
0x83: {  	_ =	shalt  }
0x84: {  	_ =	shalt  }
0x85: {  	_ =	shalt  }
0x86: {  	_ =	shalt  }
0x87: {  	_ =	shalt  }
.Lfunc_end0:
.L_simem_size_0:
called_computation.1_lowered:
.L_overlay_start_0:
0x88: {  	s2 =	sld [smem:$0x3FD9]  }
0x89: {  	s3 =	sld [smem:$0x3FFE];
	_ =	sdelay $0x1  }
0x8a: {  	s1 =	srdreg.scid  }
0x8b: {  	s0 =	sand.u32 $0x1, s1  }
0x8c: {  	s17 =	sshll.u32 s0, $0xA;
	s2 =	sadd.s32 s3, s2  }
0x8d: {  	s2 =	sadd.s32 s2, s17  }
0x8e: {  	[smem:$0x3FB6] =	sst s2  }
0x8f: {  	_ = 	snop  }
0x90: {  	(tm) =	ssettm $0x1  }
0x91: {  	s18 =	sld [smem:$0x3FFB];
	_ =	sdelay $0x3  }
0x92: {  	_ =	strace s18  }
0x93: {  	s2 =	sld [smem:$0x3FFC];
	_ =	sdelay $0x3  }
0x94: {  	_ =	strace s2  }
0x95: {  	s2 =	sld [smem:$0x3FFD];
	_ =	sdelay $0x3  }
0x96: {  	_ =	strace s2  }
0x97: {  	_ =	strace $0x8FFFFFFF  }
0x98: {  	s19 =	sld [smem:$0x3FDB];
	_ =	sdelay $0x1  }
0x99: {  	s20 =	simm.s32 $_scs_section_size  }
0x9a: {  	s4 =	simm.s32 $_size__tile_overlayer_lowered;
	s5 =	simm.s32 $_tile_overlayer_lowered  }
0x9b: {  	s6 =	simm.s32 $0x1BFF;
	s21 =	sshll.u32 s5, $0x1;
	s3 =	sadd.s32 s20, s19  }
0x9c: {  	s22 =	simm.s32 $0x0;
	s4 =	sshll.u32 s4, $0x1;
	s5 =	sadd.s32 s21, s3  }
0x9d: {  	[timem:s22], [sflag:s6] =	dma.local [hbm:s5], s4  }
0x9e: {  	_ =	swait.ge [sflag:s6], s4  }
0x9f: {  	s4 =	ssub.s32 $0x0, s4;
	[sflag:s6] =	ssyncset.done $0x0  }
0xa0: {  	[sflag:s6] =	ssyncadd.s32 s4;
	_ =	sdelay $0x1  }
0xa1: {  	s23 =	simm.s32 $0x1B8B  }
0xa2: {  	_ =	swait.ge [sflag:s23], $0x1  }
0xa3: {  	[sflag:s23] =	ssyncset.done $0x0  }
0xa4: {  	[sflag:s23] =	ssyncadd.s32 $0xFFFFFFFF  }
0xa5: {  	s4 =	sld [smem:$0x0]  }
0xa6: {  	s5 =	sand.u32 $0xFFFFFFFE, s1  }
0xa7: {  	p0 =	sne.s32 s1, s5  }
0xa8: {  	s5 =	sshll.u32 @p0 s5, $0xE  }
0xa9: {  	s5 =	sadd.s32 @p0 $0x11B8D, s5;
	s6 =	sshll.u32 @p0 s4, $0x11  }
0xaa: {  	s5 =	sor.u32 @p0 s6, s5  }
0xab: {  	[sflag:s5] =	ssyncadd.remote.s32 @p0 $0x1;
	_ =	sdelay $0x1  }
0xac: {  	s5 =	simm.s32 @p0 $0x1B8D  }
0xad: {  	_ =	swait.eq @p0 [sflag:s5], $0x1  }
0xae: {  	[sflag:s5] =	ssyncadd.s32 @p0 $0xFFFFFFFF  }
0xaf: {  	s6 =	sshll.u32 @!p0 s1, $0xE  }
0xb0: {  	s6 =	sor.u32 @!p0 $0x4000, s6;
	s5 =	simm.s32 @!p0 $0x1B8D  }
0xb1: {  	s4 =	sshll.u32 @!p0 s4, $0x11;
	s6 =	sadd.s32 @!p0 $0x11B8D, s6;
	_ =	swait.eq @!p0 [sflag:s5], $0x1  }
0xb2: {  	s4 =	sor.u32 @!p0 s4, s6;
	[sflag:s5] =	ssyncadd.s32 @!p0 $0xFFFFFFFF  }
0xb3: {  	s25 =	simm.s32 $0x1B8E;
	s24 =	sld [smem:$0x3FFE];
	[sflag:s4] =	ssyncadd.remote.s32 @!p0 $0x1  }
0xb4: {  	s26 =	simm.s32 $execute0_lowered;
	[smem:$0x3FD2] =	sst s25  }
0xb5: {  	s5 =	sshll.u32 s26, $0x1;
	_ =	strace $0x8000004C;
	[dreg:$0x1] =	wrdreg $0xFFFFFFFF  }
0xb6: {  	s28 =	simm.s32 $_size_execute0_lowered;
	s3 =	sadd.s32 s3, s5;
	[dreg:$0x0] =	wrdreg $0x0  }
0xb7: {  	s5 =	sshll.u32 s28, $0x1;
	[dreg:$0x2] =	wrdreg s3  }
0xb8: {  	[dreg:$0x3] =	wrdreg s5  }
0xb9: {  	[dreg:$0x4] =	wrdreg $0xC0  }
0xba: {  	_ =	task [dreg:s22], $0x5FFFF  }
0xbb: {  	[dreg:$0x1] =	wrdreg $0xFFFFFFFF  }
0xbc: {  	[dreg:$0x0] =	wrdreg $0x60  }
0xbd: {  	[dreg:$0x2] =	wrdreg s24  }
0xbe: {  	[dreg:$0x3] =	wrdreg $0x0  }
0xbf: {  	[dreg:$0x4] =	wrdreg $0x9  }
0xc0: {  	_ =	task.clear_ibuf [dreg:s22], $0x5FFFF;
	_ =	strace $0x9000004C  }
0xc1: {  	s29 =	simm.s32 $0x9;
	_ =	strace $0x8000004E  }
0xc2: {  	_ =	swait.ge [sflag:s29], $0x1  }
0xc3: {  	[sflag:s29] =	ssyncadd.s32 $0xFFFFFFFF  }
0xc4: {  	_ =	strace $0x9000004E  }
0xc5: {  	_ =	sfence  }
0xc6: {  	s30 =	sld [smem:$0x0];
	_ =	sdelay $0x2  }
0xc7: {  	s31 =	sshll.u32 s1, $0xD;
	s1 =	sshrl.u32 s1, $0x2  }
0xc8: {  	s4 =	sand.u32 $0x4000, s31;
	s1 =	sadd.s32 s1, s30  }
0xc9: {  	s0 =	sor.u32 s4, s0;
	s1 =	sshll.u32 s1, $0x11  }
0xca: {  	s0 =	sor.u32 s1, s0  }
0xcb: {  	s0 =	sadd.s32 $0x8F2B, s0  }
0xcc: {  	[sflag:s0] =	ssyncadd.remote.s32 $0x1  }
0xcd: {  	_ =	sfence.sel $0xFFFF  }
0xce: {  	[dreg:$0x0] =	wrdreg $0xFFFFFFFF;
	(pc) =	sbr.abs _section_cstart, $3  }
0xcf: {  	[dreg:$0x1] =	wrdreg $0xFFFFFFFF  }
0xd0: {  	_ =	task.clear_ibuf [dreg:s22], $0x2FFFF;
	_ =	strace $0x9FFFFFFF  }
0xd1: {  	(tm) =	ssettm $0x7FFFFFFF  }
tec
execute0_lowered:
.L_overlay_start_1:
0x0: {  	(tag) =	ssettag $0x1  }
0x1: {  	s0 =	rddreg [dreg:$0x0]  }
0x2: {  	s2 =	rddreg [dreg:$0x1];
	s3 =	simm.s32 $0x0;
	s7 =	stileid.u32  }
0x3: {  	s6 =	srdreg.scid;
	s19 =	simm.s32 $0x5;
	s20 =	simm.s32 $0x14000  }
0x4: {  	s21 =	simm.s32 $0x80;
	s22 =	simm.s32 $0x14200;
	s23 =	simm.s32 $0x14100  }
0x5: {  	s28 =	simm.s32 $0x3;
	s29 =	simm.s32 $0x2;
	s30 =	simm.s32 $0x14180  }
0x6: {  	s31 =	simm.s32 $0x4;
	[smem:$0x7FF] =	sst s3;
	s1 =	smul.u32 $0x1400, s7  }
0x7: {  	s4 =	sadd.s32 $0xF5200, s0;
	s5 =	sadd.s32 $0xA5200, s0;
	s6 =	sand.u32 $0x1, s6  }
0x8: {  	s8 =	sadd.s32 $0x11D200, s0;
	s10 =	smul.u32 $0x50000, s7;
	s16 =	sshll.u32 s7, $0x6  }
0x9: {  	_ =	strace $0x8000004D;
	[dreg:$0x3] =	wrdreg s8;
	s9 =	ssub.s32 $0x2, s6  }
0xa: {  	s8 =	smul.u32 $0x2800, s7;
	p0 =	seq.s32 s6, $0x1;
	s1 =	sadd.s32 s1, s0  }
0xb: {  	s0 =	sadd.s32 $0x145200, s0;
	s24 =	sshrl.u32 s9, $0x1;
	s25 =	sshrl.u32 s10, $0x2  }
0xc: {  	[dreg:$0x4] =	wrdreg s0;
	s0 =	ssub.s32 s9, s24;
	s6 =	sadd.s32 s25, s2  }
.Ltmp0:
0xd: {  	s26 =	sadd.s32 s4, s8;
	s10 =	sadd.s32 $0x5200, s1;
	(pc) =	sbr.rel .LBB2_1-.Ltmp0, $4  }
0xe: {  	s11 =	sadd.s32 s5, s8;
	s13 =	sadd.s32 $0x5220, s1;
	s14 =	sadd.s32 $0x5240, s1  }
0xf: {  	s15 =	sadd.s32 $0x65E0, s1;
	s1 =	sor.u32 $0x1C05, s16;
	s24 =	simm.s32 $0x18200  }
0x10: {  	s25 =	simm.s32 $0x1;
	[dreg:$0x5] =	wrdreg s26;
	s12 =	smax.u32 s0, $0x1  }
0x11: {  	s18 =	sshrl.u32 s6, $0x3;
	s26 =	simm.s32 $0x14080;
	s0 =	simm.s32 $0x0  }
.LBB2_7:
0x12: {  	[spmem:s2] =	stream.indirect.scatter.add.f32 [tilespmem:s24], [sflag:$0x4], $0x80, s30, s21, $0xb8;
	[tilespmem:$0x1C200] =	vst v63  }
0x13: {  	_ =	swait.ge [sflag:s31], $0x4000  }
0x14: {  	[sflag:s31] =	ssyncset.done $0x0  }
0x15: {  	[sflag:s31] =	ssyncadd.s32 $0xFFFFC000  }
0x16: {  	[tilespmem:s23], [sflag:$0x5] =	stream.linear.gather [hbm4b:s15+s3], $0x100, $0x38;
	[tilespmem:$0x1C200] =	vst v63  }
0x17: {  	_ =	swait.ge [sflag:s19], $0x100  }
0x18: {  	[sflag:s19] =	ssyncset.done $0x0  }
0x19: {  	[sflag:s19] =	ssyncadd.s32 $0xFFFFFF00  }
0x1a: {  	[tilespmem:s24], [sflag:$0x2] =	stream.indirect.gather [hbm4b:s5+s21], $0x80, s23, s21, $0xb8;
	[tilespmem:$0x1C200] =	vst v63  }
0x1b: {  	_ =	swait.ge [sflag:s25], $0x4000  }
0x1c: {  	[sflag:s25] =	ssyncset.done $0x0  }
0x1d: {  	[sflag:s25] =	ssyncadd.s32 $0xFFFFC000  }
0x1e: {  	[spmem:s2] =	stream.indirect.scatter.add.f32 [tilespmem:s22], [sflag:$0x3], $0x80, s26, s21, $0xb8;
	[tilespmem:$0x1C200] =	vst v63  }
0x1f: {  	_ =	swait.ge [sflag:s29], $0x4000  }
0x20: {  	[sflag:s29] =	ssyncset.done $0x0  }
0x21: {  	s17 =	smov.u32 s1;
	s6 =	rddreg [dreg:$0x4];
	[sflag:s29] =	ssyncadd.s32 $0xFFFFC000  }
0x22: {  	[spmem:s2] =	stream.indirect.scatter.add.f32 [tilespmem:s24], [sflag:$0x4], $0x80, s30, s21, $0xb8;
	[tilespmem:$0x1C200] =	vst v63  }
.LBB2_8:
0x23: {  	_ =	swait.ge [sflag:s28], $0x4000  }
0x24: {  	[sflag:s28] =	ssyncset.done $0x0  }
0x25: {  	[sflag:s28] =	ssyncadd.s32 $0xFFFFC000  }
0x26: {  	_ =	swait.ge [sflag:s31], $0x4000  }
0x27: {  	s0 =	sadd.s32 $0x1, s0;
	[sflag:s31] =	ssyncset.done $0x0  }
0x28: {  	p1 =	sne.s32 s0, s12;
	[sflag:s31] =	ssyncadd.s32 $0xFFFFC000  }
.Ltmp1:
0x29: {  	s6 =	sadd.s32 s6, s8;
	[bflag:$0x0] =	sbarrier.arrive $0xFFFF;
	(pc) =	sbr.rel @!p1 .LBB2_9-.Ltmp1, $4  }
0x2a: {  	[hbm:s6], [sflag:s17] =	dma.local [spmem:s18], $0x2800  }
0x2b: {  	_ =	swait.ge [sflag:s19], $0x2800  }
0x2c: {  	[sflag:s19] =	ssyncset.done $0x0  }
0x2d: {  	[sflag:s19] =	ssyncadd.s32 $0xFFFFD800  }
.LBB2_1:
.Ltmp2:
0x2e: {  	(pc) =	sbr.rel @!p0 .LBB2_2-.Ltmp2, $1  }
0x2f: {  	_ =	sdelay $0x3  }
0x30: {  	[spmem:s18], [sflag:s1] =	dma.local [hbm:s11], $0x2800  }
0x31: {  	_ =	swait.ge [sflag:s19], $0x2800  }
0x32: {  	[sflag:s19] =	ssyncset.done $0x0  }
0x33: {  	[sflag:s19] =	ssyncadd.s32 $0xFFFFD800  }
0x34: {  	[bflag:$0x0] =	sbarrier.arrive $0xFFFF  }
0x35: {  	[tilespmem:s20], [sflag:$0x5] =	stream.linear.gather [hbm4b:s10+s3], $0x100, $0x38;
	[tilespmem:$0x1C200] =	vst v63  }
0x36: {  	_ =	swait.ge [sflag:s19], $0x100  }
0x37: {  	[sflag:s19] =	ssyncset.done $0x0  }
0x38: {  	[sflag:s19] =	ssyncadd.s32 $0xFFFFFF00  }
0x39: {  	[tilespmem:s22], [sflag:$0x1] =	stream.indirect.gather [hbm4b:s5+s21], $0x80, s20, s21, $0xb8;
	[tilespmem:$0x1C200] =	vst v63  }
0x3a: {  	_ = 	snop  }
0x3b: {  	[tilespmem:s23], [sflag:$0x5] =	stream.linear.gather [hbm4b:s13+s3], $0x100, $0x38;
	[tilespmem:$0x1C200] =	vst v63  }
0x3c: {  	_ =	swait.ge [sflag:s19], $0x100  }
0x3d: {  	[sflag:s19] =	ssyncset.done $0x0  }
0x3e: {  	[sflag:s19] =	ssyncadd.s32 $0xFFFFFF00  }
0x3f: {  	[tilespmem:s24], [sflag:$0x2] =	stream.indirect.gather [hbm4b:s5+s21], $0x80, s23, s21, $0xb8;
	[tilespmem:$0x1C200] =	vst v63  }
0x40: {  	_ =	swait.ge [sflag:s25], $0x4000  }
0x41: {  	[sflag:s25] =	ssyncset.done $0x0  }
0x42: {  	[sflag:s25] =	ssyncadd.s32 $0xFFFFC000  }
0x43: {  	[spmem:s2] =	stream.indirect.scatter.add.f32 [tilespmem:s22], [sflag:$0x3], $0x80, s26, s21, $0xb8;
	[tilespmem:$0x1C200] =	vst v63  }
0x44: {  	_ =	swait.ge [sflag:s28], $0x4000  }
0x45: {  	[sflag:s28] =	ssyncset.done $0x0  }
0x46: {  	[sflag:s28] =	ssyncadd.s32 $0xFFFFC000  }
0x47: {  	[tilespmem:s20], [sflag:$0x5] =	stream.linear.gather [hbm4b:s14+s3], $0x100, $0x38;
	[tilespmem:$0x1C200] =	vst v63  }
0x48: {  	_ =	swait.ge [sflag:s19], $0x100  }
0x49: {  	[sflag:s19] =	ssyncset.done $0x0  }
0x4a: {  	[sflag:s19] =	ssyncadd.s32 $0xFFFFFF00  }
0x4b: {  	[tilespmem:s22], [sflag:$0x1] =	stream.indirect.gather [hbm4b:s5+s21], $0x80, s20, s21, $0xb8;
	[tilespmem:$0x1C200] =	vst v63  }
0x4c: {  	_ =	swait.ge [sflag:s29], $0x4000  }
0x4d: {  	[sflag:s29] =	ssyncset.done $0x0  }
0x4e: {  	[sflag:s29] =	ssyncadd.s32 $0xFFFFC000  }
0x4f: {  	[spmem:s2] =	stream.indirect.scatter.add.f32 [tilespmem:s24], [sflag:$0x4], $0x80, s30, s21, $0xb8;
	[tilespmem:$0x1C200] =	vst v63  }
0x50: {  	_ =	swait.ge [sflag:s31], $0x4000  }
0x51: {  	s6 =	sadd.s32 $0xFFFFEC80, s10;
	[sflag:s31] =	ssyncset.done $0x0  }
0x52: {  	s7 =	sadd.s32 $0x13E0, s6;
	[sflag:s31] =	ssyncadd.s32 $0xFFFFC000  }
0x53: {  	[tilespmem:s23], [sflag:$0x5] =	stream.linear.gather [hbm4b:s7+s3], $0x100, $0x38;
	[tilespmem:$0x1C200] =	vst v63  }
0x54: {  	_ =	swait.ge [sflag:s19], $0x100  }
0x55: {  	[sflag:s19] =	ssyncset.done $0x0  }
0x56: {  	[sflag:s19] =	ssyncadd.s32 $0xFFFFFF00  }
0x57: {  	[tilespmem:s24], [sflag:$0x2] =	stream.indirect.gather [hbm4b:s5+s21], $0x80, s23, s21, $0xb8;
	[tilespmem:$0x1C200] =	vst v63  }
0x58: {  	_ =	swait.ge [sflag:s25], $0x4000  }
0x59: {  	[sflag:s25] =	ssyncset.done $0x0  }
0x5a: {  	[sflag:s25] =	ssyncadd.s32 $0xFFFFC000  }
0x5b: {  	[spmem:s2] =	stream.indirect.scatter.add.f32 [tilespmem:s22], [sflag:$0x3], $0x80, s26, s21, $0xb8;
	[tilespmem:$0x1C200] =	vst v63  }
0x5c: {  	_ =	swait.ge [sflag:s28], $0x4000  }
0x5d: {  	[sflag:s28] =	ssyncset.done $0x0  }
0x5e: {  	s6 =	sadd.s32 $0x1400, s6;
	[sflag:s28] =	ssyncadd.s32 $0xFFFFC000  }
0x5f: {  	[tilespmem:s20], [sflag:$0x5] =	stream.linear.gather [hbm4b:s6+s3], $0x100, $0x38;
	[tilespmem:$0x1C200] =	vst v63  }
0x60: {  	_ =	swait.ge [sflag:s19], $0x100  }
0x61: {  	[sflag:s19] =	ssyncset.done $0x0  }
0x62: {  	[sflag:s19] =	ssyncadd.s32 $0xFFFFFF00  }
0x63: {  	[tilespmem:s22], [sflag:$0x1] =	stream.indirect.gather [hbm4b:s5+s21], $0x80, s20, s21, $0xb8;
	[tilespmem:$0x1C200] =	vst v63  }
0x64: {  	_ =	swait.ge [sflag:s29], $0x4000  }
0x65: {  	[sflag:s29] =	ssyncset.done $0x0  }
0x66: {  	s6 =	simm.s32 $0xFFFFECC0;
	[sflag:s29] =	ssyncadd.s32 $0xFFFFC000  }
.LBB2_6:
0x67: {  	[spmem:s2] =	stream.indirect.scatter.add.f32 [tilespmem:s24], [sflag:$0x4], $0x80, s30, s21, $0xb8;
	[tilespmem:$0x1C200] =	vst v63  }
0x68: {  	s7 =	smov.u32 s6  }
0x69: {  	p1 =	sne.s32 s6, $0xFFFFFFC0;
	s6 =	sadd.s32 $0x40, s6;
	_ =	swait.ge [sflag:s31], $0x4000  }
0x6a: {  	s7 =	sadd.s32 s7, s10;
	[sflag:s31] =	ssyncset.done $0x0  }
0x6b: {  	s9 =	sadd.s32 $0x13E0, s7;
	[sflag:s31] =	ssyncadd.s32 $0xFFFFC000  }
0x6c: {  	[tilespmem:s23], [sflag:$0x5] =	stream.linear.gather [hbm4b:s9+s3], $0x100, $0x38;
	[tilespmem:$0x1C200] =	vst v63  }
0x6d: {  	_ =	swait.ge [sflag:s19], $0x100  }
0x6e: {  	[sflag:s19] =	ssyncset.done $0x0  }
0x6f: {  	[sflag:s19] =	ssyncadd.s32 $0xFFFFFF00  }
0x70: {  	[tilespmem:s24], [sflag:$0x2] =	stream.indirect.gather [hbm4b:s5+s21], $0x80, s23, s21, $0xb8;
	[tilespmem:$0x1C200] =	vst v63  }
0x71: {  	_ =	swait.ge [sflag:s25], $0x4000  }
0x72: {  	[sflag:s25] =	ssyncset.done $0x0  }
0x73: {  	[sflag:s25] =	ssyncadd.s32 $0xFFFFC000  }
0x74: {  	[spmem:s2] =	stream.indirect.scatter.add.f32 [tilespmem:s22], [sflag:$0x3], $0x80, s26, s21, $0xb8;
	[tilespmem:$0x1C200] =	vst v63  }
0x75: {  	_ =	swait.ge [sflag:s28], $0x4000  }
0x76: {  	[sflag:s28] =	ssyncset.done $0x0  }
0x77: {  	s7 =	sadd.s32 $0x1400, s7;
	[sflag:s28] =	ssyncadd.s32 $0xFFFFC000  }
0x78: {  	[tilespmem:s20], [sflag:$0x5] =	stream.linear.gather [hbm4b:s7+s3], $0x100, $0x38;
	[tilespmem:$0x1C200] =	vst v63  }
0x79: {  	_ =	swait.ge [sflag:s19], $0x100  }
0x7a: {  	[sflag:s19] =	ssyncset.done $0x0  }
.Ltmp3:
0x7b: {  	[sflag:s19] =	ssyncadd.s32 $0xFFFFFF00;
	(pc) =	sbr.rel @p1 .LBB2_6-.Ltmp3, $4  }
0x7c: {  	[tilespmem:s22], [sflag:$0x1] =	stream.indirect.gather [hbm4b:s5+s21], $0x80, s20, s21, $0xb8;
	[tilespmem:$0x1C200] =	vst v63  }
0x7d: {  	_ =	swait.ge [sflag:s29], $0x4000  }
0x7e: {  	[sflag:s29] =	ssyncset.done $0x0  }
0x7f: {  	[sflag:s29] =	ssyncadd.s32 $0xFFFFC000  }
.Ltmp4:
0x80: {  	_ = 	snop;
	(pc) =	sbr.rel .LBB2_7-.Ltmp4, $1  }
0x81: {  	_ =	sdelay $0x3  }
.LBB2_2:
0x82: {  	s17 =	sor.u32 $0x1C05, s16;
	s6 =	rddreg [dreg:$0x5]  }
0x83: {  	[spmem:s18], [sflag:s17] =	dma.local [hbm:s6], $0x2800  }
0x84: {  	_ =	swait.ge [sflag:s19], $0x2800  }
0x85: {  	[sflag:s19] =	ssyncset.done $0x0  }
0x86: {  	[sflag:s19] =	ssyncadd.s32 $0xFFFFD800  }
0x87: {  	[bflag:$0x0] =	sbarrier.arrive $0xFFFF  }
0x88: {  	[tilespmem:s20], [sflag:$0x5] =	stream.linear.gather [hbm4b:s10+s3], $0x100, $0x38;
	[tilespmem:$0x1C200] =	vst v63  }
0x89: {  	_ =	swait.ge [sflag:s19], $0x100  }
0x8a: {  	[sflag:s19] =	ssyncset.done $0x0  }
0x8b: {  	[sflag:s19] =	ssyncadd.s32 $0xFFFFFF00  }
0x8c: {  	[tilespmem:s22], [sflag:$0x1] =	stream.indirect.gather [hbm4b:s4+s21], $0x80, s20, s21, $0xb8;
	[tilespmem:$0x1C200] =	vst v63  }
0x8d: {  	_ = 	snop  }
0x8e: {  	[tilespmem:s23], [sflag:$0x5] =	stream.linear.gather [hbm4b:s13+s3], $0x100, $0x38;
	[tilespmem:$0x1C200] =	vst v63  }
0x8f: {  	_ =	swait.ge [sflag:s19], $0x100  }
0x90: {  	[sflag:s19] =	ssyncset.done $0x0  }
0x91: {  	[sflag:s19] =	ssyncadd.s32 $0xFFFFFF00  }
0x92: {  	[tilespmem:s24], [sflag:$0x2] =	stream.indirect.gather [hbm4b:s4+s21], $0x80, s23, s21, $0xb8;
	[tilespmem:$0x1C200] =	vst v63  }
0x93: {  	_ =	swait.ge [sflag:s25], $0x4000  }
0x94: {  	[sflag:s25] =	ssyncset.done $0x0  }
0x95: {  	[sflag:s25] =	ssyncadd.s32 $0xFFFFC000  }
0x96: {  	[spmem:s2] =	stream.indirect.scatter.add.f32 [tilespmem:s22], [sflag:$0x3], $0x80, s26, s21, $0xb8;
	[tilespmem:$0x1C200] =	vst v63  }
0x97: {  	_ =	swait.ge [sflag:s28], $0x4000  }
0x98: {  	[sflag:s28] =	ssyncset.done $0x0  }
0x99: {  	[sflag:s28] =	ssyncadd.s32 $0xFFFFC000  }
0x9a: {  	[tilespmem:s20], [sflag:$0x5] =	stream.linear.gather [hbm4b:s14+s3], $0x100, $0x38;
	[tilespmem:$0x1C200] =	vst v63  }
0x9b: {  	_ =	swait.ge [sflag:s19], $0x100  }
0x9c: {  	[sflag:s19] =	ssyncset.done $0x0  }
0x9d: {  	[sflag:s19] =	ssyncadd.s32 $0xFFFFFF00  }
0x9e: {  	[tilespmem:s22], [sflag:$0x1] =	stream.indirect.gather [hbm4b:s4+s21], $0x80, s20, s21, $0xb8;
	[tilespmem:$0x1C200] =	vst v63  }
0x9f: {  	_ =	swait.ge [sflag:s29], $0x4000  }
0xa0: {  	[sflag:s29] =	ssyncset.done $0x0  }
0xa1: {  	[sflag:s29] =	ssyncadd.s32 $0xFFFFC000  }
0xa2: {  	[spmem:s2] =	stream.indirect.scatter.add.f32 [tilespmem:s24], [sflag:$0x4], $0x80, s30, s21, $0xb8;
	[tilespmem:$0x1C200] =	vst v63  }
0xa3: {  	_ =	swait.ge [sflag:s31], $0x4000  }
0xa4: {  	s9 =	sadd.s32 $0xFFFFEC80, s10;
	[sflag:s31] =	ssyncset.done $0x0  }
0xa5: {  	s7 =	sadd.s32 $0x13E0, s9;
	[sflag:s31] =	ssyncadd.s32 $0xFFFFC000  }
0xa6: {  	[tilespmem:s23], [sflag:$0x5] =	stream.linear.gather [hbm4b:s7+s3], $0x100, $0x38;
	[tilespmem:$0x1C200] =	vst v63  }
0xa7: {  	_ =	swait.ge [sflag:s19], $0x100  }
0xa8: {  	[sflag:s19] =	ssyncset.done $0x0  }
0xa9: {  	[sflag:s19] =	ssyncadd.s32 $0xFFFFFF00  }
0xaa: {  	[tilespmem:s24], [sflag:$0x2] =	stream.indirect.gather [hbm4b:s4+s21], $0x80, s23, s21, $0xb8;
	[tilespmem:$0x1C200] =	vst v63  }
0xab: {  	_ =	swait.ge [sflag:s25], $0x4000  }
0xac: {  	[sflag:s25] =	ssyncset.done $0x0  }
0xad: {  	[sflag:s25] =	ssyncadd.s32 $0xFFFFC000  }
0xae: {  	[spmem:s2] =	stream.indirect.scatter.add.f32 [tilespmem:s22], [sflag:$0x3], $0x80, s26, s21, $0xb8;
	[tilespmem:$0x1C200] =	vst v63  }
0xaf: {  	_ =	swait.ge [sflag:s28], $0x4000  }
0xb0: {  	[sflag:s28] =	ssyncset.done $0x0  }
0xb1: {  	s6 =	sadd.s32 $0x1400, s9;
	[sflag:s28] =	ssyncadd.s32 $0xFFFFC000  }
0xb2: {  	[tilespmem:s20], [sflag:$0x5] =	stream.linear.gather [hbm4b:s6+s3], $0x100, $0x38;
	[tilespmem:$0x1C200] =	vst v63  }
0xb3: {  	_ =	swait.ge [sflag:s19], $0x100  }
0xb4: {  	[sflag:s19] =	ssyncset.done $0x0  }
0xb5: {  	[sflag:s19] =	ssyncadd.s32 $0xFFFFFF00  }
0xb6: {  	[tilespmem:s22], [sflag:$0x1] =	stream.indirect.gather [hbm4b:s4+s21], $0x80, s20, s21, $0xb8;
	[tilespmem:$0x1C200] =	vst v63  }
0xb7: {  	_ =	swait.ge [sflag:s29], $0x4000  }
0xb8: {  	[sflag:s29] =	ssyncset.done $0x0  }
0xb9: {  	s6 =	simm.s32 $0xFFFFECC0;
	[sflag:s29] =	ssyncadd.s32 $0xFFFFC000  }
.LBB2_3:
0xba: {  	[spmem:s2] =	stream.indirect.scatter.add.f32 [tilespmem:s24], [sflag:$0x4], $0x80, s30, s21, $0xb8;
	[tilespmem:$0x1C200] =	vst v63  }
0xbb: {  	s7 =	smov.u32 s6  }
0xbc: {  	p1 =	seq.s32 s6, $0xFFFFFFC0;
	s6 =	sadd.s32 $0x40, s6;
	_ =	swait.ge [sflag:s31], $0x4000  }
0xbd: {  	s7 =	sadd.s32 s7, s10;
	[sflag:s31] =	ssyncset.done $0x0  }
0xbe: {  	s9 =	sadd.s32 $0x13E0, s7;
	[sflag:s31] =	ssyncadd.s32 $0xFFFFC000  }
0xbf: {  	[tilespmem:s23], [sflag:$0x5] =	stream.linear.gather [hbm4b:s9+s3], $0x100, $0x38;
	[tilespmem:$0x1C200] =	vst v63  }
0xc0: {  	_ =	swait.ge [sflag:s19], $0x100  }
0xc1: {  	[sflag:s19] =	ssyncset.done $0x0  }
0xc2: {  	[sflag:s19] =	ssyncadd.s32 $0xFFFFFF00  }
0xc3: {  	[tilespmem:s24], [sflag:$0x2] =	stream.indirect.gather [hbm4b:s4+s21], $0x80, s23, s21, $0xb8;
	[tilespmem:$0x1C200] =	vst v63  }
0xc4: {  	_ =	swait.ge [sflag:s25], $0x4000  }
0xc5: {  	[sflag:s25] =	ssyncset.done $0x0  }
0xc6: {  	[sflag:s25] =	ssyncadd.s32 $0xFFFFC000  }
0xc7: {  	[spmem:s2] =	stream.indirect.scatter.add.f32 [tilespmem:s22], [sflag:$0x3], $0x80, s26, s21, $0xb8;
	[tilespmem:$0x1C200] =	vst v63  }
0xc8: {  	_ =	swait.ge [sflag:s28], $0x4000  }
0xc9: {  	[sflag:s28] =	ssyncset.done $0x0  }
0xca: {  	s7 =	sadd.s32 $0x1400, s7;
	[sflag:s28] =	ssyncadd.s32 $0xFFFFC000  }
0xcb: {  	[tilespmem:s20], [sflag:$0x5] =	stream.linear.gather [hbm4b:s7+s3], $0x100, $0x38;
	[tilespmem:$0x1C200] =	vst v63  }
0xcc: {  	_ =	swait.ge [sflag:s19], $0x100  }
0xcd: {  	[sflag:s19] =	ssyncset.done $0x0  }
.Ltmp5:
0xce: {  	[sflag:s19] =	ssyncadd.s32 $0xFFFFFF00;
	(pc) =	sbr.rel @!p1 .LBB2_3-.Ltmp5, $4  }
0xcf: {  	[tilespmem:s22], [sflag:$0x1] =	stream.indirect.gather [hbm4b:s4+s21], $0x80, s20, s21, $0xb8;
	[tilespmem:$0x1C200] =	vst v63  }
0xd0: {  	_ =	swait.ge [sflag:s29], $0x4000  }
0xd1: {  	[sflag:s29] =	ssyncset.done $0x0  }
0xd2: {  	[sflag:s29] =	ssyncadd.s32 $0xFFFFC000  }
0xd3: {  	[spmem:s2] =	stream.indirect.scatter.add.f32 [tilespmem:s24], [sflag:$0x4], $0x80, s30, s21, $0xb8;
	[tilespmem:$0x1C200] =	vst v63  }
0xd4: {  	_ =	swait.ge [sflag:s31], $0x4000  }
0xd5: {  	[sflag:s31] =	ssyncset.done $0x0  }
0xd6: {  	[sflag:s31] =	ssyncadd.s32 $0xFFFFC000  }
0xd7: {  	[tilespmem:s23], [sflag:$0x5] =	stream.linear.gather [hbm4b:s15+s3], $0x100, $0x38;
	[tilespmem:$0x1C200] =	vst v63  }
0xd8: {  	_ =	swait.ge [sflag:s19], $0x100  }
0xd9: {  	[sflag:s19] =	ssyncset.done $0x0  }
0xda: {  	[sflag:s19] =	ssyncadd.s32 $0xFFFFFF00  }
0xdb: {  	[tilespmem:s24], [sflag:$0x2] =	stream.indirect.gather [hbm4b:s4+s21], $0x80, s23, s21, $0xb8;
	[tilespmem:$0x1C200] =	vst v63  }
0xdc: {  	_ =	swait.ge [sflag:s25], $0x4000  }
0xdd: {  	[sflag:s25] =	ssyncset.done $0x0  }
0xde: {  	[sflag:s25] =	ssyncadd.s32 $0xFFFFC000  }
0xdf: {  	[spmem:s2] =	stream.indirect.scatter.add.f32 [tilespmem:s22], [sflag:$0x3], $0x80, s26, s21, $0xb8;
	[tilespmem:$0x1C200] =	vst v63  }
.Ltmp6:
0xe0: {  	_ = 	snop;
	(pc) =	sbr.rel .LBB2_8-.Ltmp6, $4  }
0xe1: {  	_ =	swait.ge [sflag:s29], $0x4000  }
0xe2: {  	[sflag:s29] =	ssyncset.done $0x0  }
0xe3: {  	s6 =	rddreg [dreg:$0x3];
	[sflag:s29] =	ssyncadd.s32 $0xFFFFC000  }
0xe4: {  	[spmem:s2] =	stream.indirect.scatter.add.f32 [tilespmem:s24], [sflag:$0x4], $0x80, s30, s21, $0xb8;
	[tilespmem:$0x1C200] =	vst v63  }
.LBB2_9:
0xe5: {  	_ =	sfence.sel $0x180000  }
0xe6: {  	[bflag:$0x0] =	sbarrier.arrive $0xFFFF  }
0xe7: {  	_ =	strace $0x9000004D  }
0xe8: {  	s0 =	stileid.u32;
	[bflag:$0x2] =	sbarrier.arrive $0xFFFF  }
0xe9: {  	p0 =	sne.s32 s0, $0x0;
	s0 =	rddreg [dreg:$0x2]  }
0xea: {  	s0 =	sadd.s32 @!p0 $0x100000, s0  }
0xeb: {  	[sflag:s0] =	ssyncadd.tile.s32 @!p0 $0x1;
	_ =	shalt  }
.Lfunc_end2:
_tile_overlayer_lowered:
.L_overlay_start_2:
0xec: {  	(tag) =	ssettag $0x2  }
0xed: {  	s0 =	rddreg [dreg:$0x0];
	s2 =	stileid.u32  }
0xee: {  	s1 =	rddreg [dreg:$0x1];
	p0 =	sne.s32 s2, $0x0  }
0xef: {  	s3 =	rddreg [dreg:$0x2];
	[bflag:$0x3] =	sbarrier.arrive $0xFFFF;
	s2 =	simm.s32 @!p0 $0x1C05  }
0xf0: {  	[timem:s3], [sflag:s2] =	dma.local @!p0 [hbm:s0], s1  }
0xf1: {  	s0 =	simm.s32 @!p0 $0x5  }
0xf2: {  	_ =	swait.ge @!p0 [sflag:s0], s1  }
0xf3: {  	s1 =	ssub.s32 @!p0 $0x0, s1;
	[sflag:s0] =	ssyncset.done @!p0 $0x0  }
0xf4: {  	[sflag:s0] =	ssyncadd.s32 @!p0 s1  }
0xf5: {  	[bflag:$0x3] =	sbarrier.arrive $0xFFFF  }
0xf6: {  	_ =	shalt  }

// kernel: kernel.16.cloned.1.call-start
scs
__scs_entry_jumppad:
0x0: {  	(pc) =	sbr.rel $0x88, $3  }
0x1: {  	(tag) =	ssettag $0x0;
	lr =	simm.s32 $0x1  }
0x2: {  	[smem:$0x3F8F] =	sst lr;
	_ =	strace $0xD0000000  }
0x3: {  	_ = 	snop  }
0x4: {  	_ = 	snop  }
0x5: {  	_ = 	snop  }
0x6: {  	_ = 	snop  }
0x7: {  	_ = 	snop  }
__scs_overlays_trampoline_lowered:
0x8: {  	[smem:$0x3F9E] =	sst s0  }
0x9: {  	[smem:$0x3F9F] =	sst s1  }
0xa: {  	[smem:$0x3FA0] =	sst s2  }
0xb: {  	[smem:$0x3FA1] =	sst s3  }
0xc: {  	[smem:$0x3FA2] =	sst s4  }
0xd: {  	[smem:$0x3FA3] =	sst s5  }
0xe: {  	[smem:$0x3FA4] =	sst s6  }
0xf: {  	[smem:$0x3FA5] =	sst s7  }
0x10: {  	[smem:$0x3FA6] =	sst s8  }
0x11: {  	[smem:$0x3FA7] =	sst s9;
	s0 =	simm.s32 @!p0 $0x0  }
0x12: {  	s1 =	sld [smem:$0x3F8D];
	s0 =	simm.s32 @p0 $0x1  }
0x13: {  	[smem:$0x3FA8] =	sst s0;
	s0 =	simm.s32 @!p1 $0x0  }
0x14: {  	s2 =	sld [smem:$0x3F8C];
	s0 =	simm.s32 @p1 $0x1  }
0x15: {  	[smem:$0x3FA9] =	sst s0;
	s0 =	simm.s32 @!p2 $0x0  }
0x16: {  	s3 =	sld [smem:$0x3FDB];
	s0 =	simm.s32 @p2 $0x1  }
0x17: {  	s4 =	simm.s32 $0x1BF5;
	[smem:$0x3FAB] =	sst s0  }
0x18: {  	s0 =	sld [smem:$0x3F8E];
	_ =	swait.ge [sflag:s4], $0x0  }
0x19: {  	s7 =	sld [smem:$0x3F8F]  }
0x1a: {  	s8 =	sadd.s32 $0xFFFFE003, lr  }
0x1b: {  	s9 =	sadd.s32 $0xFFFFFEF7, lr;
	s5 =	simm.s32 $0xFFFFFFFF;
	p2 =	slt.u32 s8, $0xFFFFF086  }
0x1c: {  	p1 =	slt.u32 s9, $0xF7A;
	s5 =	simm.s32 @!p2 $0x0  }
0x1d: {  	s5 =	simm.s32 @p1 $0x1;
	p0 =	seq.s32 s7, s2  }
0x1e: {  	s7 =	smul.u32 @!p0 $0xF7A, s2;
	p2 =	seq.s32 @!p0 s5, $0x0  }
0x1f: {  	s9 =	smul.u32 $0xF7A, s1;
	s8 =	simm.s32 @!p0 $0x1BF5;
	p2 =	por !p2, p0  }
0x20: {  	[sflag:s8] =	ssyncset.s32 @!p0 $0xFFFFF086;
	s6 =	sadd.s32 @!p0 s3, s7;
	s7 =	simm.s32 @!p0 $0x108  }
0x21: {  	s3 =	sadd.s32 s3, s9;
	s6 =	sadd.s32 @!p0 $0x88, s6;
	s7 =	simm.s32 @p2 $0x1082  }
0x22: {  	[simem:s7], [sflag:s8] =	dma.local @!p0 [hbm:s6], $0xF7A  }
0x23: {  	s9 =	sor.u32 $0xD0000000, s2;
	s6 =	simm.s32 $0x108;
	_ =	swait.ge @!p0 [sflag:s8], $0x0  }
0x24: {  	s3 =	sadd.s32 $0x88, s3;
	s6 =	simm.s32 @!p1 $0x1082;
	[sflag:s4] =	ssyncset.s32 $0xFFFFF086  }
0x25: {  	[simem:s6], [sflag:s4] =	dma.local [hbm:s3], $0xF7A  }
0x26: {  	[smem:$0x3F8F] =	sst s1;
	(tag) =	ssettag s2;
	_ =	strace s9  }
0x27: {  	s1 =	sld [smem:$0x3F9F]  }
0x28: {  	s2 =	sld [smem:$0x3FA0]  }
0x29: {  	s4 =	sld [smem:$0x3FA2]  }
0x2a: {  	p0 =	seq.s32 s5, $0x0;
	s5 =	sld [smem:$0x3FA3]  }
0x2b: {  	s6 =	sld [smem:$0x3FA4]  }
0x2c: {  	s7 =	sld [smem:$0x3FA5]  }
0x2d: {  	s3 =	simm.s32 $0x108;
	s8 =	sld [smem:$0x3FA6]  }
0x2e: {  	s3 =	simm.s32 @!p0 $0x1082;
	s9 =	sld [smem:$0x3FA7]  }
0x2f: {  	lr =	sadd.s32 s0, s3;
	s0 =	sld [smem:$0x3F9E]  }
0x30: {  	s3 =	sld [smem:$0x3FA1]  }
0x31: {  	[smem:$0x3FAA] =	sst s10  }
0x32: {  	s10 =	sld [smem:$0x3FA8];
	_ =	sdelay $0x3  }
0x33: {  	p0 =	seq.s32 s10, $0x1;
	s10 =	sld [smem:$0x3FAA];
	_ =	sdelay $0x3  }
0x34: {  	[smem:$0x3FAA] =	sst s10  }
0x35: {  	s10 =	sld [smem:$0x3FA9];
	_ =	sdelay $0x3  }
0x36: {  	p1 =	seq.s32 s10, $0x1;
	s10 =	sld [smem:$0x3FAA];
	_ =	sdelay $0x3  }
0x37: {  	[smem:$0x3FAA] =	sst s10  }
0x38: {  	s10 =	sld [smem:$0x3FAB]  }
0x39: {  	_ = 	snop;
	(pc) =	sbr.ind lr, $3  }
0x3a: {  	_ = 	snop  }
0x3b: {  	_ = 	snop  }
0x3c: {  	p2 =	seq.s32 s10, $0x1;
	s10 =	sld [smem:$0x3FAA]  }
0x3d: {  	_ =	shalt  }
0x3e: {  	_ =	shalt  }
0x3f: {  	_ =	shalt  }
0x40: {  	_ =	shalt  }
0x41: {  	_ =	shalt  }
0x42: {  	_ =	shalt  }
0x43: {  	_ =	shalt  }
0x44: {  	_ =	shalt  }
0x45: {  	_ =	shalt  }
0x46: {  	_ =	shalt  }
0x47: {  	_ =	shalt  }
0x48: {  	_ =	shalt  }
0x49: {  	_ =	shalt  }
0x4a: {  	_ =	shalt  }
0x4b: {  	_ =	shalt  }
0x4c: {  	_ =	shalt  }
0x4d: {  	_ =	shalt  }
0x4e: {  	_ =	shalt  }
0x4f: {  	_ =	shalt  }
0x50: {  	_ =	shalt  }
0x51: {  	_ =	shalt  }
0x52: {  	_ =	shalt  }
0x53: {  	_ =	shalt  }
0x54: {  	_ =	shalt  }
0x55: {  	_ =	shalt  }
0x56: {  	_ =	shalt  }
0x57: {  	_ =	shalt  }
0x58: {  	_ =	shalt  }
0x59: {  	_ =	shalt  }
0x5a: {  	_ =	shalt  }
0x5b: {  	_ =	shalt  }
0x5c: {  	_ =	shalt  }
0x5d: {  	_ =	shalt  }
0x5e: {  	_ =	shalt  }
0x5f: {  	_ =	shalt  }
0x60: {  	_ =	shalt  }
0x61: {  	_ =	shalt  }
0x62: {  	_ =	shalt  }
0x63: {  	_ =	shalt  }
0x64: {  	_ =	shalt  }
0x65: {  	_ =	shalt  }
0x66: {  	_ =	shalt  }
0x67: {  	_ =	shalt  }
0x68: {  	_ =	shalt  }
0x69: {  	_ =	shalt  }
0x6a: {  	_ =	shalt  }
0x6b: {  	_ =	shalt  }
0x6c: {  	_ =	shalt  }
0x6d: {  	_ =	shalt  }
0x6e: {  	_ =	shalt  }
0x6f: {  	_ =	shalt  }
0x70: {  	_ =	shalt  }
0x71: {  	_ =	shalt  }
0x72: {  	_ =	shalt  }
0x73: {  	_ =	shalt  }
0x74: {  	_ =	shalt  }
0x75: {  	_ =	shalt  }
0x76: {  	_ =	shalt  }
0x77: {  	_ =	shalt  }
0x78: {  	_ =	shalt  }
0x79: {  	_ =	shalt  }
0x7a: {  	_ =	shalt  }
0x7b: {  	_ =	shalt  }
0x7c: {  	_ =	shalt  }
0x7d: {  	_ =	shalt  }
0x7e: {  	_ =	shalt  }
0x7f: {  	_ =	shalt  }
0x80: {  	_ =	shalt  }
0x81: {  	_ =	shalt  }
0x82: {  	_ =	shalt  }
0x83: {  	_ =	shalt  }
0x84: {  	_ =	shalt  }
0x85: {  	_ =	shalt  }
0x86: {  	_ =	shalt  }
0x87: {  	_ =	shalt  }
.Lfunc_end0:
.L_simem_size_0:
called_computation.2_lowered:
.L_overlay_start_0:
0x88: {  	s2 =	sld [smem:$0x3FD9]  }
0x89: {  	s3 =	sld [smem:$0x3FFE];
	_ =	sdelay $0x1  }
0x8a: {  	s1 =	srdreg.scid  }
0x8b: {  	s0 =	sand.u32 $0x1, s1  }
0x8c: {  	s16 =	sshll.u32 s0, $0xA;
	s2 =	sadd.s32 s3, s2  }
0x8d: {  	s2 =	sadd.s32 s2, s16  }
0x8e: {  	[smem:$0x3FB6] =	sst s2  }
0x8f: {  	_ = 	snop  }
0x90: {  	(tm) =	ssettm $0x1  }
0x91: {  	s17 =	sld [smem:$0x3FFB];
	_ =	sdelay $0x3  }
0x92: {  	_ =	strace s17  }
0x93: {  	s2 =	sld [smem:$0x3FFC];
	_ =	sdelay $0x3  }
0x94: {  	_ =	strace s2  }
0x95: {  	s2 =	sld [smem:$0x3FFD];
	_ =	sdelay $0x3  }
0x96: {  	_ =	strace s2  }
0x97: {  	_ =	strace $0x8FFFFFFF  }
0x98: {  	s18 =	sld [smem:$0x3FDB];
	_ =	sdelay $0x1  }
0x99: {  	s19 =	simm.s32 $_scs_section_size  }
0x9a: {  	s4 =	simm.s32 $_size__tile_overlayer_lowered;
	s5 =	simm.s32 $_tile_overlayer_lowered  }
0x9b: {  	s22 =	simm.s32 $0x1BFF;
	s21 =	sshll.u32 s5, $0x1;
	s2 =	sadd.s32 s19, s18  }
0x9c: {  	s6 =	simm.s32 $0x0;
	s20 =	sshll.u32 s4, $0x1;
	s4 =	sadd.s32 s21, s2  }
0x9d: {  	[timem:s6], [sflag:s22] =	dma.local [hbm:s4], s20  }
0x9e: {  	_ =	swait.ge [sflag:s22], s20  }
0x9f: {  	s3 =	ssub.s32 $0x0, s20;
	[sflag:s22] =	ssyncset.done $0x0  }
0xa0: {  	[sflag:s22] =	ssyncadd.s32 s3;
	_ =	sdelay $0x1  }
0xa1: {  	s23 =	simm.s32 $0x1B8B  }
0xa2: {  	_ =	swait.ge [sflag:s23], $0x1  }
0xa3: {  	[sflag:s23] =	ssyncset.done $0x0  }
0xa4: {  	s25 =	simm.s32 $0x1B8E;
	s24 =	sld [smem:$0x3FFE];
	[sflag:s23] =	ssyncadd.s32 $0xFFFFFFFF  }
0xa5: {  	s26 =	simm.s32 $execute0_lowered;
	[smem:$0x3FD2] =	sst s25  }
0xa6: {  	s4 =	sshll.u32 s26, $0x1;
	_ =	strace $0x80000049;
	[dreg:$0x1] =	wrdreg $0xFFFFFFFF  }
0xa7: {  	s28 =	simm.s32 $_size_execute0_lowered;
	s2 =	sadd.s32 s2, s4;
	[dreg:$0x0] =	wrdreg $0x0  }
0xa8: {  	s4 =	sshll.u32 s28, $0x1;
	[dreg:$0x2] =	wrdreg s2  }
0xa9: {  	[dreg:$0x3] =	wrdreg s4  }
0xaa: {  	[dreg:$0x4] =	wrdreg $0xC0  }
0xab: {  	_ =	task [dreg:s6], $0x5FFFF  }
0xac: {  	[dreg:$0x1] =	wrdreg $0xFFFFFFFF  }
0xad: {  	[dreg:$0x0] =	wrdreg $0x60  }
0xae: {  	[dreg:$0x2] =	wrdreg s24  }
0xaf: {  	[dreg:$0x3] =	wrdreg $0x0  }
0xb0: {  	[dreg:$0x4] =	wrdreg $0xA  }
0xb1: {  	_ =	task.clear_ibuf [dreg:s6], $0x5FFFF;
	_ =	strace $0x90000049  }
0xb2: {  	s29 =	simm.s32 $0xA;
	_ =	strace $0x8000004B  }
0xb3: {  	_ =	swait.ge [sflag:s29], $0x1  }
0xb4: {  	[sflag:s29] =	ssyncadd.s32 $0xFFFFFFFF  }
0xb5: {  	_ =	strace $0x9000004B  }
0xb6: {  	_ =	sfence  }
0xb7: {  	s30 =	sld [smem:$0x0];
	_ =	sdelay $0x2  }
0xb8: {  	s31 =	sshll.u32 s1, $0xD;
	s1 =	sshrl.u32 s1, $0x2  }
0xb9: {  	s3 =	sand.u32 $0x4000, s31;
	s1 =	sadd.s32 s1, s30  }
0xba: {  	s0 =	sor.u32 s3, s0;
	s1 =	sshll.u32 s1, $0x11  }
0xbb: {  	s0 =	sor.u32 s1, s0  }
0xbc: {  	s0 =	sadd.s32 $0x8F2B, s0  }
0xbd: {  	[sflag:s0] =	ssyncadd.remote.s32 $0x1  }
0xbe: {  	_ =	sfence.sel $0xFFFF  }
0xbf: {  	[dreg:$0x0] =	wrdreg $0xFFFFFFFF;
	(pc) =	sbr.abs _section_cstart, $3  }
0xc0: {  	[dreg:$0x1] =	wrdreg $0xFFFFFFFF  }
0xc1: {  	_ =	task.clear_ibuf [dreg:s6], $0x2FFFF;
	_ =	strace $0x9FFFFFFF  }
0xc2: {  	(tm) =	ssettm $0x7FFFFFFF  }
0xc3: {  	_ =	shalt  }
tec
execute0_lowered:
.L_overlay_start_1:
0x0: {  	(tag) =	ssettag $0x1  }
0x1: {  	s0 =	rddreg [dreg:$0x0]  }
0x2: {  	s2 =	rddreg [dreg:$0x1];
	s3 =	simm.s32 $0x0;
	s7 =	stileid.u32  }
0x3: {  	s6 =	srdreg.scid;
	s19 =	simm.s32 $0x5;
	s20 =	simm.s32 $0x14000  }
0x4: {  	s21 =	simm.s32 $0x80;
	s22 =	simm.s32 $0x14200;
	s23 =	simm.s32 $0x14100  }
0x5: {  	s28 =	simm.s32 $0x3;
	s29 =	simm.s32 $0x2;
	s30 =	simm.s32 $0x14180  }
0x6: {  	s31 =	simm.s32 $0x4;
	[smem:$0x7FF] =	sst s3;
	s1 =	smul.u32 $0x1400, s7  }
0x7: {  	s4 =	sadd.s32 $0x55200, s0;
	s5 =	sadd.s32 $0x2D200, s0;
	s6 =	sand.u32 $0x1, s6  }
0x8: {  	s8 =	sadd.s32 $0x7D200, s0;
	s10 =	smul.u32 $0x50000, s7;
	s16 =	sshll.u32 s7, $0x6  }
0x9: {  	_ =	strace $0x8000004A;
	[dreg:$0x3] =	wrdreg s8;
	s9 =	ssub.s32 $0x2, s6  }
0xa: {  	s8 =	smul.u32 $0x2800, s7;
	p0 =	seq.s32 s6, $0x1;
	s1 =	sadd.s32 s1, s0  }
0xb: {  	s0 =	sadd.s32 $0xCD200, s0;
	s24 =	sshrl.u32 s9, $0x1;
	s25 =	sshrl.u32 s10, $0x2  }
0xc: {  	[dreg:$0x4] =	wrdreg s0;
	s0 =	ssub.s32 s9, s24;
	s6 =	sadd.s32 s25, s2  }
.Ltmp0:
0xd: {  	s26 =	sadd.s32 s4, s8;
	s10 =	sadd.s32 $0x19200, s1;
	(pc) =	sbr.rel .LBB2_1-.Ltmp0, $4  }
0xe: {  	s11 =	sadd.s32 s5, s8;
	s13 =	sadd.s32 $0x19220, s1;
	s14 =	sadd.s32 $0x19240, s1  }
0xf: {  	s15 =	sadd.s32 $0x1A5E0, s1;
	s1 =	sor.u32 $0x1C05, s16;
	s24 =	simm.s32 $0x18200  }
0x10: {  	s25 =	simm.s32 $0x1;
	[dreg:$0x5] =	wrdreg s26;
	s12 =	smax.u32 s0, $0x1  }
0x11: {  	s18 =	sshrl.u32 s6, $0x3;
	s26 =	simm.s32 $0x14080;
	s0 =	simm.s32 $0x0  }
.LBB2_7:
0x12: {  	[spmem:s2] =	stream.indirect.scatter.add.f32 [tilespmem:s24], [sflag:$0x4], $0x80, s30, s21, $0xb8;
	[tilespmem:$0x1C200] =	vst v63  }
0x13: {  	_ =	swait.ge [sflag:s31], $0x4000  }
0x14: {  	[sflag:s31] =	ssyncset.done $0x0  }
0x15: {  	[sflag:s31] =	ssyncadd.s32 $0xFFFFC000  }
0x16: {  	[tilespmem:s23], [sflag:$0x5] =	stream.linear.gather [hbm4b:s15+s3], $0x100, $0x38;
	[tilespmem:$0x1C200] =	vst v63  }
0x17: {  	_ =	swait.ge [sflag:s19], $0x100  }
0x18: {  	[sflag:s19] =	ssyncset.done $0x0  }
0x19: {  	[sflag:s19] =	ssyncadd.s32 $0xFFFFFF00  }
0x1a: {  	[tilespmem:s24], [sflag:$0x2] =	stream.indirect.gather [hbm4b:s5+s21], $0x80, s23, s21, $0xb8;
	[tilespmem:$0x1C200] =	vst v63  }
0x1b: {  	_ =	swait.ge [sflag:s25], $0x4000  }
0x1c: {  	[sflag:s25] =	ssyncset.done $0x0  }
0x1d: {  	[sflag:s25] =	ssyncadd.s32 $0xFFFFC000  }
0x1e: {  	[spmem:s2] =	stream.indirect.scatter.add.f32 [tilespmem:s22], [sflag:$0x3], $0x80, s26, s21, $0xb8;
	[tilespmem:$0x1C200] =	vst v63  }
0x1f: {  	_ =	swait.ge [sflag:s29], $0x4000  }
0x20: {  	[sflag:s29] =	ssyncset.done $0x0  }
0x21: {  	s17 =	smov.u32 s1;
	s6 =	rddreg [dreg:$0x4];
	[sflag:s29] =	ssyncadd.s32 $0xFFFFC000  }
0x22: {  	[spmem:s2] =	stream.indirect.scatter.add.f32 [tilespmem:s24], [sflag:$0x4], $0x80, s30, s21, $0xb8;
	[tilespmem:$0x1C200] =	vst v63  }
.LBB2_8:
0x23: {  	_ =	swait.ge [sflag:s28], $0x4000  }
0x24: {  	[sflag:s28] =	ssyncset.done $0x0  }
0x25: {  	[sflag:s28] =	ssyncadd.s32 $0xFFFFC000  }
0x26: {  	_ =	swait.ge [sflag:s31], $0x4000  }
0x27: {  	s0 =	sadd.s32 $0x1, s0;
	[sflag:s31] =	ssyncset.done $0x0  }
0x28: {  	p1 =	sne.s32 s0, s12;
	[sflag:s31] =	ssyncadd.s32 $0xFFFFC000  }
.Ltmp1:
0x29: {  	s6 =	sadd.s32 s6, s8;
	[bflag:$0x0] =	sbarrier.arrive $0xFFFF;
	(pc) =	sbr.rel @!p1 .LBB2_9-.Ltmp1, $4  }
0x2a: {  	[hbm:s6], [sflag:s17] =	dma.local [spmem:s18], $0x2800  }
0x2b: {  	_ =	swait.ge [sflag:s19], $0x2800  }
0x2c: {  	[sflag:s19] =	ssyncset.done $0x0  }
0x2d: {  	[sflag:s19] =	ssyncadd.s32 $0xFFFFD800  }
.LBB2_1:
.Ltmp2:
0x2e: {  	(pc) =	sbr.rel @!p0 .LBB2_2-.Ltmp2, $1  }
0x2f: {  	_ =	sdelay $0x3  }
0x30: {  	[spmem:s18], [sflag:s1] =	dma.local [hbm:s11], $0x2800  }
0x31: {  	_ =	swait.ge [sflag:s19], $0x2800  }
0x32: {  	[sflag:s19] =	ssyncset.done $0x0  }
0x33: {  	[sflag:s19] =	ssyncadd.s32 $0xFFFFD800  }
0x34: {  	[bflag:$0x0] =	sbarrier.arrive $0xFFFF  }
0x35: {  	[tilespmem:s20], [sflag:$0x5] =	stream.linear.gather [hbm4b:s10+s3], $0x100, $0x38;
	[tilespmem:$0x1C200] =	vst v63  }
0x36: {  	_ =	swait.ge [sflag:s19], $0x100  }
0x37: {  	[sflag:s19] =	ssyncset.done $0x0  }
0x38: {  	[sflag:s19] =	ssyncadd.s32 $0xFFFFFF00  }
0x39: {  	[tilespmem:s22], [sflag:$0x1] =	stream.indirect.gather [hbm4b:s5+s21], $0x80, s20, s21, $0xb8;
	[tilespmem:$0x1C200] =	vst v63  }
0x3a: {  	_ = 	snop  }
0x3b: {  	[tilespmem:s23], [sflag:$0x5] =	stream.linear.gather [hbm4b:s13+s3], $0x100, $0x38;
	[tilespmem:$0x1C200] =	vst v63  }
0x3c: {  	_ =	swait.ge [sflag:s19], $0x100  }
0x3d: {  	[sflag:s19] =	ssyncset.done $0x0  }
0x3e: {  	[sflag:s19] =	ssyncadd.s32 $0xFFFFFF00  }
0x3f: {  	[tilespmem:s24], [sflag:$0x2] =	stream.indirect.gather [hbm4b:s5+s21], $0x80, s23, s21, $0xb8;
	[tilespmem:$0x1C200] =	vst v63  }
0x40: {  	_ =	swait.ge [sflag:s25], $0x4000  }
0x41: {  	[sflag:s25] =	ssyncset.done $0x0  }
0x42: {  	[sflag:s25] =	ssyncadd.s32 $0xFFFFC000  }
0x43: {  	[spmem:s2] =	stream.indirect.scatter.add.f32 [tilespmem:s22], [sflag:$0x3], $0x80, s26, s21, $0xb8;
	[tilespmem:$0x1C200] =	vst v63  }
0x44: {  	_ =	swait.ge [sflag:s28], $0x4000  }
0x45: {  	[sflag:s28] =	ssyncset.done $0x0  }
0x46: {  	[sflag:s28] =	ssyncadd.s32 $0xFFFFC000  }
0x47: {  	[tilespmem:s20], [sflag:$0x5] =	stream.linear.gather [hbm4b:s14+s3], $0x100, $0x38;
	[tilespmem:$0x1C200] =	vst v63  }
0x48: {  	_ =	swait.ge [sflag:s19], $0x100  }
0x49: {  	[sflag:s19] =	ssyncset.done $0x0  }
0x4a: {  	[sflag:s19] =	ssyncadd.s32 $0xFFFFFF00  }
0x4b: {  	[tilespmem:s22], [sflag:$0x1] =	stream.indirect.gather [hbm4b:s5+s21], $0x80, s20, s21, $0xb8;
	[tilespmem:$0x1C200] =	vst v63  }
0x4c: {  	_ =	swait.ge [sflag:s29], $0x4000  }
0x4d: {  	[sflag:s29] =	ssyncset.done $0x0  }
0x4e: {  	[sflag:s29] =	ssyncadd.s32 $0xFFFFC000  }
0x4f: {  	[spmem:s2] =	stream.indirect.scatter.add.f32 [tilespmem:s24], [sflag:$0x4], $0x80, s30, s21, $0xb8;
	[tilespmem:$0x1C200] =	vst v63  }
0x50: {  	_ =	swait.ge [sflag:s31], $0x4000  }
0x51: {  	s6 =	sadd.s32 $0xFFFFEC80, s10;
	[sflag:s31] =	ssyncset.done $0x0  }
0x52: {  	s7 =	sadd.s32 $0x13E0, s6;
	[sflag:s31] =	ssyncadd.s32 $0xFFFFC000  }
0x53: {  	[tilespmem:s23], [sflag:$0x5] =	stream.linear.gather [hbm4b:s7+s3], $0x100, $0x38;
	[tilespmem:$0x1C200] =	vst v63  }
0x54: {  	_ =	swait.ge [sflag:s19], $0x100  }
0x55: {  	[sflag:s19] =	ssyncset.done $0x0  }
0x56: {  	[sflag:s19] =	ssyncadd.s32 $0xFFFFFF00  }
0x57: {  	[tilespmem:s24], [sflag:$0x2] =	stream.indirect.gather [hbm4b:s5+s21], $0x80, s23, s21, $0xb8;
	[tilespmem:$0x1C200] =	vst v63  }
0x58: {  	_ =	swait.ge [sflag:s25], $0x4000  }
0x59: {  	[sflag:s25] =	ssyncset.done $0x0  }
0x5a: {  	[sflag:s25] =	ssyncadd.s32 $0xFFFFC000  }
0x5b: {  	[spmem:s2] =	stream.indirect.scatter.add.f32 [tilespmem:s22], [sflag:$0x3], $0x80, s26, s21, $0xb8;
	[tilespmem:$0x1C200] =	vst v63  }
0x5c: {  	_ =	swait.ge [sflag:s28], $0x4000  }
0x5d: {  	[sflag:s28] =	ssyncset.done $0x0  }
0x5e: {  	s6 =	sadd.s32 $0x1400, s6;
	[sflag:s28] =	ssyncadd.s32 $0xFFFFC000  }
0x5f: {  	[tilespmem:s20], [sflag:$0x5] =	stream.linear.gather [hbm4b:s6+s3], $0x100, $0x38;
	[tilespmem:$0x1C200] =	vst v63  }
0x60: {  	_ =	swait.ge [sflag:s19], $0x100  }
0x61: {  	[sflag:s19] =	ssyncset.done $0x0  }
0x62: {  	[sflag:s19] =	ssyncadd.s32 $0xFFFFFF00  }
0x63: {  	[tilespmem:s22], [sflag:$0x1] =	stream.indirect.gather [hbm4b:s5+s21], $0x80, s20, s21, $0xb8;
	[tilespmem:$0x1C200] =	vst v63  }
0x64: {  	_ =	swait.ge [sflag:s29], $0x4000  }
0x65: {  	[sflag:s29] =	ssyncset.done $0x0  }
0x66: {  	s6 =	simm.s32 $0xFFFFECC0;
	[sflag:s29] =	ssyncadd.s32 $0xFFFFC000  }
.LBB2_6:
0x67: {  	[spmem:s2] =	stream.indirect.scatter.add.f32 [tilespmem:s24], [sflag:$0x4], $0x80, s30, s21, $0xb8;
	[tilespmem:$0x1C200] =	vst v63  }
0x68: {  	s7 =	smov.u32 s6  }
0x69: {  	p1 =	sne.s32 s6, $0xFFFFFFC0;
	s6 =	sadd.s32 $0x40, s6;
	_ =	swait.ge [sflag:s31], $0x4000  }
0x6a: {  	s7 =	sadd.s32 s7, s10;
	[sflag:s31] =	ssyncset.done $0x0  }
0x6b: {  	s9 =	sadd.s32 $0x13E0, s7;
	[sflag:s31] =	ssyncadd.s32 $0xFFFFC000  }
0x6c: {  	[tilespmem:s23], [sflag:$0x5] =	stream.linear.gather [hbm4b:s9+s3], $0x100, $0x38;
	[tilespmem:$0x1C200] =	vst v63  }
0x6d: {  	_ =	swait.ge [sflag:s19], $0x100  }
0x6e: {  	[sflag:s19] =	ssyncset.done $0x0  }
0x6f: {  	[sflag:s19] =	ssyncadd.s32 $0xFFFFFF00  }
0x70: {  	[tilespmem:s24], [sflag:$0x2] =	stream.indirect.gather [hbm4b:s5+s21], $0x80, s23, s21, $0xb8;
	[tilespmem:$0x1C200] =	vst v63  }
0x71: {  	_ =	swait.ge [sflag:s25], $0x4000  }
0x72: {  	[sflag:s25] =	ssyncset.done $0x0  }
0x73: {  	[sflag:s25] =	ssyncadd.s32 $0xFFFFC000  }
0x74: {  	[spmem:s2] =	stream.indirect.scatter.add.f32 [tilespmem:s22], [sflag:$0x3], $0x80, s26, s21, $0xb8;
	[tilespmem:$0x1C200] =	vst v63  }
0x75: {  	_ =	swait.ge [sflag:s28], $0x4000  }
0x76: {  	[sflag:s28] =	ssyncset.done $0x0  }
0x77: {  	s7 =	sadd.s32 $0x1400, s7;
	[sflag:s28] =	ssyncadd.s32 $0xFFFFC000  }
0x78: {  	[tilespmem:s20], [sflag:$0x5] =	stream.linear.gather [hbm4b:s7+s3], $0x100, $0x38;
	[tilespmem:$0x1C200] =	vst v63  }
0x79: {  	_ =	swait.ge [sflag:s19], $0x100  }
0x7a: {  	[sflag:s19] =	ssyncset.done $0x0  }
.Ltmp3:
0x7b: {  	[sflag:s19] =	ssyncadd.s32 $0xFFFFFF00;
	(pc) =	sbr.rel @p1 .LBB2_6-.Ltmp3, $4  }
0x7c: {  	[tilespmem:s22], [sflag:$0x1] =	stream.indirect.gather [hbm4b:s5+s21], $0x80, s20, s21, $0xb8;
	[tilespmem:$0x1C200] =	vst v63  }
0x7d: {  	_ =	swait.ge [sflag:s29], $0x4000  }
0x7e: {  	[sflag:s29] =	ssyncset.done $0x0  }
0x7f: {  	[sflag:s29] =	ssyncadd.s32 $0xFFFFC000  }
.Ltmp4:
0x80: {  	_ = 	snop;
	(pc) =	sbr.rel .LBB2_7-.Ltmp4, $1  }
0x81: {  	_ =	sdelay $0x3  }
.LBB2_2:
0x82: {  	s17 =	sor.u32 $0x1C05, s16;
	s6 =	rddreg [dreg:$0x5]  }
0x83: {  	[spmem:s18], [sflag:s17] =	dma.local [hbm:s6], $0x2800  }
0x84: {  	_ =	swait.ge [sflag:s19], $0x2800  }
0x85: {  	[sflag:s19] =	ssyncset.done $0x0  }
0x86: {  	[sflag:s19] =	ssyncadd.s32 $0xFFFFD800  }
0x87: {  	[bflag:$0x0] =	sbarrier.arrive $0xFFFF  }
0x88: {  	[tilespmem:s20], [sflag:$0x5] =	stream.linear.gather [hbm4b:s10+s3], $0x100, $0x38;
	[tilespmem:$0x1C200] =	vst v63  }
0x89: {  	_ =	swait.ge [sflag:s19], $0x100  }
0x8a: {  	[sflag:s19] =	ssyncset.done $0x0  }
0x8b: {  	[sflag:s19] =	ssyncadd.s32 $0xFFFFFF00  }
0x8c: {  	[tilespmem:s22], [sflag:$0x1] =	stream.indirect.gather [hbm4b:s4+s21], $0x80, s20, s21, $0xb8;
	[tilespmem:$0x1C200] =	vst v63  }
0x8d: {  	_ = 	snop  }
0x8e: {  	[tilespmem:s23], [sflag:$0x5] =	stream.linear.gather [hbm4b:s13+s3], $0x100, $0x38;
	[tilespmem:$0x1C200] =	vst v63  }
0x8f: {  	_ =	swait.ge [sflag:s19], $0x100  }
0x90: {  	[sflag:s19] =	ssyncset.done $0x0  }
0x91: {  	[sflag:s19] =	ssyncadd.s32 $0xFFFFFF00  }
0x92: {  	[tilespmem:s24], [sflag:$0x2] =	stream.indirect.gather [hbm4b:s4+s21], $0x80, s23, s21, $0xb8;
	[tilespmem:$0x1C200] =	vst v63  }
0x93: {  	_ =	swait.ge [sflag:s25], $0x4000  }
0x94: {  	[sflag:s25] =	ssyncset.done $0x0  }
0x95: {  	[sflag:s25] =	ssyncadd.s32 $0xFFFFC000  }
0x96: {  	[spmem:s2] =	stream.indirect.scatter.add.f32 [tilespmem:s22], [sflag:$0x3], $0x80, s26, s21, $0xb8;
	[tilespmem:$0x1C200] =	vst v63  }
0x97: {  	_ =	swait.ge [sflag:s28], $0x4000  }
0x98: {  	[sflag:s28] =	ssyncset.done $0x0  }
0x99: {  	[sflag:s28] =	ssyncadd.s32 $0xFFFFC000  }
0x9a: {  	[tilespmem:s20], [sflag:$0x5] =	stream.linear.gather [hbm4b:s14+s3], $0x100, $0x38;
	[tilespmem:$0x1C200] =	vst v63  }
0x9b: {  	_ =	swait.ge [sflag:s19], $0x100  }
0x9c: {  	[sflag:s19] =	ssyncset.done $0x0  }
0x9d: {  	[sflag:s19] =	ssyncadd.s32 $0xFFFFFF00  }
0x9e: {  	[tilespmem:s22], [sflag:$0x1] =	stream.indirect.gather [hbm4b:s4+s21], $0x80, s20, s21, $0xb8;
	[tilespmem:$0x1C200] =	vst v63  }
0x9f: {  	_ =	swait.ge [sflag:s29], $0x4000  }
0xa0: {  	[sflag:s29] =	ssyncset.done $0x0  }
0xa1: {  	[sflag:s29] =	ssyncadd.s32 $0xFFFFC000  }
0xa2: {  	[spmem:s2] =	stream.indirect.scatter.add.f32 [tilespmem:s24], [sflag:$0x4], $0x80, s30, s21, $0xb8;
	[tilespmem:$0x1C200] =	vst v63  }
0xa3: {  	_ =	swait.ge [sflag:s31], $0x4000  }
0xa4: {  	s9 =	sadd.s32 $0xFFFFEC80, s10;
	[sflag:s31] =	ssyncset.done $0x0  }
0xa5: {  	s7 =	sadd.s32 $0x13E0, s9;
	[sflag:s31] =	ssyncadd.s32 $0xFFFFC000  }
0xa6: {  	[tilespmem:s23], [sflag:$0x5] =	stream.linear.gather [hbm4b:s7+s3], $0x100, $0x38;
	[tilespmem:$0x1C200] =	vst v63  }
0xa7: {  	_ =	swait.ge [sflag:s19], $0x100  }
0xa8: {  	[sflag:s19] =	ssyncset.done $0x0  }
0xa9: {  	[sflag:s19] =	ssyncadd.s32 $0xFFFFFF00  }
0xaa: {  	[tilespmem:s24], [sflag:$0x2] =	stream.indirect.gather [hbm4b:s4+s21], $0x80, s23, s21, $0xb8;
	[tilespmem:$0x1C200] =	vst v63  }
0xab: {  	_ =	swait.ge [sflag:s25], $0x4000  }
0xac: {  	[sflag:s25] =	ssyncset.done $0x0  }
0xad: {  	[sflag:s25] =	ssyncadd.s32 $0xFFFFC000  }
0xae: {  	[spmem:s2] =	stream.indirect.scatter.add.f32 [tilespmem:s22], [sflag:$0x3], $0x80, s26, s21, $0xb8;
	[tilespmem:$0x1C200] =	vst v63  }
0xaf: {  	_ =	swait.ge [sflag:s28], $0x4000  }
0xb0: {  	[sflag:s28] =	ssyncset.done $0x0  }
0xb1: {  	s6 =	sadd.s32 $0x1400, s9;
	[sflag:s28] =	ssyncadd.s32 $0xFFFFC000  }
0xb2: {  	[tilespmem:s20], [sflag:$0x5] =	stream.linear.gather [hbm4b:s6+s3], $0x100, $0x38;
	[tilespmem:$0x1C200] =	vst v63  }
0xb3: {  	_ =	swait.ge [sflag:s19], $0x100  }
0xb4: {  	[sflag:s19] =	ssyncset.done $0x0  }
0xb5: {  	[sflag:s19] =	ssyncadd.s32 $0xFFFFFF00  }
0xb6: {  	[tilespmem:s22], [sflag:$0x1] =	stream.indirect.gather [hbm4b:s4+s21], $0x80, s20, s21, $0xb8;
	[tilespmem:$0x1C200] =	vst v63  }
0xb7: {  	_ =	swait.ge [sflag:s29], $0x4000  }
0xb8: {  	[sflag:s29] =	ssyncset.done $0x0  }
0xb9: {  	s6 =	simm.s32 $0xFFFFECC0;
	[sflag:s29] =	ssyncadd.s32 $0xFFFFC000  }
.LBB2_3:
0xba: {  	[spmem:s2] =	stream.indirect.scatter.add.f32 [tilespmem:s24], [sflag:$0x4], $0x80, s30, s21, $0xb8;
	[tilespmem:$0x1C200] =	vst v63  }
0xbb: {  	s7 =	smov.u32 s6  }
0xbc: {  	p1 =	seq.s32 s6, $0xFFFFFFC0;
	s6 =	sadd.s32 $0x40, s6;
	_ =	swait.ge [sflag:s31], $0x4000  }
0xbd: {  	s7 =	sadd.s32 s7, s10;
	[sflag:s31] =	ssyncset.done $0x0  }
0xbe: {  	s9 =	sadd.s32 $0x13E0, s7;
	[sflag:s31] =	ssyncadd.s32 $0xFFFFC000  }
0xbf: {  	[tilespmem:s23], [sflag:$0x5] =	stream.linear.gather [hbm4b:s9+s3], $0x100, $0x38;
	[tilespmem:$0x1C200] =	vst v63  }
0xc0: {  	_ =	swait.ge [sflag:s19], $0x100  }
0xc1: {  	[sflag:s19] =	ssyncset.done $0x0  }
0xc2: {  	[sflag:s19] =	ssyncadd.s32 $0xFFFFFF00  }
0xc3: {  	[tilespmem:s24], [sflag:$0x2] =	stream.indirect.gather [hbm4b:s4+s21], $0x80, s23, s21, $0xb8;
	[tilespmem:$0x1C200] =	vst v63  }
0xc4: {  	_ =	swait.ge [sflag:s25], $0x4000  }
0xc5: {  	[sflag:s25] =	ssyncset.done $0x0  }
0xc6: {  	[sflag:s25] =	ssyncadd.s32 $0xFFFFC000  }
0xc7: {  	[spmem:s2] =	stream.indirect.scatter.add.f32 [tilespmem:s22], [sflag:$0x3], $0x80, s26, s21, $0xb8;
	[tilespmem:$0x1C200] =	vst v63  }
0xc8: {  	_ =	swait.ge [sflag:s28], $0x4000  }
0xc9: {  	[sflag:s28] =	ssyncset.done $0x0  }
0xca: {  	s7 =	sadd.s32 $0x1400, s7;
	[sflag:s28] =	ssyncadd.s32 $0xFFFFC000  }
0xcb: {  	[tilespmem:s20], [sflag:$0x5] =	stream.linear.gather [hbm4b:s7+s3], $0x100, $0x38;
	[tilespmem:$0x1C200] =	vst v63  }
0xcc: {  	_ =	swait.ge [sflag:s19], $0x100  }
0xcd: {  	[sflag:s19] =	ssyncset.done $0x0  }
.Ltmp5:
0xce: {  	[sflag:s19] =	ssyncadd.s32 $0xFFFFFF00;
	(pc) =	sbr.rel @!p1 .LBB2_3-.Ltmp5, $4  }
0xcf: {  	[tilespmem:s22], [sflag:$0x1] =	stream.indirect.gather [hbm4b:s4+s21], $0x80, s20, s21, $0xb8;
	[tilespmem:$0x1C200] =	vst v63  }
0xd0: {  	_ =	swait.ge [sflag:s29], $0x4000  }
0xd1: {  	[sflag:s29] =	ssyncset.done $0x0  }
0xd2: {  	[sflag:s29] =	ssyncadd.s32 $0xFFFFC000  }
0xd3: {  	[spmem:s2] =	stream.indirect.scatter.add.f32 [tilespmem:s24], [sflag:$0x4], $0x80, s30, s21, $0xb8;
	[tilespmem:$0x1C200] =	vst v63  }
0xd4: {  	_ =	swait.ge [sflag:s31], $0x4000  }
0xd5: {  	[sflag:s31] =	ssyncset.done $0x0  }
0xd6: {  	[sflag:s31] =	ssyncadd.s32 $0xFFFFC000  }
0xd7: {  	[tilespmem:s23], [sflag:$0x5] =	stream.linear.gather [hbm4b:s15+s3], $0x100, $0x38;
	[tilespmem:$0x1C200] =	vst v63  }
0xd8: {  	_ =	swait.ge [sflag:s19], $0x100  }
0xd9: {  	[sflag:s19] =	ssyncset.done $0x0  }
0xda: {  	[sflag:s19] =	ssyncadd.s32 $0xFFFFFF00  }
0xdb: {  	[tilespmem:s24], [sflag:$0x2] =	stream.indirect.gather [hbm4b:s4+s21], $0x80, s23, s21, $0xb8;
	[tilespmem:$0x1C200] =	vst v63  }
0xdc: {  	_ =	swait.ge [sflag:s25], $0x4000  }
0xdd: {  	[sflag:s25] =	ssyncset.done $0x0  }
0xde: {  	[sflag:s25] =	ssyncadd.s32 $0xFFFFC000  }
0xdf: {  	[spmem:s2] =	stream.indirect.scatter.add.f32 [tilespmem:s22], [sflag:$0x3], $0x80, s26, s21, $0xb8;
	[tilespmem:$0x1C200] =	vst v63  }
.Ltmp6:
0xe0: {  	_ = 	snop;
	(pc) =	sbr.rel .LBB2_8-.Ltmp6, $4  }
0xe1: {  	_ =	swait.ge [sflag:s29], $0x4000  }
0xe2: {  	[sflag:s29] =	ssyncset.done $0x0  }
0xe3: {  	s6 =	rddreg [dreg:$0x3];
	[sflag:s29] =	ssyncadd.s32 $0xFFFFC000  }
0xe4: {  	[spmem:s2] =	stream.indirect.scatter.add.f32 [tilespmem:s24], [sflag:$0x4], $0x80, s30, s21, $0xb8;
	[tilespmem:$0x1C200] =	vst v63  }
.LBB2_9:
0xe5: {  	_ =	sfence.sel $0x180000  }
0xe6: {  	[bflag:$0x0] =	sbarrier.arrive $0xFFFF  }
0xe7: {  	_ =	strace $0x9000004A  }
0xe8: {  	s0 =	stileid.u32;
	[bflag:$0x2] =	sbarrier.arrive $0xFFFF  }
0xe9: {  	p0 =	sne.s32 s0, $0x0;
	s0 =	rddreg [dreg:$0x2]  }
0xea: {  	s0 =	sadd.s32 @!p0 $0x100000, s0  }
0xeb: {  	[sflag:s0] =	ssyncadd.tile.s32 @!p0 $0x1;
	_ =	shalt  }
.Lfunc_end2:
_tile_overlayer_lowered:
.L_overlay_start_2:
0xec: {  	(tag) =	ssettag $0x2  }
0xed: {  	s0 =	rddreg [dreg:$0x0];
	s2 =	stileid.u32  }
0xee: {  	s1 =	rddreg [dreg:$0x1];
	p0 =	sne.s32 s2, $0x0  }
0xef: {  	s3 =	rddreg [dreg:$0x2];
	[bflag:$0x3] =	sbarrier.arrive $0xFFFF;
	s2 =	simm.s32 @!p0 $0x1C05  }
0xf0: {  	[timem:s3], [sflag:s2] =	dma.local @!p0 [hbm:s0], s1  }
0xf1: {  	s0 =	simm.s32 @!p0 $0x5  }
0xf2: {  	_ =	swait.ge @!p0 [sflag:s0], s1  }
0xf3: {  	s1 =	ssub.s32 @!p0 $0x0, s1;
	[sflag:s0] =	ssyncset.done @!p0 $0x0  }
0xf4: {  	[sflag:s0] =	ssyncadd.s32 @!p0 s1  }
0xf5: {  	[bflag:$0x3] =	sbarrier.arrive $0xFFFF  }
0xf6: {  	_ =	shalt  }

</sc_bundles>
